<compile_context>
chip_gen: v7x
topology: tpu7x:2x2x1
jax: 0.10.2.dev20260603
libtpu: 0.0.44.dev20260713+nightly
codegen_flags: <defaults>
</compile_context>

<pallas_src>
import functools

import jax
import jax.numpy as jnp
from jax import lax
from jax.experimental import pallas as pl
from jax.experimental.pallas import tpu as pltpu
from jax.experimental.pallas import tpu_sc as plsc

SUB = 128
KB = 6


def _sc_info():
    try:
        info = plsc.get_sparse_core_info()
        return info.num_cores, info.num_subcores
    except Exception:
        return 2, 16


def _round_up(a, b):
    return (a + b - 1) // b * b


@functools.lru_cache(maxsize=None)
def _make_sc_agg(NC, NS, R2, NT, W, RPT, G):
    mesh = plsc.VectorSubcoreMesh(core_axis_name="c", subcore_axis_name="s", num_cores=NC, num_subcores=NS)
    NTS = NT // NS

    def body(ei_hbm, tab_hbm, zero_hbm, out_hbm, idx, rows, acc, gsem, ssem, isem):
        c = lax.axis_index("c")
        s = lax.axis_index("s")
        wid = s * NC + c
        pltpu.sync_copy(zero_hbm.at[pl.ds(s * NTS, NTS)], acc.at[pl.ds(s * NTS, NTS)])
        plsc.subcore_barrier()
        row0 = wid * RPT

        pltpu.sync_copy(ei_hbm.at[pl.ds(row0, KB)], idx.at[0])

        def group(g, carry):
            b = lax.rem(g, 2)
            bp = 1 - b
            for j in range(KB):
                pltpu.async_copy(tab_hbm.at[idx.at[b, j, 0]], rows.at[b, j], gsem)
            @pl.when(g >= 1)
            def _():
                for j in range(KB):
                    pltpu.make_async_copy(
                        rows.at[bp, j], acc.at[idx.at[bp, j, 1]], ssem
                    ).wait()
            @pl.when(g + 1 < G)
            def _():
                pltpu.async_copy(
                    ei_hbm.at[pl.ds(row0 + (g + 1) * KB, KB)], idx.at[bp], isem
                )
            for j in range(KB):
                pltpu.make_async_copy(tab_hbm.at[idx.at[b, j, 0]], rows.at[b, j], gsem).wait()
                pltpu.async_copy(rows.at[b, j], acc.at[idx.at[b, j, 1]], ssem, add=True)
            @pl.when(g + 1 < G)
            def _():
                pltpu.make_async_copy(
                    ei_hbm.at[pl.ds(row0 + (g + 1) * KB, KB)], idx.at[bp], isem
                ).wait()
            return carry

        lax.fori_loop(0, G, group, 0)
        bl = (G - 1) % 2
        for j in range(KB):
            pltpu.make_async_copy(rows.at[bl, j], acc.at[idx.at[bl, j, 1]], ssem).wait()
        plsc.subcore_barrier()
        pltpu.sync_copy(acc.at[pl.ds(s * NTS, NTS)], out_hbm.at[c, pl.ds(s * NTS, NTS)])

    return pl.kernel(
        body,
        out_type=jax.ShapeDtypeStruct((NC, NT, W), jnp.float32),
        mesh=mesh,
        compiler_params=pltpu.CompilerParams(use_tc_tiling_on_sc=False),
        scratch_types=[
            pltpu.VMEM((2, KB, 2, SUB), jnp.int32),
            pltpu.VMEM((2, KB, SUB, W), jnp.float32),
            pltpu.VMEM_SHARED((NT, W), jnp.float32),
            pltpu.SemaphoreType.DMA,
            pltpu.SemaphoreType.DMA,
            pltpu.SemaphoreType.DMA,
        ],
    )


@functools.lru_cache(maxsize=None)
def _make_sc_deg(NC, NS, R2, NT, RPT, G):
    mesh = plsc.VectorSubcoreMesh(core_axis_name="c", subcore_axis_name="s", num_cores=NC, num_subcores=NS)

    def body(dst_hbm, zero_hbm, out_hbm, idx, hist, isem):
        c = lax.axis_index("c")
        s = lax.axis_index("s")
        wid = s * NC + c
        pltpu.sync_copy(zero_hbm, hist)
        row0 = wid * RPT
        ones = jnp.ones((16,), jnp.float32)

        pltpu.sync_copy(dst_hbm.at[pl.ds(row0, KB)], idx.at[0])

        def group(g, carry):
            b = lax.rem(g, 2)
            bn = 1 - b
            @pl.when(g + 1 < G)
            def _():
                pltpu.async_copy(
                    dst_hbm.at[pl.ds(row0 + (g + 1) * KB, KB)], idx.at[bn], isem
                )
            for j in range(KB):
                for k in range(SUB // 16):
                    v = idx[b, j, pl.ds(k * 16, 16)]
                    plsc.addupdate_scatter(
                        hist, [jax.lax.shift_right_logical(v, 7), jnp.bitwise_and(v, 127)], ones
                    )
            @pl.when(g + 1 < G)
            def _():
                pltpu.make_async_copy(
                    dst_hbm.at[pl.ds(row0 + (g + 1) * KB, KB)], idx.at[bn], isem
                ).wait()
            return carry

        lax.fori_loop(0, G, group, 0)
        pltpu.sync_copy(hist, out_hbm.at[c, s])

    return pl.kernel(
        body,
        out_type=jax.ShapeDtypeStruct((NC, NS, NT // 128, 128), jnp.float32),
        mesh=mesh,
        compiler_params=pltpu.CompilerParams(
            use_tc_tiling_on_sc=False, needs_layout_passes=False
        ),
        scratch_types=[
            pltpu.VMEM((2, KB, SUB), jnp.int32),
            pltpu.VMEM((NT // 128, 128), jnp.float32),
            pltpu.SemaphoreType.DMA,
        ],
    )


def _tc_prescale(degp, x_pad, BR):
    P, NB, _ = degp.shape
    NT = NB * 128
    Din = x_pad.shape[1]
    BB = BR // 128

    def body(degp_ref, x_ref, ys_ref, dinv_ref):
        d = jnp.sum(degp_ref[...], axis=0).reshape(BR)
        di = lax.rsqrt(d + 1.0)[:, None]
        dinv_ref[...] = jnp.broadcast_to(di, (BR, Din))
        ys_ref[...] = x_ref[...] * di

    return pl.pallas_call(
        body,
        grid=(NT // BR,),
        in_specs=[
            pl.BlockSpec((P, BB, 128), lambda r: (0, r, 0)),
            pl.BlockSpec((BR, Din), lambda r: (r, 0)),
        ],
        out_specs=[
            pl.BlockSpec((BR, Din), lambda r: (r, 0)),
            pl.BlockSpec((BR, Din), lambda r: (r, 0)),
        ],
        out_shape=[
            jax.ShapeDtypeStruct((NT, Din), jnp.float32),
            jax.ShapeDtypeStruct((NT, Din), jnp.float32),
        ],
    )(degp, x_pad)


def _tc_mid(S1p, ys1, dinv, W1, b1, W2, BR):
    NC = S1p.shape[0]
    NT, Din = ys1.shape
    Dh = W1.shape[1]
    Do = W2.shape[1]

    def body(sp_ref, ys_ref, di_ref, w1_ref, b1_ref, w2_ref, out_ref):
        S = ys_ref[...]
        for i in range(NC):
            S = S + sp_ref[i]
        agg = di_ref[...] * S
        h = jnp.dot(agg, w1_ref[...], preferred_element_type=jnp.float32) + b1_ref[...]
        h = jnp.maximum(h, 0.0)
        y2 = jnp.dot(h, w2_ref[...], preferred_element_type=jnp.float32)
        out_ref[...] = y2 * di_ref[...]

    return pl.pallas_call(
        body,
        grid=(NT // BR,),
        in_specs=[
            pl.BlockSpec((NC, BR, Din), lambda r: (0, r, 0)),
            pl.BlockSpec((BR, Din), lambda r: (r, 0)),
            pl.BlockSpec((BR, Din), lambda r: (r, 0)),
            pl.BlockSpec((Din, Dh), lambda r: (0, 0)),
            pl.BlockSpec((1, Dh), lambda r: (0, 0)),
            pl.BlockSpec((Dh, Do), lambda r: (0, 0)),
        ],
        out_specs=pl.BlockSpec((BR, Do), lambda r: (r, 0)),
        out_shape=jax.ShapeDtypeStruct((NT, Do), jnp.float32),
    )(S1p, ys1, dinv, W1, b1.reshape(1, Dh), W2)


def _tc_final(S2p, ys2, dinv, b2, BR):
    NC = S2p.shape[0]
    NT, Do = ys2.shape

    def body(sp_ref, ys_ref, di_ref, b2_ref, out_ref):
        S = ys_ref[...]
        for i in range(NC):
            S = S + sp_ref[i]
        out_ref[...] = di_ref[...] * S + b2_ref[...]

    return pl.pallas_call(
        body,
        grid=(NT // BR,),
        in_specs=[
            pl.BlockSpec((NC, BR, Do), lambda r: (0, r, 0)),
            pl.BlockSpec((BR, Do), lambda r: (r, 0)),
            pl.BlockSpec((BR, Do), lambda r: (r, 0)),
            pl.BlockSpec((1, Do), lambda r: (0, 0)),
        ],
        out_specs=pl.BlockSpec((BR, Do), lambda r: (r, 0)),
        out_shape=jax.ShapeDtypeStruct((NT, Do), jnp.float32),
    )(S2p, ys2, dinv, b2.reshape(1, Do))


def kernel(x, edge_index, W1, b1, W2, b2):
    N, Din = x.shape
    E = edge_index.shape[1]
    Dh = W1.shape[1]
    Do = W2.shape[1]
    NC, NS = _sc_info()
    NW = NC * NS

    unit = NW * SUB * KB
    E_pad = _round_up(E, unit)
    EPT = E_pad // NW
    RPT = EPT // SUB
    R2 = E_pad // SUB
    G = EPT // (SUB * KB)
    BR = 1024
    NT = _round_up(N + 1, BR)

    src = edge_index[0]
    dst = edge_index[1]
    padv = jnp.full((E_pad - E,), N, jnp.int32)
    srcp = jnp.concatenate([src, padv]).reshape(R2, SUB)
    dstp = jnp.concatenate([dst, padv]).reshape(R2, SUB)
    ei2 = jnp.stack([srcp, dstp], axis=1)
    x_pad = jnp.zeros((NT, Din), jnp.float32).at[:N].set(x)

    zeroN = jnp.zeros((NT // 128, 128), jnp.float32)
    zero1 = jnp.zeros((NT, Din), jnp.float32)
    zero2 = jnp.zeros((NT, Do), jnp.float32)

    degp = _make_sc_deg(NC, NS, R2, NT, RPT, G)(dstp, zeroN)
    ys1, dinv = _tc_prescale(degp.reshape(NC * NS, NT // 128, 128), x_pad, BR)
    S1p = _make_sc_agg(NC, NS, R2, NT, Din, RPT, G)(ei2, ys1, zero1)
    ys2 = _tc_mid(S1p, ys1, dinv, W1, b1, W2, BR)
    S2p = _make_sc_agg(NC, NS, R2, NT, Do, RPT, G)(ei2, ys2, zero2)
    out = _tc_final(S2p, ys2, dinv, b2, BR)
    return out[:N]

# --- scband reference (transcript-rebuilt; emitter-appended) ---
"""Pipeline reference for scband-gcn-70360154243503 (READ-ONLY COPY).

The authoritative reference and input builder live on the scoring server;
editing this copy changes nothing except your own understanding.
"""

import jax, jax.numpy as jnp
import numpy as np

N = 100000
E = 3200000
D_IN = 16
D_HID = 32
D_OUT = 16


def setup_inputs(seed: int = 0) -> dict:
    key = jax.random.key(seed)
    k1, k2, k3, k4 = jax.random.split(key, 4)
    x = jax.random.normal(k1, (N, D_IN), dtype=jnp.float32)
    edge_index = jax.random.randint(k2, (2, E), 0, N, dtype=jnp.int32)
    # GCNConv learned params (glorot-like init for weights, zeros for bias)
    W1 = jax.random.normal(k3, (D_IN, D_HID), dtype=jnp.float32) * (1.0 / np.sqrt(D_IN))
    b1 = jnp.zeros((D_HID,), dtype=jnp.float32)
    W2 = jax.random.normal(k4, (D_HID, D_OUT), dtype=jnp.float32) * (1.0 / np.sqrt(D_HID))
    b2 = jnp.zeros((D_OUT,), dtype=jnp.float32)
    return {"x": x, "edge_index": edge_index, "W1": W1, "b1": b1, "W2": W2, "b2": b2}


def _gcn_conv(x, edge_index, W, b):
    # Faithful to PyG GCNConv: add self-loops, symmetric normalization, scatter-add aggregation.
    num_nodes = x.shape[0]
    src = edge_index[0]
    dst = edge_index[1]
    loop = jnp.arange(num_nodes, dtype=src.dtype)
    src = jnp.concatenate([src, loop])
    dst = jnp.concatenate([dst, loop])
    ew = jnp.ones(src.shape[0], dtype=x.dtype)
    deg = jax.ops.segment_sum(ew, dst, num_segments=num_nodes)
    deg_inv_sqrt = jnp.where(deg > 0, 1.0 / jnp.sqrt(deg), 0.0)
    norm = deg_inv_sqrt[src] * ew * deg_inv_sqrt[dst]
    h = x @ W
    msg = h[src] * norm[:, None]
    out = jax.ops.segment_sum(msg, dst, num_segments=num_nodes)
    return out + b


def reference(x, edge_index, W1, b1, W2, b2):
    h = _gcn_conv(x, edge_index, W1, b1)
    h = jax.nn.relu(h)
    out = _gcn_conv(h, edge_index, W2, b2)
    return out

if __name__ == "__main__":
    import jax
    _d = setup_inputs()
    print(jax.jit(kernel)(*tuple(_d.values())))

</pallas_src>

<mosaic_0001>
#map = affine_map<(d0, d1) -> (0, 0, 0)>
#map1 = affine_map<(d0, d1) -> (0, 0)>
module attributes {stable_mosaic.version = 14 : i64} {
  func.func @body(%arg0: i32, %arg1: i32, %arg2: memref<25152x2x128xi32, #tpu.memory_space<hbm>>, %arg3: memref<100352x16xf32, #tpu.memory_space<hbm>>, %arg4: memref<100352x16xf32, #tpu.memory_space<hbm>>, %arg5: memref<2x100352x16xf32, #tpu.memory_space<hbm>>, %arg6: memref<2x6x2x128xi32, #tpu.memory_space<vmem>>, %arg7: memref<2x6x128x16xf32, #tpu.memory_space<vmem>>, %arg8: memref<100352x16xf32, #tpu.memory_space<vmem_shared>>, %arg9: memref<!tpu.dma_semaphore, #tpu.memory_space<semaphore_mem>>, %arg10: memref<!tpu.dma_semaphore, #tpu.memory_space<semaphore_mem>>, %arg11: memref<!tpu.dma_semaphore, #tpu.memory_space<semaphore_mem>>) attributes {dimension_semantics = [#tpu.dimension_semantics<core_parallel>, #tpu.dimension_semantics<subcore_parallel>], iteration_bounds = array<i64: 2, 16>, scalar_prefetch = 0 : i64, scratch_operands = 6 : i64, tpu.core_type = #tpu.core_type<sc_vector_subcore>, window_params = [{transform_indices = #map}, {transform_indices = #map1}, {transform_indices = #map1}, {transform_indices = #map}]} {
    %mul3A = arith.constant 2 : i32
    %mul3A_0 = arith.muli %arg1, %mul3A : i32
    %add3A = arith.addi %mul3A_0, %arg0 : i32
    %mul3A_1 = arith.constant 6272 : i32
    %mul3A_2 = arith.muli %arg1, %mul3A_1 : i32
    %mul3A_3 = arith.constant 6272 : i32
    %mul3A_4 = arith.muli %arg1, %mul3A_3 : i32
    "tpu.region"() ({
      %run_scoped3A_106 = tpu.sem_alloc : memref<!tpu.dma_semaphore, #tpu.memory_space<semaphore_mem>>
      %dma_start3A = arith.constant 0 : i32
      %dma_start3A_107 = tpu.memref_slice %arg8[%mul3A_4, %dma_start3A] : memref<100352x16xf32, #tpu.memory_space<vmem_shared>> -> memref<6272x16xf32, #tpu.memory_space<vmem_shared>>
      %dma_start3A_108 = arith.constant 0 : i32
      %dma_start3A_109 = tpu.memref_slice %arg4[%mul3A_2, %dma_start3A_108] : memref<100352x16xf32, #tpu.memory_space<hbm>> -> memref<6272x16xf32, #tpu.memory_space<hbm>>
      tpu.enqueue_dma source(%dma_start3A_109 : memref<6272x16xf32, #tpu.memory_space<hbm>>) target(%dma_start3A_107 : memref<6272x16xf32, #tpu.memory_space<vmem_shared>>) target_semaphore(%run_scoped3A_106 : memref<!tpu.dma_semaphore, #tpu.memory_space<semaphore_mem>>)
      %dma_wait3A_110 = arith.constant 0 : i32
      %dma_wait3A_111 = tpu.memref_slice %arg8[%mul3A_4, %dma_wait3A_110] : memref<100352x16xf32, #tpu.memory_space<vmem_shared>> -> memref<6272x16xf32, #tpu.memory_space<vmem_shared>>
      %dma_wait3A_112 = arith.constant 0 : i32
      %dma_wait3A_113 = tpu.memref_slice %arg4[%mul3A_2, %dma_wait3A_112] : memref<100352x16xf32, #tpu.memory_space<hbm>> -> memref<6272x16xf32, #tpu.memory_space<hbm>>
      tpu.wait_dma2 semaphore(%run_scoped3A_106 : memref<!tpu.dma_semaphore, #tpu.memory_space<semaphore_mem>>) src(%dma_wait3A_113 : memref<6272x16xf32, #tpu.memory_space<hbm>>) dst(%dma_wait3A_111 : memref<6272x16xf32, #tpu.memory_space<vmem_shared>>)
      tpu.yield
    }) : () -> ()
    %barrier3A = arith.constant 0 : index
    tpu.barrier barrier_id(%barrier3A)
    %mul3A_5 = arith.constant 786 : i32
    %mul3A_6 = arith.muli %add3A, %mul3A_5 : i32
    %run_scoped3A = arith.constant 0 : i32
    "tpu.region"() ({
      %run_scoped3A_106 = tpu.sem_alloc : memref<!tpu.dma_semaphore, #tpu.memory_space<semaphore_mem>>
      %dma_start3A = arith.constant 0 : i32
      %dma_start3A_107 = arith.constant 0 : i32
      %dma_start3A_108 = arith.constant 0 : i32
      %dma_start3A_109 = tpu.memref_slice %arg6[%run_scoped3A, %dma_start3A, %dma_start3A_107, %dma_start3A_108] : memref<2x6x2x128xi32, #tpu.memory_space<vmem>> -> memref<1x6x2x128xi32, #tpu.memory_space<vmem>>
      %dma_start3A_110 = tpu.memref_squeeze %dma_start3A_109 : memref<1x6x2x128xi32, #tpu.memory_space<vmem>> -> memref<6x2x128xi32, #tpu.memory_space<vmem>>
      %dma_start3A_111 = arith.constant 0 : i32
      %dma_start3A_112 = arith.constant 0 : i32
      %dma_start3A_113 = tpu.memref_slice %arg2[%mul3A_6, %dma_start3A_111, %dma_start3A_112] : memref<25152x2x128xi32, #tpu.memory_space<hbm>> -> memref<6x2x128xi32, #tpu.memory_space<hbm>>
      %dma_start3A_114 = arith.constant 0 : i32
      %dma_start3A_115 = arith.constant 0 : i32
      %dma_start3A_116 = arith.constant 0 : i32
      %dma_start3A_117 = tpu.memref_slice %arg6[%run_scoped3A, %dma_start3A_114, %dma_start3A_115, %dma_start3A_116] : memref<2x6x2x128xi32, #tpu.memory_space<vmem>> -> memref<1x6x2x128xi32, #tpu.memory_space<vmem>>
      %dma_start3A_118 = tpu.memref_squeeze %dma_start3A_117 : memref<1x6x2x128xi32, #tpu.memory_space<vmem>> -> memref<6x2x128xi32, #tpu.memory_space<vmem>>
      %dma_start3A_119 = arith.constant 0 : i32
      %dma_start3A_120 = arith.constant 0 : i32
      %dma_start3A_121 = tpu.memref_slice %arg2[%mul3A_6, %dma_start3A_119, %dma_start3A_120] : memref<25152x2x128xi32, #tpu.memory_space<hbm>> -> memref<6x2x128xi32, #tpu.memory_space<hbm>>
      tpu.enqueue_dma source(%dma_start3A_121 : memref<6x2x128xi32, #tpu.memory_space<hbm>>) target(%dma_start3A_118 : memref<6x2x128xi32, #tpu.memory_space<vmem>>) target_semaphore(%run_scoped3A_106 : memref<!tpu.dma_semaphore, #tpu.memory_space<semaphore_mem>>)
      %dma_wait3A_122 = arith.constant 0 : i32
      %dma_wait3A_123 = arith.constant 0 : i32
      %dma_wait3A_124 = arith.constant 0 : i32
      %dma_wait3A_125 = tpu.memref_slice %arg6[%run_scoped3A, %dma_wait3A_122, %dma_wait3A_123, %dma_wait3A_124] : memref<2x6x2x128xi32, #tpu.memory_space<vmem>> -> memref<1x6x2x128xi32, #tpu.memory_space<vmem>>
      %dma_wait3A_126 = tpu.memref_squeeze %dma_wait3A_125 : memref<1x6x2x128xi32, #tpu.memory_space<vmem>> -> memref<6x2x128xi32, #tpu.memory_space<vmem>>
      %dma_wait3A_127 = arith.constant 0 : i32
      %dma_wait3A_128 = arith.constant 0 : i32
      %dma_wait3A_129 = tpu.memref_slice %arg2[%mul3A_6, %dma_wait3A_127, %dma_wait3A_128] : memref<25152x2x128xi32, #tpu.memory_space<hbm>> -> memref<6x2x128xi32, #tpu.memory_space<hbm>>
      %dma_wait3A_130 = arith.constant 0 : i32
      %dma_wait3A_131 = arith.constant 0 : i32
      %dma_wait3A_132 = arith.constant 0 : i32
      %dma_wait3A_133 = tpu.memref_slice %arg6[%run_scoped3A, %dma_wait3A_130, %dma_wait3A_131, %dma_wait3A_132] : memref<2x6x2x128xi32, #tpu.memory_space<vmem>> -> memref<1x6x2x128xi32, #tpu.memory_space<vmem>>
      %dma_wait3A_134 = tpu.memref_squeeze %dma_wait3A_133 : memref<1x6x2x128xi32, #tpu.memory_space<vmem>> -> memref<6x2x128xi32, #tpu.memory_space<vmem>>
      %dma_wait3A_135 = arith.constant 0 : i32
      %dma_wait3A_136 = arith.constant 0 : i32
      %dma_wait3A_137 = tpu.memref_slice %arg2[%mul3A_6, %dma_wait3A_135, %dma_wait3A_136] : memref<25152x2x128xi32, #tpu.memory_space<hbm>> -> memref<6x2x128xi32, #tpu.memory_space<hbm>>
      tpu.wait_dma2 semaphore(%run_scoped3A_106 : memref<!tpu.dma_semaphore, #tpu.memory_space<semaphore_mem>>) src(%dma_wait3A_137 : memref<6x2x128xi32, #tpu.memory_space<hbm>>) dst(%dma_wait3A_134 : memref<6x2x128xi32, #tpu.memory_space<vmem>>)
      tpu.yield
    }) : () -> ()
    %scan3A = arith.constant 0 : i32
    %scan3A_7 = arith.constant 0 : i32
    %scan3A_8 = arith.constant 131 : i32
    %scan3A_9 = arith.addi %scan3A_7, %scan3A_8 : i32
    %scan3A_10 = arith.constant 1 : i32
    scf.for %scan3A_106 = %scan3A_7 to %scan3A_9 step %scan3A_10  : i32 {
      %rem3A = arith.constant 2 : i32
      %rem3A_107 = arith.remsi %scan3A_106, %rem3A : i32
      %sub3A = arith.constant 1 : i32
      %sub3A_108 = arith.subi %sub3A, %rem3A_107 : i32
      %dma_start3A = arith.constant 0 : i32
      %dma_start3A_109 = arith.constant 0 : i32
      %dma_start3A_110 = arith.constant 0 : i32
      %dma_start3A_111 = arith.constant 0 : i32
      %dma_start3A_112 = arith.constant 0 : i32
      %dma_start3A_113 = tpu.memref_slice %arg7[%rem3A_107, %dma_start3A_110, %dma_start3A_111, %dma_start3A_112] : memref<2x6x128x16xf32, #tpu.memory_space<vmem>> -> memref<1x1x128x16xf32, #tpu.memory_space<vmem>>
      %dma_start3A_114 = tpu.memref_squeeze %dma_start3A_113 : memref<1x1x128x16xf32, #tpu.memory_space<vmem>> -> memref<128x16xf32, #tpu.memory_space<vmem>>
      %dma_start3A_115 = arith.constant 0 : i32
      %dma_start3A_116 = tpu.memref_slice %arg6[%rem3A_107, %dma_start3A, %dma_start3A_109, %dma_start3A_115] : memref<2x6x2x128xi32, #tpu.memory_space<vmem>> -> memref<1x1x1x128xi32, #tpu.memory_space<vmem>>
      %dma_start3A_117 = tpu.memref_squeeze %dma_start3A_116 : memref<1x1x1x128xi32, #tpu.memory_space<vmem>> -> memref<128xi32, #tpu.memory_space<vmem>>
      %dma_start3A_118 = arith.constant 0 : i32
      %dma_start3A_119 = arith.constant 0 : i32
      %dma_start3A_120 = tpu.memref_slice %arg3[%dma_start3A_118, %dma_start3A_119] : memref<100352x16xf32, #tpu.memory_space<hbm>> -> memref<100352x16xf32, #tpu.memory_space<hbm>>
      tpu.enqueue_indirect_dma source(%dma_start3A_120 : memref<100352x16xf32, #tpu.memory_space<hbm>>) target(%dma_start3A_114 : memref<128x16xf32, #tpu.memory_space<vmem>>) offsets(%dma_start3A_117 : memref<128xi32, #tpu.memory_space<vmem>>) semaphore(%arg9 : memref<!tpu.dma_semaphore, #tpu.memory_space<semaphore_mem>>)
      %dma_start3A_121 = arith.constant 1 : i32
      %dma_start3A_122 = arith.constant 0 : i32
      %dma_start3A_123 = arith.constant 1 : i32
      %dma_start3A_124 = arith.constant 0 : i32
      %dma_start3A_125 = arith.constant 0 : i32
      %dma_start3A_126 = tpu.memref_slice %arg7[%rem3A_107, %dma_start3A_123, %dma_start3A_124, %dma_start3A_125] : memref<2x6x128x16xf32, #tpu.memory_space<vmem>> -> memref<1x1x128x16xf32, #tpu.memory_space<vmem>>
      %dma_start3A_127 = tpu.memref_squeeze %dma_start3A_126 : memref<1x1x128x16xf32, #tpu.memory_space<vmem>> -> memref<128x16xf32, #tpu.memory_space<vmem>>
      %dma_start3A_128 = arith.constant 0 : i32
      %dma_start3A_129 = tpu.memref_slice %arg6[%rem3A_107, %dma_start3A_121, %dma_start3A_122, %dma_start3A_128] : memref<2x6x2x128xi32, #tpu.memory_space<vmem>> -> memref<1x1x1x128xi32, #tpu.memory_space<vmem>>
      %dma_start3A_130 = tpu.memref_squeeze %dma_start3A_129 : memref<1x1x1x128xi32, #tpu.memory_space<vmem>> -> memref<128xi32, #tpu.memory_space<vmem>>
      %dma_start3A_131 = arith.constant 0 : i32
      %dma_start3A_132 = arith.constant 0 : i32
      %dma_start3A_133 = tpu.memref_slice %arg3[%dma_start3A_131, %dma_start3A_132] : memref<100352x16xf32, #tpu.memory_space<hbm>> -> memref<100352x16xf32, #tpu.memory_space<hbm>>
      tpu.enqueue_indirect_dma source(%dma_start3A_133 : memref<100352x16xf32, #tpu.memory_space<hbm>>) target(%dma_start3A_127 : memref<128x16xf32, #tpu.memory_space<vmem>>) offsets(%dma_start3A_130 : memref<128xi32, #tpu.memory_space<vmem>>) semaphore(%arg9 : memref<!tpu.dma_semaphore, #tpu.memory_space<semaphore_mem>>)
      %dma_start3A_134 = arith.constant 2 : i32
      %dma_start3A_135 = arith.constant 0 : i32
      %dma_start3A_136 = arith.constant 2 : i32
      %dma_start3A_137 = arith.constant 0 : i32
      %dma_start3A_138 = arith.constant 0 : i32
      %dma_start3A_139 = tpu.memref_slice %arg7[%rem3A_107, %dma_start3A_136, %dma_start3A_137, %dma_start3A_138] : memref<2x6x128x16xf32, #tpu.memory_space<vmem>> -> memref<1x1x128x16xf32, #tpu.memory_space<vmem>>
      %dma_start3A_140 = tpu.memref_squeeze %dma_start3A_139 : memref<1x1x128x16xf32, #tpu.memory_space<vmem>> -> memref<128x16xf32, #tpu.memory_space<vmem>>
      %dma_start3A_141 = arith.constant 0 : i32
      %dma_start3A_142 = tpu.memref_slice %arg6[%rem3A_107, %dma_start3A_134, %dma_start3A_135, %dma_start3A_141] : memref<2x6x2x128xi32, #tpu.memory_space<vmem>> -> memref<1x1x1x128xi32, #tpu.memory_space<vmem>>
      %dma_start3A_143 = tpu.memref_squeeze %dma_start3A_142 : memref<1x1x1x128xi32, #tpu.memory_space<vmem>> -> memref<128xi32, #tpu.memory_space<vmem>>
      %dma_start3A_144 = arith.constant 0 : i32
      %dma_start3A_145 = arith.constant 0 : i32
      %dma_start3A_146 = tpu.memref_slice %arg3[%dma_start3A_144, %dma_start3A_145] : memref<100352x16xf32, #tpu.memory_space<hbm>> -> memref<100352x16xf32, #tpu.memory_space<hbm>>
      tpu.enqueue_indirect_dma source(%dma_start3A_146 : memref<100352x16xf32, #tpu.memory_space<hbm>>) target(%dma_start3A_140 : memref<128x16xf32, #tpu.memory_space<vmem>>) offsets(%dma_start3A_143 : memref<128xi32, #tpu.memory_space<vmem>>) semaphore(%arg9 : memref<!tpu.dma_semaphore, #tpu.memory_space<semaphore_mem>>)
      %dma_start3A_147 = arith.constant 3 : i32
      %dma_start3A_148 = arith.constant 0 : i32
      %dma_start3A_149 = arith.constant 3 : i32
      %dma_start3A_150 = arith.constant 0 : i32
      %dma_start3A_151 = arith.constant 0 : i32
      %dma_start3A_152 = tpu.memref_slice %arg7[%rem3A_107, %dma_start3A_149, %dma_start3A_150, %dma_start3A_151] : memref<2x6x128x16xf32, #tpu.memory_space<vmem>> -> memref<1x1x128x16xf32, #tpu.memory_space<vmem>>
      %dma_start3A_153 = tpu.memref_squeeze %dma_start3A_152 : memref<1x1x128x16xf32, #tpu.memory_space<vmem>> -> memref<128x16xf32, #tpu.memory_space<vmem>>
      %dma_start3A_154 = arith.constant 0 : i32
      %dma_start3A_155 = tpu.memref_slice %arg6[%rem3A_107, %dma_start3A_147, %dma_start3A_148, %dma_start3A_154] : memref<2x6x2x128xi32, #tpu.memory_space<vmem>> -> memref<1x1x1x128xi32, #tpu.memory_space<vmem>>
      %dma_start3A_156 = tpu.memref_squeeze %dma_start3A_155 : memref<1x1x1x128xi32, #tpu.memory_space<vmem>> -> memref<128xi32, #tpu.memory_space<vmem>>
      %dma_start3A_157 = arith.constant 0 : i32
      %dma_start3A_158 = arith.constant 0 : i32
      %dma_start3A_159 = tpu.memref_slice %arg3[%dma_start3A_157, %dma_start3A_158] : memref<100352x16xf32, #tpu.memory_space<hbm>> -> memref<100352x16xf32, #tpu.memory_space<hbm>>
      tpu.enqueue_indirect_dma source(%dma_start3A_159 : memref<100352x16xf32, #tpu.memory_space<hbm>>) target(%dma_start3A_153 : memref<128x16xf32, #tpu.memory_space<vmem>>) offsets(%dma_start3A_156 : memref<128xi32, #tpu.memory_space<vmem>>) semaphore(%arg9 : memref<!tpu.dma_semaphore, #tpu.memory_space<semaphore_mem>>)
      %dma_start3A_160 = arith.constant 4 : i32
      %dma_start3A_161 = arith.constant 0 : i32
      %dma_start3A_162 = arith.constant 4 : i32
      %dma_start3A_163 = arith.constant 0 : i32
      %dma_start3A_164 = arith.constant 0 : i32
      %dma_start3A_165 = tpu.memref_slice %arg7[%rem3A_107, %dma_start3A_162, %dma_start3A_163, %dma_start3A_164] : memref<2x6x128x16xf32, #tpu.memory_space<vmem>> -> memref<1x1x128x16xf32, #tpu.memory_space<vmem>>
      %dma_start3A_166 = tpu.memref_squeeze %dma_start3A_165 : memref<1x1x128x16xf32, #tpu.memory_space<vmem>> -> memref<128x16xf32, #tpu.memory_space<vmem>>
      %dma_start3A_167 = arith.constant 0 : i32
      %dma_start3A_168 = tpu.memref_slice %arg6[%rem3A_107, %dma_start3A_160, %dma_start3A_161, %dma_start3A_167] : memref<2x6x2x128xi32, #tpu.memory_space<vmem>> -> memref<1x1x1x128xi32, #tpu.memory_space<vmem>>
      %dma_start3A_169 = tpu.memref_squeeze %dma_start3A_168 : memref<1x1x1x128xi32, #tpu.memory_space<vmem>> -> memref<128xi32, #tpu.memory_space<vmem>>
      %dma_start3A_170 = arith.constant 0 : i32
      %dma_start3A_171 = arith.constant 0 : i32
      %dma_start3A_172 = tpu.memref_slice %arg3[%dma_start3A_170, %dma_start3A_171] : memref<100352x16xf32, #tpu.memory_space<hbm>> -> memref<100352x16xf32, #tpu.memory_space<hbm>>
      tpu.enqueue_indirect_dma source(%dma_start3A_172 : memref<100352x16xf32, #tpu.memory_space<hbm>>) target(%dma_start3A_166 : memref<128x16xf32, #tpu.memory_space<vmem>>) offsets(%dma_start3A_169 : memref<128xi32, #tpu.memory_space<vmem>>) semaphore(%arg9 : memref<!tpu.dma_semaphore, #tpu.memory_space<semaphore_mem>>)
      %dma_start3A_173 = arith.constant 5 : i32
      %dma_start3A_174 = arith.constant 0 : i32
      %dma_start3A_175 = arith.constant 5 : i32
      %dma_start3A_176 = arith.constant 0 : i32
      %dma_start3A_177 = arith.constant 0 : i32
      %dma_start3A_178 = tpu.memref_slice %arg7[%rem3A_107, %dma_start3A_175, %dma_start3A_176, %dma_start3A_177] : memref<2x6x128x16xf32, #tpu.memory_space<vmem>> -> memref<1x1x128x16xf32, #tpu.memory_space<vmem>>
      %dma_start3A_179 = tpu.memref_squeeze %dma_start3A_178 : memref<1x1x128x16xf32, #tpu.memory_space<vmem>> -> memref<128x16xf32, #tpu.memory_space<vmem>>
      %dma_start3A_180 = arith.constant 0 : i32
      %dma_start3A_181 = tpu.memref_slice %arg6[%rem3A_107, %dma_start3A_173, %dma_start3A_174, %dma_start3A_180] : memref<2x6x2x128xi32, #tpu.memory_space<vmem>> -> memref<1x1x1x128xi32, #tpu.memory_space<vmem>>
      %dma_start3A_182 = tpu.memref_squeeze %dma_start3A_181 : memref<1x1x1x128xi32, #tpu.memory_space<vmem>> -> memref<128xi32, #tpu.memory_space<vmem>>
      %dma_start3A_183 = arith.constant 0 : i32
      %dma_start3A_184 = arith.constant 0 : i32
      %dma_start3A_185 = tpu.memref_slice %arg3[%dma_start3A_183, %dma_start3A_184] : memref<100352x16xf32, #tpu.memory_space<hbm>> -> memref<100352x16xf32, #tpu.memory_space<hbm>>
      tpu.enqueue_indirect_dma source(%dma_start3A_185 : memref<100352x16xf32, #tpu.memory_space<hbm>>) target(%dma_start3A_179 : memref<128x16xf32, #tpu.memory_space<vmem>>) offsets(%dma_start3A_182 : memref<128xi32, #tpu.memory_space<vmem>>) semaphore(%arg9 : memref<!tpu.dma_semaphore, #tpu.memory_space<semaphore_mem>>)
      %ge3A = arith.constant 1 : i32
      %ge3A_186 = arith.cmpi sge, %scan3A_106, %ge3A : i32
      %convert_element_type3A = arith.extui %ge3A_186 : i1 to i32
      %cond3A = arith.constant 0 : i32
      %cond3A_187 = arith.cmpi ne, %convert_element_type3A, %cond3A : i32
      scf.if %cond3A_187 {
        %dma_wait3A_357 = arith.constant 0 : i32
        %dma_wait3A_358 = arith.constant 0 : i32
        %dma_wait3A_359 = arith.constant 1 : i32
        %dma_wait3A_360 = arith.constant 0 : i32
        %dma_wait3A_361 = arith.constant 0 : i32
        %dma_wait3A_362 = tpu.memref_slice %arg7[%sub3A_108, %dma_wait3A_357, %dma_wait3A_360, %dma_wait3A_361] : memref<2x6x128x16xf32, #tpu.memory_space<vmem>> -> memref<1x1x128x16xf32, #tpu.memory_space<vmem>>
        %dma_wait3A_363 = tpu.memref_squeeze %dma_wait3A_362 : memref<1x1x128x16xf32, #tpu.memory_space<vmem>> -> memref<128x16xf32, #tpu.memory_space<vmem>>
        %dma_wait3A_364 = arith.constant 0 : i32
        %dma_wait3A_365 = tpu.memref_slice %arg6[%sub3A_108, %dma_wait3A_358, %dma_wait3A_359, %dma_wait3A_364] : memref<2x6x2x128xi32, #tpu.memory_space<vmem>> -> memref<1x1x1x128xi32, #tpu.memory_space<vmem>>
        %dma_wait3A_366 = tpu.memref_squeeze %dma_wait3A_365 : memref<1x1x1x128xi32, #tpu.memory_space<vmem>> -> memref<128xi32, #tpu.memory_space<vmem>>
        %dma_wait3A_367 = arith.constant 0 : i32
        %dma_wait3A_368 = arith.constant 0 : i32
        %dma_wait3A_369 = tpu.memref_slice %arg8[%dma_wait3A_367, %dma_wait3A_368] : memref<100352x16xf32, #tpu.memory_space<vmem_shared>> -> memref<100352x16xf32, #tpu.memory_space<vmem_shared>>
        tpu.wait_indirect_dma semaphore(%arg10 : memref<!tpu.dma_semaphore, #tpu.memory_space<semaphore_mem>>) src(%dma_wait3A_363 : memref<128x16xf32, #tpu.memory_space<vmem>>) dst(%dma_wait3A_369 : memref<100352x16xf32, #tpu.memory_space<vmem_shared>>)
        %dma_wait3A_370 = arith.constant 1 : i32
        %dma_wait3A_371 = arith.constant 1 : i32
        %dma_wait3A_372 = arith.constant 1 : i32
        %dma_wait3A_373 = arith.constant 0 : i32
        %dma_wait3A_374 = arith.constant 0 : i32
        %dma_wait3A_375 = tpu.memref_slice %arg7[%sub3A_108, %dma_wait3A_370, %dma_wait3A_373, %dma_wait3A_374] : memref<2x6x128x16xf32, #tpu.memory_space<vmem>> -> memref<1x1x128x16xf32, #tpu.memory_space<vmem>>
        %dma_wait3A_376 = tpu.memref_squeeze %dma_wait3A_375 : memref<1x1x128x16xf32, #tpu.memory_space<vmem>> -> memref<128x16xf32, #tpu.memory_space<vmem>>
        %dma_wait3A_377 = arith.constant 0 : i32
        %dma_wait3A_378 = tpu.memref_slice %arg6[%sub3A_108, %dma_wait3A_371, %dma_wait3A_372, %dma_wait3A_377] : memref<2x6x2x128xi32, #tpu.memory_space<vmem>> -> memref<1x1x1x128xi32, #tpu.memory_space<vmem>>
        %dma_wait3A_379 = tpu.memref_squeeze %dma_wait3A_378 : memref<1x1x1x128xi32, #tpu.memory_space<vmem>> -> memref<128xi32, #tpu.memory_space<vmem>>
        %dma_wait3A_380 = arith.constant 0 : i32
        %dma_wait3A_381 = arith.constant 0 : i32
        %dma_wait3A_382 = tpu.memref_slice %arg8[%dma_wait3A_380, %dma_wait3A_381] : memref<100352x16xf32, #tpu.memory_space<vmem_shared>> -> memref<100352x16xf32, #tpu.memory_space<vmem_shared>>
        tpu.wait_indirect_dma semaphore(%arg10 : memref<!tpu.dma_semaphore, #tpu.memory_space<semaphore_mem>>) src(%dma_wait3A_376 : memref<128x16xf32, #tpu.memory_space<vmem>>) dst(%dma_wait3A_382 : memref<100352x16xf32, #tpu.memory_space<vmem_shared>>)
        %dma_wait3A_383 = arith.constant 2 : i32
        %dma_wait3A_384 = arith.constant 2 : i32
        %dma_wait3A_385 = arith.constant 1 : i32
        %dma_wait3A_386 = arith.constant 0 : i32
        %dma_wait3A_387 = arith.constant 0 : i32
        %dma_wait3A_388 = tpu.memref_slice %arg7[%sub3A_108, %dma_wait3A_383, %dma_wait3A_386, %dma_wait3A_387] : memref<2x6x128x16xf32, #tpu.memory_space<vmem>> -> memref<1x1x128x16xf32, #tpu.memory_space<vmem>>
        %dma_wait3A_389 = tpu.memref_squeeze %dma_wait3A_388 : memref<1x1x128x16xf32, #tpu.memory_space<vmem>> -> memref<128x16xf32, #tpu.memory_space<vmem>>
        %dma_wait3A_390 = arith.constant 0 : i32
        %dma_wait3A_391 = tpu.memref_slice %arg6[%sub3A_108, %dma_wait3A_384, %dma_wait3A_385, %dma_wait3A_390] : memref<2x6x2x128xi32, #tpu.memory_space<vmem>> -> memref<1x1x1x128xi32, #tpu.memory_space<vmem>>
        %dma_wait3A_392 = tpu.memref_squeeze %dma_wait3A_391 : memref<1x1x1x128xi32, #tpu.memory_space<vmem>> -> memref<128xi32, #tpu.memory_space<vmem>>
        %dma_wait3A_393 = arith.constant 0 : i32
        %dma_wait3A_394 = arith.constant 0 : i32
        %dma_wait3A_395 = tpu.memref_slice %arg8[%dma_wait3A_393, %dma_wait3A_394] : memref<100352x16xf32, #tpu.memory_space<vmem_shared>> -> memref<100352x16xf32, #tpu.memory_space<vmem_shared>>
        tpu.wait_indirect_dma semaphore(%arg10 : memref<!tpu.dma_semaphore, #tpu.memory_space<semaphore_mem>>) src(%dma_wait3A_389 : memref<128x16xf32, #tpu.memory_space<vmem>>) dst(%dma_wait3A_395 : memref<100352x16xf32, #tpu.memory_space<vmem_shared>>)
        %dma_wait3A_396 = arith.constant 3 : i32
        %dma_wait3A_397 = arith.constant 3 : i32
        %dma_wait3A_398 = arith.constant 1 : i32
        %dma_wait3A_399 = arith.constant 0 : i32
        %dma_wait3A_400 = arith.constant 0 : i32
        %dma_wait3A_401 = tpu.memref_slice %arg7[%sub3A_108, %dma_wait3A_396, %dma_wait3A_399, %dma_wait3A_400] : memref<2x6x128x16xf32, #tpu.memory_space<vmem>> -> memref<1x1x128x16xf32, #tpu.memory_space<vmem>>
        %dma_wait3A_402 = tpu.memref_squeeze %dma_wait3A_401 : memref<1x1x128x16xf32, #tpu.memory_space<vmem>> -> memref<128x16xf32, #tpu.memory_space<vmem>>
        %dma_wait3A_403 = arith.constant 0 : i32
        %dma_wait3A_404 = tpu.memref_slice %arg6[%sub3A_108, %dma_wait3A_397, %dma_wait3A_398, %dma_wait3A_403] : memref<2x6x2x128xi32, #tpu.memory_space<vmem>> -> memref<1x1x1x128xi32, #tpu.memory_space<vmem>>
        %dma_wait3A_405 = tpu.memref_squeeze %dma_wait3A_404 : memref<1x1x1x128xi32, #tpu.memory_space<vmem>> -> memref<128xi32, #tpu.memory_space<vmem>>
        %dma_wait3A_406 = arith.constant 0 : i32
        %dma_wait3A_407 = arith.constant 0 : i32
        %dma_wait3A_408 = tpu.memref_slice %arg8[%dma_wait3A_406, %dma_wait3A_407] : memref<100352x16xf32, #tpu.memory_space<vmem_shared>> -> memref<100352x16xf32, #tpu.memory_space<vmem_shared>>
        tpu.wait_indirect_dma semaphore(%arg10 : memref<!tpu.dma_semaphore, #tpu.memory_space<semaphore_mem>>) src(%dma_wait3A_402 : memref<128x16xf32, #tpu.memory_space<vmem>>) dst(%dma_wait3A_408 : memref<100352x16xf32, #tpu.memory_space<vmem_shared>>)
        %dma_wait3A_409 = arith.constant 4 : i32
        %dma_wait3A_410 = arith.constant 4 : i32
        %dma_wait3A_411 = arith.constant 1 : i32
        %dma_wait3A_412 = arith.constant 0 : i32
        %dma_wait3A_413 = arith.constant 0 : i32
        %dma_wait3A_414 = tpu.memref_slice %arg7[%sub3A_108, %dma_wait3A_409, %dma_wait3A_412, %dma_wait3A_413] : memref<2x6x128x16xf32, #tpu.memory_space<vmem>> -> memref<1x1x128x16xf32, #tpu.memory_space<vmem>>
        %dma_wait3A_415 = tpu.memref_squeeze %dma_wait3A_414 : memref<1x1x128x16xf32, #tpu.memory_space<vmem>> -> memref<128x16xf32, #tpu.memory_space<vmem>>
        %dma_wait3A_416 = arith.constant 0 : i32
        %dma_wait3A_417 = tpu.memref_slice %arg6[%sub3A_108, %dma_wait3A_410, %dma_wait3A_411, %dma_wait3A_416] : memref<2x6x2x128xi32, #tpu.memory_space<vmem>> -> memref<1x1x1x128xi32, #tpu.memory_space<vmem>>
        %dma_wait3A_418 = tpu.memref_squeeze %dma_wait3A_417 : memref<1x1x1x128xi32, #tpu.memory_space<vmem>> -> memref<128xi32, #tpu.memory_space<vmem>>
        %dma_wait3A_419 = arith.constant 0 : i32
        %dma_wait3A_420 = arith.constant 0 : i32
        %dma_wait3A_421 = tpu.memref_slice %arg8[%dma_wait3A_419, %dma_wait3A_420] : memref<100352x16xf32, #tpu.memory_space<vmem_shared>> -> memref<100352x16xf32, #tpu.memory_space<vmem_shared>>
        tpu.wait_indirect_dma semaphore(%arg10 : memref<!tpu.dma_semaphore, #tpu.memory_space<semaphore_mem>>) src(%dma_wait3A_415 : memref<128x16xf32, #tpu.memory_space<vmem>>) dst(%dma_wait3A_421 : memref<100352x16xf32, #tpu.memory_space<vmem_shared>>)
        %dma_wait3A_422 = arith.constant 5 : i32
        %dma_wait3A_423 = arith.constant 5 : i32
        %dma_wait3A_424 = arith.constant 1 : i32
        %dma_wait3A_425 = arith.constant 0 : i32
        %dma_wait3A_426 = arith.constant 0 : i32
        %dma_wait3A_427 = tpu.memref_slice %arg7[%sub3A_108, %dma_wait3A_422, %dma_wait3A_425, %dma_wait3A_426] : memref<2x6x128x16xf32, #tpu.memory_space<vmem>> -> memref<1x1x128x16xf32, #tpu.memory_space<vmem>>
        %dma_wait3A_428 = tpu.memref_squeeze %dma_wait3A_427 : memref<1x1x128x16xf32, #tpu.memory_space<vmem>> -> memref<128x16xf32, #tpu.memory_space<vmem>>
        %dma_wait3A_429 = arith.constant 0 : i32
        %dma_wait3A_430 = tpu.memref_slice %arg6[%sub3A_108, %dma_wait3A_423, %dma_wait3A_424, %dma_wait3A_429] : memref<2x6x2x128xi32, #tpu.memory_space<vmem>> -> memref<1x1x1x128xi32, #tpu.memory_space<vmem>>
        %dma_wait3A_431 = tpu.memref_squeeze %dma_wait3A_430 : memref<1x1x1x128xi32, #tpu.memory_space<vmem>> -> memref<128xi32, #tpu.memory_space<vmem>>
        %dma_wait3A_432 = arith.constant 0 : i32
        %dma_wait3A_433 = arith.constant 0 : i32
        %dma_wait3A_434 = tpu.memref_slice %arg8[%dma_wait3A_432, %dma_wait3A_433] : memref<100352x16xf32, #tpu.memory_space<vmem_shared>> -> memref<100352x16xf32, #tpu.memory_space<vmem_shared>>
        tpu.wait_indirect_dma semaphore(%arg10 : memref<!tpu.dma_semaphore, #tpu.memory_space<semaphore_mem>>) src(%dma_wait3A_428 : memref<128x16xf32, #tpu.memory_space<vmem>>) dst(%dma_wait3A_434 : memref<100352x16xf32, #tpu.memory_space<vmem_shared>>)
      } else {
      }
      %add3A_188 = arith.constant 1 : i32
      %add3A_189 = arith.addi %scan3A_106, %add3A_188 : i32
      %lt3A = arith.constant 131 : i32
      %lt3A_190 = arith.cmpi slt, %add3A_189, %lt3A : i32
      %convert_element_type3A_191 = arith.extui %lt3A_190 : i1 to i32
      %cond3A_192 = arith.constant 0 : i32
      %cond3A_193 = arith.cmpi ne, %convert_element_type3A_191, %cond3A_192 : i32
      scf.if %cond3A_193 {
        %add3A_357 = arith.constant 1 : i32
        %add3A_358 = arith.addi %scan3A_106, %add3A_357 : i32
        %mul3A_359 = arith.constant 6 : i32
        %mul3A_360 = arith.muli %add3A_358, %mul3A_359 : i32
        %add3A_361 = arith.addi %mul3A_6, %mul3A_360 : i32
        %dma_start3A_362 = arith.constant 0 : i32
        %dma_start3A_363 = arith.constant 0 : i32
        %dma_start3A_364 = arith.constant 0 : i32
        %dma_start3A_365 = tpu.memref_slice %arg6[%sub3A_108, %dma_start3A_362, %dma_start3A_363, %dma_start3A_364] : memref<2x6x2x128xi32, #tpu.memory_space<vmem>> -> memref<1x6x2x128xi32, #tpu.memory_space<vmem>>
        %dma_start3A_366 = tpu.memref_squeeze %dma_start3A_365 : memref<1x6x2x128xi32, #tpu.memory_space<vmem>> -> memref<6x2x128xi32, #tpu.memory_space<vmem>>
        %dma_start3A_367 = arith.constant 0 : i32
        %dma_start3A_368 = arith.constant 0 : i32
        %dma_start3A_369 = tpu.memref_slice %arg2[%add3A_361, %dma_start3A_367, %dma_start3A_368] : memref<25152x2x128xi32, #tpu.memory_space<hbm>> -> memref<6x2x128xi32, #tpu.memory_space<hbm>>
        %dma_start3A_370 = arith.constant 0 : i32
        %dma_start3A_371 = arith.constant 0 : i32
        %dma_start3A_372 = arith.constant 0 : i32
        %dma_start3A_373 = tpu.memref_slice %arg6[%sub3A_108, %dma_start3A_370, %dma_start3A_371, %dma_start3A_372] : memref<2x6x2x128xi32, #tpu.memory_space<vmem>> -> memref<1x6x2x128xi32, #tpu.memory_space<vmem>>
        %dma_start3A_374 = tpu.memref_squeeze %dma_start3A_373 : memref<1x6x2x128xi32, #tpu.memory_space<vmem>> -> memref<6x2x128xi32, #tpu.memory_space<vmem>>
        %dma_start3A_375 = arith.constant 0 : i32
        %dma_start3A_376 = arith.constant 0 : i32
        %dma_start3A_377 = tpu.memref_slice %arg2[%add3A_361, %dma_start3A_375, %dma_start3A_376] : memref<25152x2x128xi32, #tpu.memory_space<hbm>> -> memref<6x2x128xi32, #tpu.memory_space<hbm>>
        tpu.enqueue_dma source(%dma_start3A_377 : memref<6x2x128xi32, #tpu.memory_space<hbm>>) target(%dma_start3A_374 : memref<6x2x128xi32, #tpu.memory_space<vmem>>) target_semaphore(%arg11 : memref<!tpu.dma_semaphore, #tpu.memory_space<semaphore_mem>>)
      } else {
      }
      %dma_wait3A_194 = arith.constant 0 : i32
      %dma_wait3A_195 = arith.constant 0 : i32
      %dma_wait3A_196 = arith.constant 0 : i32
      %dma_wait3A_197 = arith.constant 0 : i32
      %dma_wait3A_198 = arith.constant 0 : i32
      %dma_wait3A_199 = tpu.memref_slice %arg7[%rem3A_107, %dma_wait3A_196, %dma_wait3A_197, %dma_wait3A_198] : memref<2x6x128x16xf32, #tpu.memory_space<vmem>> -> memref<1x1x128x16xf32, #tpu.memory_space<vmem>>
      %dma_wait3A_200 = tpu.memref_squeeze %dma_wait3A_199 : memref<1x1x128x16xf32, #tpu.memory_space<vmem>> -> memref<128x16xf32, #tpu.memory_space<vmem>>
      %dma_wait3A_201 = arith.constant 0 : i32
      %dma_wait3A_202 = tpu.memref_slice %arg6[%rem3A_107, %dma_wait3A_194, %dma_wait3A_195, %dma_wait3A_201] : memref<2x6x2x128xi32, #tpu.memory_space<vmem>> -> memref<1x1x1x128xi32, #tpu.memory_space<vmem>>
      %dma_wait3A_203 = tpu.memref_squeeze %dma_wait3A_202 : memref<1x1x1x128xi32, #tpu.memory_space<vmem>> -> memref<128xi32, #tpu.memory_space<vmem>>
      %dma_wait3A_204 = arith.constant 0 : i32
      %dma_wait3A_205 = arith.constant 0 : i32
      %dma_wait3A_206 = tpu.memref_slice %arg3[%dma_wait3A_204, %dma_wait3A_205] : memref<100352x16xf32, #tpu.memory_space<hbm>> -> memref<100352x16xf32, #tpu.memory_space<hbm>>
      tpu.wait_indirect_dma semaphore(%arg9 : memref<!tpu.dma_semaphore, #tpu.memory_space<semaphore_mem>>) src(%dma_wait3A_206 : memref<100352x16xf32, #tpu.memory_space<hbm>>) dst(%dma_wait3A_200 : memref<128x16xf32, #tpu.memory_space<vmem>>)
      %dma_start3A_207 = arith.constant 0 : i32
      %dma_start3A_208 = arith.constant 0 : i32
      %dma_start3A_209 = arith.constant 1 : i32
      %dma_start3A_210 = arith.constant 0 : i32
      %dma_start3A_211 = arith.constant 0 : i32
      %dma_start3A_212 = tpu.memref_slice %arg7[%rem3A_107, %dma_start3A_207, %dma_start3A_210, %dma_start3A_211] : memref<2x6x128x16xf32, #tpu.memory_space<vmem>> -> memref<1x1x128x16xf32, #tpu.memory_space<vmem>>
      %dma_start3A_213 = tpu.memref_squeeze %dma_start3A_212 : memref<1x1x128x16xf32, #tpu.memory_space<vmem>> -> memref<128x16xf32, #tpu.memory_space<vmem>>
      %dma_start3A_214 = arith.constant 0 : i32
      %dma_start3A_215 = tpu.memref_slice %arg6[%rem3A_107, %dma_start3A_208, %dma_start3A_209, %dma_start3A_214] : memref<2x6x2x128xi32, #tpu.memory_space<vmem>> -> memref<1x1x1x128xi32, #tpu.memory_space<vmem>>
      %dma_start3A_216 = tpu.memref_squeeze %dma_start3A_215 : memref<1x1x1x128xi32, #tpu.memory_space<vmem>> -> memref<128xi32, #tpu.memory_space<vmem>>
      %dma_start3A_217 = arith.constant 0 : i32
      %dma_start3A_218 = arith.constant 0 : i32
      %dma_start3A_219 = tpu.memref_slice %arg8[%dma_start3A_217, %dma_start3A_218] : memref<100352x16xf32, #tpu.memory_space<vmem_shared>> -> memref<100352x16xf32, #tpu.memory_space<vmem_shared>>
      tpu.enqueue_indirect_dma source(%dma_start3A_213 : memref<128x16xf32, #tpu.memory_space<vmem>>) target(%dma_start3A_219 : memref<100352x16xf32, #tpu.memory_space<vmem_shared>>) offsets(%dma_start3A_216 : memref<128xi32, #tpu.memory_space<vmem>>) semaphore(%arg10 : memref<!tpu.dma_semaphore, #tpu.memory_space<semaphore_mem>>) {add = true}
      %dma_wait3A_220 = arith.constant 1 : i32
      %dma_wait3A_221 = arith.constant 0 : i32
      %dma_wait3A_222 = arith.constant 1 : i32
      %dma_wait3A_223 = arith.constant 0 : i32
      %dma_wait3A_224 = arith.constant 0 : i32
      %dma_wait3A_225 = tpu.memref_slice %arg7[%rem3A_107, %dma_wait3A_222, %dma_wait3A_223, %dma_wait3A_224] : memref<2x6x128x16xf32, #tpu.memory_space<vmem>> -> memref<1x1x128x16xf32, #tpu.memory_space<vmem>>
      %dma_wait3A_226 = tpu.memref_squeeze %dma_wait3A_225 : memref<1x1x128x16xf32, #tpu.memory_space<vmem>> -> memref<128x16xf32, #tpu.memory_space<vmem>>
      %dma_wait3A_227 = arith.constant 0 : i32
      %dma_wait3A_228 = tpu.memref_slice %arg6[%rem3A_107, %dma_wait3A_220, %dma_wait3A_221, %dma_wait3A_227] : memref<2x6x2x128xi32, #tpu.memory_space<vmem>> -> memref<1x1x1x128xi32, #tpu.memory_space<vmem>>
      %dma_wait3A_229 = tpu.memref_squeeze %dma_wait3A_228 : memref<1x1x1x128xi32, #tpu.memory_space<vmem>> -> memref<128xi32, #tpu.memory_space<vmem>>
      %dma_wait3A_230 = arith.constant 0 : i32
      %dma_wait3A_231 = arith.constant 0 : i32
      %dma_wait3A_232 = tpu.memref_slice %arg3[%dma_wait3A_230, %dma_wait3A_231] : memref<100352x16xf32, #tpu.memory_space<hbm>> -> memref<100352x16xf32, #tpu.memory_space<hbm>>
      tpu.wait_indirect_dma semaphore(%arg9 : memref<!tpu.dma_semaphore, #tpu.memory_space<semaphore_mem>>) src(%dma_wait3A_232 : memref<100352x16xf32, #tpu.memory_space<hbm>>) dst(%dma_wait3A_226 : memref<128x16xf32, #tpu.memory_space<vmem>>)
      %dma_start3A_233 = arith.constant 1 : i32
      %dma_start3A_234 = arith.constant 1 : i32
      %dma_start3A_235 = arith.constant 1 : i32
      %dma_start3A_236 = arith.constant 0 : i32
      %dma_start3A_237 = arith.constant 0 : i32
      %dma_start3A_238 = tpu.memref_slice %arg7[%rem3A_107, %dma_start3A_233, %dma_start3A_236, %dma_start3A_237] : memref<2x6x128x16xf32, #tpu.memory_space<vmem>> -> memref<1x1x128x16xf32, #tpu.memory_space<vmem>>
      %dma_start3A_239 = tpu.memref_squeeze %dma_start3A_238 : memref<1x1x128x16xf32, #tpu.memory_space<vmem>> -> memref<128x16xf32, #tpu.memory_space<vmem>>
      %dma_start3A_240 = arith.constant 0 : i32
      %dma_start3A_241 = tpu.memref_slice %arg6[%rem3A_107, %dma_start3A_234, %dma_start3A_235, %dma_start3A_240] : memref<2x6x2x128xi32, #tpu.memory_space<vmem>> -> memref<1x1x1x128xi32, #tpu.memory_space<vmem>>
      %dma_start3A_242 = tpu.memref_squeeze %dma_start3A_241 : memref<1x1x1x128xi32, #tpu.memory_space<vmem>> -> memref<128xi32, #tpu.memory_space<vmem>>
      %dma_start3A_243 = arith.constant 0 : i32
      %dma_start3A_244 = arith.constant 0 : i32
      %dma_start3A_245 = tpu.memref_slice %arg8[%dma_start3A_243, %dma_start3A_244] : memref<100352x16xf32, #tpu.memory_space<vmem_shared>> -> memref<100352x16xf32, #tpu.memory_space<vmem_shared>>
      tpu.enqueue_indirect_dma source(%dma_start3A_239 : memref<128x16xf32, #tpu.memory_space<vmem>>) target(%dma_start3A_245 : memref<100352x16xf32, #tpu.memory_space<vmem_shared>>) offsets(%dma_start3A_242 : memref<128xi32, #tpu.memory_space<vmem>>) semaphore(%arg10 : memref<!tpu.dma_semaphore, #tpu.memory_space<semaphore_mem>>) {add = true}
      %dma_wait3A_246 = arith.constant 2 : i32
      %dma_wait3A_247 = arith.constant 0 : i32
      %dma_wait3A_248 = arith.constant 2 : i32
      %dma_wait3A_249 = arith.constant 0 : i32
      %dma_wait3A_250 = arith.constant 0 : i32
      %dma_wait3A_251 = tpu.memref_slice %arg7[%rem3A_107, %dma_wait3A_248, %dma_wait3A_249, %dma_wait3A_250] : memref<2x6x128x16xf32, #tpu.memory_space<vmem>> -> memref<1x1x128x16xf32, #tpu.memory_space<vmem>>
      %dma_wait3A_252 = tpu.memref_squeeze %dma_wait3A_251 : memref<1x1x128x16xf32, #tpu.memory_space<vmem>> -> memref<128x16xf32, #tpu.memory_space<vmem>>
      %dma_wait3A_253 = arith.constant 0 : i32
      %dma_wait3A_254 = tpu.memref_slice %arg6[%rem3A_107, %dma_wait3A_246, %dma_wait3A_247, %dma_wait3A_253] : memref<2x6x2x128xi32, #tpu.memory_space<vmem>> -> memref<1x1x1x128xi32, #tpu.memory_space<vmem>>
      %dma_wait3A_255 = tpu.memref_squeeze %dma_wait3A_254 : memref<1x1x1x128xi32, #tpu.memory_space<vmem>> -> memref<128xi32, #tpu.memory_space<vmem>>
      %dma_wait3A_256 = arith.constant 0 : i32
      %dma_wait3A_257 = arith.constant 0 : i32
      %dma_wait3A_258 = tpu.memref_slice %arg3[%dma_wait3A_256, %dma_wait3A_257] : memref<100352x16xf32, #tpu.memory_space<hbm>> -> memref<100352x16xf32, #tpu.memory_space<hbm>>
      tpu.wait_indirect_dma semaphore(%arg9 : memref<!tpu.dma_semaphore, #tpu.memory_space<semaphore_mem>>) src(%dma_wait3A_258 : memref<100352x16xf32, #tpu.memory_space<hbm>>) dst(%dma_wait3A_252 : memref<128x16xf32, #tpu.memory_space<vmem>>)
      %dma_start3A_259 = arith.constant 2 : i32
      %dma_start3A_260 = arith.constant 2 : i32
      %dma_start3A_261 = arith.constant 1 : i32
      %dma_start3A_262 = arith.constant 0 : i32
      %dma_start3A_263 = arith.constant 0 : i32
      %dma_start3A_264 = tpu.memref_slice %arg7[%rem3A_107, %dma_start3A_259, %dma_start3A_262, %dma_start3A_263] : memref<2x6x128x16xf32, #tpu.memory_space<vmem>> -> memref<1x1x128x16xf32, #tpu.memory_space<vmem>>
      %dma_start3A_265 = tpu.memref_squeeze %dma_start3A_264 : memref<1x1x128x16xf32, #tpu.memory_space<vmem>> -> memref<128x16xf32, #tpu.memory_space<vmem>>
      %dma_start3A_266 = arith.constant 0 : i32
      %dma_start3A_267 = tpu.memref_slice %arg6[%rem3A_107, %dma_start3A_260, %dma_start3A_261, %dma_start3A_266] : memref<2x6x2x128xi32, #tpu.memory_space<vmem>> -> memref<1x1x1x128xi32, #tpu.memory_space<vmem>>
      %dma_start3A_268 = tpu.memref_squeeze %dma_start3A_267 : memref<1x1x1x128xi32, #tpu.memory_space<vmem>> -> memref<128xi32, #tpu.memory_space<vmem>>
      %dma_start3A_269 = arith.constant 0 : i32
      %dma_start3A_270 = arith.constant 0 : i32
      %dma_start3A_271 = tpu.memref_slice %arg8[%dma_start3A_269, %dma_start3A_270] : memref<100352x16xf32, #tpu.memory_space<vmem_shared>> -> memref<100352x16xf32, #tpu.memory_space<vmem_shared>>
      tpu.enqueue_indirect_dma source(%dma_start3A_265 : memref<128x16xf32, #tpu.memory_space<vmem>>) target(%dma_start3A_271 : memref<100352x16xf32, #tpu.memory_space<vmem_shared>>) offsets(%dma_start3A_268 : memref<128xi32, #tpu.memory_space<vmem>>) semaphore(%arg10 : memref<!tpu.dma_semaphore, #tpu.memory_space<semaphore_mem>>) {add = true}
      %dma_wait3A_272 = arith.constant 3 : i32
      %dma_wait3A_273 = arith.constant 0 : i32
      %dma_wait3A_274 = arith.constant 3 : i32
      %dma_wait3A_275 = arith.constant 0 : i32
      %dma_wait3A_276 = arith.constant 0 : i32
      %dma_wait3A_277 = tpu.memref_slice %arg7[%rem3A_107, %dma_wait3A_274, %dma_wait3A_275, %dma_wait3A_276] : memref<2x6x128x16xf32, #tpu.memory_space<vmem>> -> memref<1x1x128x16xf32, #tpu.memory_space<vmem>>
      %dma_wait3A_278 = tpu.memref_squeeze %dma_wait3A_277 : memref<1x1x128x16xf32, #tpu.memory_space<vmem>> -> memref<128x16xf32, #tpu.memory_space<vmem>>
      %dma_wait3A_279 = arith.constant 0 : i32
      %dma_wait3A_280 = tpu.memref_slice %arg6[%rem3A_107, %dma_wait3A_272, %dma_wait3A_273, %dma_wait3A_279] : memref<2x6x2x128xi32, #tpu.memory_space<vmem>> -> memref<1x1x1x128xi32, #tpu.memory_space<vmem>>
      %dma_wait3A_281 = tpu.memref_squeeze %dma_wait3A_280 : memref<1x1x1x128xi32, #tpu.memory_space<vmem>> -> memref<128xi32, #tpu.memory_space<vmem>>
      %dma_wait3A_282 = arith.constant 0 : i32
      %dma_wait3A_283 = arith.constant 0 : i32
      %dma_wait3A_284 = tpu.memref_slice %arg3[%dma_wait3A_282, %dma_wait3A_283] : memref<100352x16xf32, #tpu.memory_space<hbm>> -> memref<100352x16xf32, #tpu.memory_space<hbm>>
      tpu.wait_indirect_dma semaphore(%arg9 : memref<!tpu.dma_semaphore, #tpu.memory_space<semaphore_mem>>) src(%dma_wait3A_284 : memref<100352x16xf32, #tpu.memory_space<hbm>>) dst(%dma_wait3A_278 : memref<128x16xf32, #tpu.memory_space<vmem>>)
      %dma_start3A_285 = arith.constant 3 : i32
      %dma_start3A_286 = arith.constant 3 : i32
      %dma_start3A_287 = arith.constant 1 : i32
      %dma_start3A_288 = arith.constant 0 : i32
      %dma_start3A_289 = arith.constant 0 : i32
      %dma_start3A_290 = tpu.memref_slice %arg7[%rem3A_107, %dma_start3A_285, %dma_start3A_288, %dma_start3A_289] : memref<2x6x128x16xf32, #tpu.memory_space<vmem>> -> memref<1x1x128x16xf32, #tpu.memory_space<vmem>>
      %dma_start3A_291 = tpu.memref_squeeze %dma_start3A_290 : memref<1x1x128x16xf32, #tpu.memory_space<vmem>> -> memref<128x16xf32, #tpu.memory_space<vmem>>
      %dma_start3A_292 = arith.constant 0 : i32
      %dma_start3A_293 = tpu.memref_slice %arg6[%rem3A_107, %dma_start3A_286, %dma_start3A_287, %dma_start3A_292] : memref<2x6x2x128xi32, #tpu.memory_space<vmem>> -> memref<1x1x1x128xi32, #tpu.memory_space<vmem>>
      %dma_start3A_294 = tpu.memref_squeeze %dma_start3A_293 : memref<1x1x1x128xi32, #tpu.memory_space<vmem>> -> memref<128xi32, #tpu.memory_space<vmem>>
      %dma_start3A_295 = arith.constant 0 : i32
      %dma_start3A_296 = arith.constant 0 : i32
      %dma_start3A_297 = tpu.memref_slice %arg8[%dma_start3A_295, %dma_start3A_296] : memref<100352x16xf32, #tpu.memory_space<vmem_shared>> -> memref<100352x16xf32, #tpu.memory_space<vmem_shared>>
      tpu.enqueue_indirect_dma source(%dma_start3A_291 : memref<128x16xf32, #tpu.memory_space<vmem>>) target(%dma_start3A_297 : memref<100352x16xf32, #tpu.memory_space<vmem_shared>>) offsets(%dma_start3A_294 : memref<128xi32, #tpu.memory_space<vmem>>) semaphore(%arg10 : memref<!tpu.dma_semaphore, #tpu.memory_space<semaphore_mem>>) {add = true}
      %dma_wait3A_298 = arith.constant 4 : i32
      %dma_wait3A_299 = arith.constant 0 : i32
      %dma_wait3A_300 = arith.constant 4 : i32
      %dma_wait3A_301 = arith.constant 0 : i32
      %dma_wait3A_302 = arith.constant 0 : i32
      %dma_wait3A_303 = tpu.memref_slice %arg7[%rem3A_107, %dma_wait3A_300, %dma_wait3A_301, %dma_wait3A_302] : memref<2x6x128x16xf32, #tpu.memory_space<vmem>> -> memref<1x1x128x16xf32, #tpu.memory_space<vmem>>
      %dma_wait3A_304 = tpu.memref_squeeze %dma_wait3A_303 : memref<1x1x128x16xf32, #tpu.memory_space<vmem>> -> memref<128x16xf32, #tpu.memory_space<vmem>>
      %dma_wait3A_305 = arith.constant 0 : i32
      %dma_wait3A_306 = tpu.memref_slice %arg6[%rem3A_107, %dma_wait3A_298, %dma_wait3A_299, %dma_wait3A_305] : memref<2x6x2x128xi32, #tpu.memory_space<vmem>> -> memref<1x1x1x128xi32, #tpu.memory_space<vmem>>
      %dma_wait3A_307 = tpu.memref_squeeze %dma_wait3A_306 : memref<1x1x1x128xi32, #tpu.memory_space<vmem>> -> memref<128xi32, #tpu.memory_space<vmem>>
      %dma_wait3A_308 = arith.constant 0 : i32
      %dma_wait3A_309 = arith.constant 0 : i32
      %dma_wait3A_310 = tpu.memref_slice %arg3[%dma_wait3A_308, %dma_wait3A_309] : memref<100352x16xf32, #tpu.memory_space<hbm>> -> memref<100352x16xf32, #tpu.memory_space<hbm>>
      tpu.wait_indirect_dma semaphore(%arg9 : memref<!tpu.dma_semaphore, #tpu.memory_space<semaphore_mem>>) src(%dma_wait3A_310 : memref<100352x16xf32, #tpu.memory_space<hbm>>) dst(%dma_wait3A_304 : memref<128x16xf32, #tpu.memory_space<vmem>>)
      %dma_start3A_311 = arith.constant 4 : i32
      %dma_start3A_312 = arith.constant 4 : i32
      %dma_start3A_313 = arith.constant 1 : i32
      %dma_start3A_314 = arith.constant 0 : i32
      %dma_start3A_315 = arith.constant 0 : i32
      %dma_start3A_316 = tpu.memref_slice %arg7[%rem3A_107, %dma_start3A_311, %dma_start3A_314, %dma_start3A_315] : memref<2x6x128x16xf32, #tpu.memory_space<vmem>> -> memref<1x1x128x16xf32, #tpu.memory_space<vmem>>
      %dma_start3A_317 = tpu.memref_squeeze %dma_start3A_316 : memref<1x1x128x16xf32, #tpu.memory_space<vmem>> -> memref<128x16xf32, #tpu.memory_space<vmem>>
      %dma_start3A_318 = arith.constant 0 : i32
      %dma_start3A_319 = tpu.memref_slice %arg6[%rem3A_107, %dma_start3A_312, %dma_start3A_313, %dma_start3A_318] : memref<2x6x2x128xi32, #tpu.memory_space<vmem>> -> memref<1x1x1x128xi32, #tpu.memory_space<vmem>>
      %dma_start3A_320 = tpu.memref_squeeze %dma_start3A_319 : memref<1x1x1x128xi32, #tpu.memory_space<vmem>> -> memref<128xi32, #tpu.memory_space<vmem>>
      %dma_start3A_321 = arith.constant 0 : i32
      %dma_start3A_322 = arith.constant 0 : i32
      %dma_start3A_323 = tpu.memref_slice %arg8[%dma_start3A_321, %dma_start3A_322] : memref<100352x16xf32, #tpu.memory_space<vmem_shared>> -> memref<100352x16xf32, #tpu.memory_space<vmem_shared>>
      tpu.enqueue_indirect_dma source(%dma_start3A_317 : memref<128x16xf32, #tpu.memory_space<vmem>>) target(%dma_start3A_323 : memref<100352x16xf32, #tpu.memory_space<vmem_shared>>) offsets(%dma_start3A_320 : memref<128xi32, #tpu.memory_space<vmem>>) semaphore(%arg10 : memref<!tpu.dma_semaphore, #tpu.memory_space<semaphore_mem>>) {add = true}
      %dma_wait3A_324 = arith.constant 5 : i32
      %dma_wait3A_325 = arith.constant 0 : i32
      %dma_wait3A_326 = arith.constant 5 : i32
      %dma_wait3A_327 = arith.constant 0 : i32
      %dma_wait3A_328 = arith.constant 0 : i32
      %dma_wait3A_329 = tpu.memref_slice %arg7[%rem3A_107, %dma_wait3A_326, %dma_wait3A_327, %dma_wait3A_328] : memref<2x6x128x16xf32, #tpu.memory_space<vmem>> -> memref<1x1x128x16xf32, #tpu.memory_space<vmem>>
      %dma_wait3A_330 = tpu.memref_squeeze %dma_wait3A_329 : memref<1x1x128x16xf32, #tpu.memory_space<vmem>> -> memref<128x16xf32, #tpu.memory_space<vmem>>
      %dma_wait3A_331 = arith.constant 0 : i32
      %dma_wait3A_332 = tpu.memref_slice %arg6[%rem3A_107, %dma_wait3A_324, %dma_wait3A_325, %dma_wait3A_331] : memref<2x6x2x128xi32, #tpu.memory_space<vmem>> -> memref<1x1x1x128xi32, #tpu.memory_space<vmem>>
      %dma_wait3A_333 = tpu.memref_squeeze %dma_wait3A_332 : memref<1x1x1x128xi32, #tpu.memory_space<vmem>> -> memref<128xi32, #tpu.memory_space<vmem>>
      %dma_wait3A_334 = arith.constant 0 : i32
      %dma_wait3A_335 = arith.constant 0 : i32
      %dma_wait3A_336 = tpu.memref_slice %arg3[%dma_wait3A_334, %dma_wait3A_335] : memref<100352x16xf32, #tpu.memory_space<hbm>> -> memref<100352x16xf32, #tpu.memory_space<hbm>>
      tpu.wait_indirect_dma semaphore(%arg9 : memref<!tpu.dma_semaphore, #tpu.memory_space<semaphore_mem>>) src(%dma_wait3A_336 : memref<100352x16xf32, #tpu.memory_space<hbm>>) dst(%dma_wait3A_330 : memref<128x16xf32, #tpu.memory_space<vmem>>)
      %dma_start3A_337 = arith.constant 5 : i32
      %dma_start3A_338 = arith.constant 5 : i32
      %dma_start3A_339 = arith.constant 1 : i32
      %dma_start3A_340 = arith.constant 0 : i32
      %dma_start3A_341 = arith.constant 0 : i32
      %dma_start3A_342 = tpu.memref_slice %arg7[%rem3A_107, %dma_start3A_337, %dma_start3A_340, %dma_start3A_341] : memref<2x6x128x16xf32, #tpu.memory_space<vmem>> -> memref<1x1x128x16xf32, #tpu.memory_space<vmem>>
      %dma_start3A_343 = tpu.memref_squeeze %dma_start3A_342 : memref<1x1x128x16xf32, #tpu.memory_space<vmem>> -> memref<128x16xf32, #tpu.memory_space<vmem>>
      %dma_start3A_344 = arith.constant 0 : i32
      %dma_start3A_345 = tpu.memref_slice %arg6[%rem3A_107, %dma_start3A_338, %dma_start3A_339, %dma_start3A_344] : memref<2x6x2x128xi32, #tpu.memory_space<vmem>> -> memref<1x1x1x128xi32, #tpu.memory_space<vmem>>
      %dma_start3A_346 = tpu.memref_squeeze %dma_start3A_345 : memref<1x1x1x128xi32, #tpu.memory_space<vmem>> -> memref<128xi32, #tpu.memory_space<vmem>>
      %dma_start3A_347 = arith.constant 0 : i32
      %dma_start3A_348 = arith.constant 0 : i32
      %dma_start3A_349 = tpu.memref_slice %arg8[%dma_start3A_347, %dma_start3A_348] : memref<100352x16xf32, #tpu.memory_space<vmem_shared>> -> memref<100352x16xf32, #tpu.memory_space<vmem_shared>>
      tpu.enqueue_indirect_dma source(%dma_start3A_343 : memref<128x16xf32, #tpu.memory_space<vmem>>) target(%dma_start3A_349 : memref<100352x16xf32, #tpu.memory_space<vmem_shared>>) offsets(%dma_start3A_346 : memref<128xi32, #tpu.memory_space<vmem>>) semaphore(%arg10 : memref<!tpu.dma_semaphore, #tpu.memory_space<semaphore_mem>>) {add = true}
      %add3A_350 = arith.constant 1 : i32
      %add3A_351 = arith.addi %scan3A_106, %add3A_350 : i32
      %lt3A_352 = arith.constant 131 : i32
      %lt3A_353 = arith.cmpi slt, %add3A_351, %lt3A_352 : i32
      %convert_element_type3A_354 = arith.extui %lt3A_353 : i1 to i32
      %cond3A_355 = arith.constant 0 : i32
      %cond3A_356 = arith.cmpi ne, %convert_element_type3A_354, %cond3A_355 : i32
      scf.if %cond3A_356 {
        %add3A_357 = arith.constant 1 : i32
        %add3A_358 = arith.addi %scan3A_106, %add3A_357 : i32
        %mul3A_359 = arith.constant 6 : i32
        %mul3A_360 = arith.muli %add3A_358, %mul3A_359 : i32
        %add3A_361 = arith.addi %mul3A_6, %mul3A_360 : i32
        %dma_wait3A_362 = arith.constant 0 : i32
        %dma_wait3A_363 = arith.constant 0 : i32
        %dma_wait3A_364 = arith.constant 0 : i32
        %dma_wait3A_365 = tpu.memref_slice %arg6[%sub3A_108, %dma_wait3A_362, %dma_wait3A_363, %dma_wait3A_364] : memref<2x6x2x128xi32, #tpu.memory_space<vmem>> -> memref<1x6x2x128xi32, #tpu.memory_space<vmem>>
        %dma_wait3A_366 = tpu.memref_squeeze %dma_wait3A_365 : memref<1x6x2x128xi32, #tpu.memory_space<vmem>> -> memref<6x2x128xi32, #tpu.memory_space<vmem>>
        %dma_wait3A_367 = arith.constant 0 : i32
        %dma_wait3A_368 = arith.constant 0 : i32
        %dma_wait3A_369 = tpu.memref_slice %arg2[%add3A_361, %dma_wait3A_367, %dma_wait3A_368] : memref<25152x2x128xi32, #tpu.memory_space<hbm>> -> memref<6x2x128xi32, #tpu.memory_space<hbm>>
        %dma_wait3A_370 = arith.constant 0 : i32
        %dma_wait3A_371 = arith.constant 0 : i32
        %dma_wait3A_372 = arith.constant 0 : i32
        %dma_wait3A_373 = tpu.memref_slice %arg6[%sub3A_108, %dma_wait3A_370, %dma_wait3A_371, %dma_wait3A_372] : memref<2x6x2x128xi32, #tpu.memory_space<vmem>> -> memref<1x6x2x128xi32, #tpu.memory_space<vmem>>
        %dma_wait3A_374 = tpu.memref_squeeze %dma_wait3A_373 : memref<1x6x2x128xi32, #tpu.memory_space<vmem>> -> memref<6x2x128xi32, #tpu.memory_space<vmem>>
        %dma_wait3A_375 = arith.constant 0 : i32
        %dma_wait3A_376 = arith.constant 0 : i32
        %dma_wait3A_377 = tpu.memref_slice %arg2[%add3A_361, %dma_wait3A_375, %dma_wait3A_376] : memref<25152x2x128xi32, #tpu.memory_space<hbm>> -> memref<6x2x128xi32, #tpu.memory_space<hbm>>
        tpu.wait_dma2 semaphore(%arg11 : memref<!tpu.dma_semaphore, #tpu.memory_space<semaphore_mem>>) src(%dma_wait3A_377 : memref<6x2x128xi32, #tpu.memory_space<hbm>>) dst(%dma_wait3A_374 : memref<6x2x128xi32, #tpu.memory_space<vmem>>)
      } else {
      }
    }
    %scan3A_11 = arith.constant 131 : i32
    %dma_wait3A = arith.constant 0 : i32
    %dma_wait3A_12 = arith.constant 0 : i32
    %dma_wait3A_13 = arith.constant 0 : i32
    %dma_wait3A_14 = arith.constant 0 : i32
    %dma_wait3A_15 = arith.constant 1 : i32
    %dma_wait3A_16 = arith.constant 0 : i32
    %dma_wait3A_17 = arith.constant 0 : i32
    %dma_wait3A_18 = tpu.memref_slice %arg7[%dma_wait3A, %dma_wait3A_12, %dma_wait3A_16, %dma_wait3A_17] : memref<2x6x128x16xf32, #tpu.memory_space<vmem>> -> memref<1x1x128x16xf32, #tpu.memory_space<vmem>>
    %dma_wait3A_19 = tpu.memref_squeeze %dma_wait3A_18 : memref<1x1x128x16xf32, #tpu.memory_space<vmem>> -> memref<128x16xf32, #tpu.memory_space<vmem>>
    %dma_wait3A_20 = arith.constant 0 : i32
    %dma_wait3A_21 = tpu.memref_slice %arg6[%dma_wait3A_13, %dma_wait3A_14, %dma_wait3A_15, %dma_wait3A_20] : memref<2x6x2x128xi32, #tpu.memory_space<vmem>> -> memref<1x1x1x128xi32, #tpu.memory_space<vmem>>
    %dma_wait3A_22 = tpu.memref_squeeze %dma_wait3A_21 : memref<1x1x1x128xi32, #tpu.memory_space<vmem>> -> memref<128xi32, #tpu.memory_space<vmem>>
    %dma_wait3A_23 = arith.constant 0 : i32
    %dma_wait3A_24 = arith.constant 0 : i32
    %dma_wait3A_25 = tpu.memref_slice %arg8[%dma_wait3A_23, %dma_wait3A_24] : memref<100352x16xf32, #tpu.memory_space<vmem_shared>> -> memref<100352x16xf32, #tpu.memory_space<vmem_shared>>
    tpu.wait_indirect_dma semaphore(%arg10 : memref<!tpu.dma_semaphore, #tpu.memory_space<semaphore_mem>>) src(%dma_wait3A_19 : memref<128x16xf32, #tpu.memory_space<vmem>>) dst(%dma_wait3A_25 : memref<100352x16xf32, #tpu.memory_space<vmem_shared>>)
    %dma_wait3A_26 = arith.constant 0 : i32
    %dma_wait3A_27 = arith.constant 1 : i32
    %dma_wait3A_28 = arith.constant 0 : i32
    %dma_wait3A_29 = arith.constant 1 : i32
    %dma_wait3A_30 = arith.constant 1 : i32
    %dma_wait3A_31 = arith.constant 0 : i32
    %dma_wait3A_32 = arith.constant 0 : i32
    %dma_wait3A_33 = tpu.memref_slice %arg7[%dma_wait3A_26, %dma_wait3A_27, %dma_wait3A_31, %dma_wait3A_32] : memref<2x6x128x16xf32, #tpu.memory_space<vmem>> -> memref<1x1x128x16xf32, #tpu.memory_space<vmem>>
    %dma_wait3A_34 = tpu.memref_squeeze %dma_wait3A_33 : memref<1x1x128x16xf32, #tpu.memory_space<vmem>> -> memref<128x16xf32, #tpu.memory_space<vmem>>
    %dma_wait3A_35 = arith.constant 0 : i32
    %dma_wait3A_36 = tpu.memref_slice %arg6[%dma_wait3A_28, %dma_wait3A_29, %dma_wait3A_30, %dma_wait3A_35] : memref<2x6x2x128xi32, #tpu.memory_space<vmem>> -> memref<1x1x1x128xi32, #tpu.memory_space<vmem>>
    %dma_wait3A_37 = tpu.memref_squeeze %dma_wait3A_36 : memref<1x1x1x128xi32, #tpu.memory_space<vmem>> -> memref<128xi32, #tpu.memory_space<vmem>>
    %dma_wait3A_38 = arith.constant 0 : i32
    %dma_wait3A_39 = arith.constant 0 : i32
    %dma_wait3A_40 = tpu.memref_slice %arg8[%dma_wait3A_38, %dma_wait3A_39] : memref<100352x16xf32, #tpu.memory_space<vmem_shared>> -> memref<100352x16xf32, #tpu.memory_space<vmem_shared>>
    tpu.wait_indirect_dma semaphore(%arg10 : memref<!tpu.dma_semaphore, #tpu.memory_space<semaphore_mem>>) src(%dma_wait3A_34 : memref<128x16xf32, #tpu.memory_space<vmem>>) dst(%dma_wait3A_40 : memref<100352x16xf32, #tpu.memory_space<vmem_shared>>)
    %dma_wait3A_41 = arith.constant 0 : i32
    %dma_wait3A_42 = arith.constant 2 : i32
    %dma_wait3A_43 = arith.constant 0 : i32
    %dma_wait3A_44 = arith.constant 2 : i32
    %dma_wait3A_45 = arith.constant 1 : i32
    %dma_wait3A_46 = arith.constant 0 : i32
    %dma_wait3A_47 = arith.constant 0 : i32
    %dma_wait3A_48 = tpu.memref_slice %arg7[%dma_wait3A_41, %dma_wait3A_42, %dma_wait3A_46, %dma_wait3A_47] : memref<2x6x128x16xf32, #tpu.memory_space<vmem>> -> memref<1x1x128x16xf32, #tpu.memory_space<vmem>>
    %dma_wait3A_49 = tpu.memref_squeeze %dma_wait3A_48 : memref<1x1x128x16xf32, #tpu.memory_space<vmem>> -> memref<128x16xf32, #tpu.memory_space<vmem>>
    %dma_wait3A_50 = arith.constant 0 : i32
    %dma_wait3A_51 = tpu.memref_slice %arg6[%dma_wait3A_43, %dma_wait3A_44, %dma_wait3A_45, %dma_wait3A_50] : memref<2x6x2x128xi32, #tpu.memory_space<vmem>> -> memref<1x1x1x128xi32, #tpu.memory_space<vmem>>
    %dma_wait3A_52 = tpu.memref_squeeze %dma_wait3A_51 : memref<1x1x1x128xi32, #tpu.memory_space<vmem>> -> memref<128xi32, #tpu.memory_space<vmem>>
    %dma_wait3A_53 = arith.constant 0 : i32
    %dma_wait3A_54 = arith.constant 0 : i32
    %dma_wait3A_55 = tpu.memref_slice %arg8[%dma_wait3A_53, %dma_wait3A_54] : memref<100352x16xf32, #tpu.memory_space<vmem_shared>> -> memref<100352x16xf32, #tpu.memory_space<vmem_shared>>
    tpu.wait_indirect_dma semaphore(%arg10 : memref<!tpu.dma_semaphore, #tpu.memory_space<semaphore_mem>>) src(%dma_wait3A_49 : memref<128x16xf32, #tpu.memory_space<vmem>>) dst(%dma_wait3A_55 : memref<100352x16xf32, #tpu.memory_space<vmem_shared>>)
    %dma_wait3A_56 = arith.constant 0 : i32
    %dma_wait3A_57 = arith.constant 3 : i32
    %dma_wait3A_58 = arith.constant 0 : i32
    %dma_wait3A_59 = arith.constant 3 : i32
    %dma_wait3A_60 = arith.constant 1 : i32
    %dma_wait3A_61 = arith.constant 0 : i32
    %dma_wait3A_62 = arith.constant 0 : i32
    %dma_wait3A_63 = tpu.memref_slice %arg7[%dma_wait3A_56, %dma_wait3A_57, %dma_wait3A_61, %dma_wait3A_62] : memref<2x6x128x16xf32, #tpu.memory_space<vmem>> -> memref<1x1x128x16xf32, #tpu.memory_space<vmem>>
    %dma_wait3A_64 = tpu.memref_squeeze %dma_wait3A_63 : memref<1x1x128x16xf32, #tpu.memory_space<vmem>> -> memref<128x16xf32, #tpu.memory_space<vmem>>
    %dma_wait3A_65 = arith.constant 0 : i32
    %dma_wait3A_66 = tpu.memref_slice %arg6[%dma_wait3A_58, %dma_wait3A_59, %dma_wait3A_60, %dma_wait3A_65] : memref<2x6x2x128xi32, #tpu.memory_space<vmem>> -> memref<1x1x1x128xi32, #tpu.memory_space<vmem>>
    %dma_wait3A_67 = tpu.memref_squeeze %dma_wait3A_66 : memref<1x1x1x128xi32, #tpu.memory_space<vmem>> -> memref<128xi32, #tpu.memory_space<vmem>>
    %dma_wait3A_68 = arith.constant 0 : i32
    %dma_wait3A_69 = arith.constant 0 : i32
    %dma_wait3A_70 = tpu.memref_slice %arg8[%dma_wait3A_68, %dma_wait3A_69] : memref<100352x16xf32, #tpu.memory_space<vmem_shared>> -> memref<100352x16xf32, #tpu.memory_space<vmem_shared>>
    tpu.wait_indirect_dma semaphore(%arg10 : memref<!tpu.dma_semaphore, #tpu.memory_space<semaphore_mem>>) src(%dma_wait3A_64 : memref<128x16xf32, #tpu.memory_space<vmem>>) dst(%dma_wait3A_70 : memref<100352x16xf32, #tpu.memory_space<vmem_shared>>)
    %dma_wait3A_71 = arith.constant 0 : i32
    %dma_wait3A_72 = arith.constant 4 : i32
    %dma_wait3A_73 = arith.constant 0 : i32
    %dma_wait3A_74 = arith.constant 4 : i32
    %dma_wait3A_75 = arith.constant 1 : i32
    %dma_wait3A_76 = arith.constant 0 : i32
    %dma_wait3A_77 = arith.constant 0 : i32
    %dma_wait3A_78 = tpu.memref_slice %arg7[%dma_wait3A_71, %dma_wait3A_72, %dma_wait3A_76, %dma_wait3A_77] : memref<2x6x128x16xf32, #tpu.memory_space<vmem>> -> memref<1x1x128x16xf32, #tpu.memory_space<vmem>>
    %dma_wait3A_79 = tpu.memref_squeeze %dma_wait3A_78 : memref<1x1x128x16xf32, #tpu.memory_space<vmem>> -> memref<128x16xf32, #tpu.memory_space<vmem>>
    %dma_wait3A_80 = arith.constant 0 : i32
    %dma_wait3A_81 = tpu.memref_slice %arg6[%dma_wait3A_73, %dma_wait3A_74, %dma_wait3A_75, %dma_wait3A_80] : memref<2x6x2x128xi32, #tpu.memory_space<vmem>> -> memref<1x1x1x128xi32, #tpu.memory_space<vmem>>
    %dma_wait3A_82 = tpu.memref_squeeze %dma_wait3A_81 : memref<1x1x1x128xi32, #tpu.memory_space<vmem>> -> memref<128xi32, #tpu.memory_space<vmem>>
    %dma_wait3A_83 = arith.constant 0 : i32
    %dma_wait3A_84 = arith.constant 0 : i32
    %dma_wait3A_85 = tpu.memref_slice %arg8[%dma_wait3A_83, %dma_wait3A_84] : memref<100352x16xf32, #tpu.memory_space<vmem_shared>> -> memref<100352x16xf32, #tpu.memory_space<vmem_shared>>
    tpu.wait_indirect_dma semaphore(%arg10 : memref<!tpu.dma_semaphore, #tpu.memory_space<semaphore_mem>>) src(%dma_wait3A_79 : memref<128x16xf32, #tpu.memory_space<vmem>>) dst(%dma_wait3A_85 : memref<100352x16xf32, #tpu.memory_space<vmem_shared>>)
    %dma_wait3A_86 = arith.constant 0 : i32
    %dma_wait3A_87 = arith.constant 5 : i32
    %dma_wait3A_88 = arith.constant 0 : i32
    %dma_wait3A_89 = arith.constant 5 : i32
    %dma_wait3A_90 = arith.constant 1 : i32
    %dma_wait3A_91 = arith.constant 0 : i32
    %dma_wait3A_92 = arith.constant 0 : i32
    %dma_wait3A_93 = tpu.memref_slice %arg7[%dma_wait3A_86, %dma_wait3A_87, %dma_wait3A_91, %dma_wait3A_92] : memref<2x6x128x16xf32, #tpu.memory_space<vmem>> -> memref<1x1x128x16xf32, #tpu.memory_space<vmem>>
    %dma_wait3A_94 = tpu.memref_squeeze %dma_wait3A_93 : memref<1x1x128x16xf32, #tpu.memory_space<vmem>> -> memref<128x16xf32, #tpu.memory_space<vmem>>
    %dma_wait3A_95 = arith.constant 0 : i32
    %dma_wait3A_96 = tpu.memref_slice %arg6[%dma_wait3A_88, %dma_wait3A_89, %dma_wait3A_90, %dma_wait3A_95] : memref<2x6x2x128xi32, #tpu.memory_space<vmem>> -> memref<1x1x1x128xi32, #tpu.memory_space<vmem>>
    %dma_wait3A_97 = tpu.memref_squeeze %dma_wait3A_96 : memref<1x1x1x128xi32, #tpu.memory_space<vmem>> -> memref<128xi32, #tpu.memory_space<vmem>>
    %dma_wait3A_98 = arith.constant 0 : i32
    %dma_wait3A_99 = arith.constant 0 : i32
    %dma_wait3A_100 = tpu.memref_slice %arg8[%dma_wait3A_98, %dma_wait3A_99] : memref<100352x16xf32, #tpu.memory_space<vmem_shared>> -> memref<100352x16xf32, #tpu.memory_space<vmem_shared>>
    tpu.wait_indirect_dma semaphore(%arg10 : memref<!tpu.dma_semaphore, #tpu.memory_space<semaphore_mem>>) src(%dma_wait3A_94 : memref<128x16xf32, #tpu.memory_space<vmem>>) dst(%dma_wait3A_100 : memref<100352x16xf32, #tpu.memory_space<vmem_shared>>)
    %barrier3A_101 = arith.constant 0 : index
    tpu.barrier barrier_id(%barrier3A_101)
    %mul3A_102 = arith.constant 6272 : i32
    %mul3A_103 = arith.muli %arg1, %mul3A_102 : i32
    %mul3A_104 = arith.constant 6272 : i32
    %mul3A_105 = arith.muli %arg1, %mul3A_104 : i32
    "tpu.region"() ({
      %run_scoped3A_106 = tpu.sem_alloc : memref<!tpu.dma_semaphore, #tpu.memory_space<semaphore_mem>>
      %dma_start3A = arith.constant 0 : i32
      %dma_start3A_107 = tpu.memref_slice %arg5[%arg0, %mul3A_105, %dma_start3A] : memref<2x100352x16xf32, #tpu.memory_space<hbm>> -> memref<1x6272x16xf32, #tpu.memory_space<hbm>>
      %dma_start3A_108 = tpu.memref_squeeze %dma_start3A_107 : memref<1x6272x16xf32, #tpu.memory_space<hbm>> -> memref<6272x16xf32, #tpu.memory_space<hbm>>
      %dma_start3A_109 = arith.constant 0 : i32
      %dma_start3A_110 = tpu.memref_slice %arg8[%mul3A_103, %dma_start3A_109] : memref<100352x16xf32, #tpu.memory_space<vmem_shared>> -> memref<6272x16xf32, #tpu.memory_space<vmem_shared>>
      tpu.enqueue_dma source(%dma_start3A_110 : memref<6272x16xf32, #tpu.memory_space<vmem_shared>>) target(%dma_start3A_108 : memref<6272x16xf32, #tpu.memory_space<hbm>>) target_semaphore(%run_scoped3A_106 : memref<!tpu.dma_semaphore, #tpu.memory_space<semaphore_mem>>)
      %dma_wait3A_111 = arith.constant 0 : i32
      %dma_wait3A_112 = tpu.memref_slice %arg5[%arg0, %mul3A_105, %dma_wait3A_111] : memref<2x100352x16xf32, #tpu.memory_space<hbm>> -> memref<1x6272x16xf32, #tpu.memory_space<hbm>>
      %dma_wait3A_113 = tpu.memref_squeeze %dma_wait3A_112 : memref<1x6272x16xf32, #tpu.memory_space<hbm>> -> memref<6272x16xf32, #tpu.memory_space<hbm>>
      %dma_wait3A_114 = arith.constant 0 : i32
      %dma_wait3A_115 = tpu.memref_slice %arg8[%mul3A_103, %dma_wait3A_114] : memref<100352x16xf32, #tpu.memory_space<vmem_shared>> -> memref<6272x16xf32, #tpu.memory_space<vmem_shared>>
      tpu.wait_dma2 semaphore(%run_scoped3A_106 : memref<!tpu.dma_semaphore, #tpu.memory_space<semaphore_mem>>) src(%dma_wait3A_115 : memref<6272x16xf32, #tpu.memory_space<vmem_shared>>) dst(%dma_wait3A_113 : memref<6272x16xf32, #tpu.memory_space<hbm>>)
      tpu.yield
    }) : () -> ()
    return
  }
}

#map = affine_map<(d0, d1) -> (0, 0, 0)>
#map1 = affine_map<(d0, d1) -> (0, 0)>
module attributes {stable_mosaic.version = 14 : i64} {
  func.func @body(%arg0: i32, %arg1: i32, %arg2: memref<25152x2x128xi32, #tpu.memory_space<hbm>>, %arg3: memref<100352x16xf32, #tpu.memory_space<hbm>>, %arg4: memref<100352x16xf32, #tpu.memory_space<hbm>>, %arg5: memref<2x100352x16xf32, #tpu.memory_space<hbm>>, %arg6: memref<2x6x2x128xi32, #tpu.memory_space<vmem>>, %arg7: memref<2x6x128x16xf32, #tpu.memory_space<vmem>>, %arg8: memref<100352x16xf32, #tpu.memory_space<vmem_shared>>, %arg9: memref<!tpu.dma_semaphore, #tpu.memory_space<semaphore_mem>>, %arg10: memref<!tpu.dma_semaphore, #tpu.memory_space<semaphore_mem>>, %arg11: memref<!tpu.dma_semaphore, #tpu.memory_space<semaphore_mem>>) attributes {dimension_semantics = [#tpu.dimension_semantics<core_parallel>, #tpu.dimension_semantics<subcore_parallel>], iteration_bounds = array<i64: 2, 16>, scalar_prefetch = 0 : i64, scratch_operands = 6 : i64, tpu.core_type = #tpu.core_type<sc_vector_subcore>, window_params = [{transform_indices = #map}, {transform_indices = #map1}, {transform_indices = #map1}, {transform_indices = #map}]} {
    %mul3A = arith.constant 2 : i32
    %mul3A_0 = arith.muli %arg1, %mul3A : i32
    %add3A = arith.addi %mul3A_0, %arg0 : i32
    %mul3A_1 = arith.constant 6272 : i32
    %mul3A_2 = arith.muli %arg1, %mul3A_1 : i32
    %mul3A_3 = arith.constant 6272 : i32
    %mul3A_4 = arith.muli %arg1, %mul3A_3 : i32
    "tpu.region"() ({
      %run_scoped3A_106 = tpu.sem_alloc : memref<!tpu.dma_semaphore, #tpu.memory_space<semaphore_mem>>
      %dma_start3A = arith.constant 0 : i32
      %dma_start3A_107 = tpu.memref_slice %arg8[%mul3A_4, %dma_start3A] : memref<100352x16xf32, #tpu.memory_space<vmem_shared>> -> memref<6272x16xf32, #tpu.memory_space<vmem_shared>>
      %dma_start3A_108 = arith.constant 0 : i32
      %dma_start3A_109 = tpu.memref_slice %arg4[%mul3A_2, %dma_start3A_108] : memref<100352x16xf32, #tpu.memory_space<hbm>> -> memref<6272x16xf32, #tpu.memory_space<hbm>>
      tpu.enqueue_dma source(%dma_start3A_109 : memref<6272x16xf32, #tpu.memory_space<hbm>>) target(%dma_start3A_107 : memref<6272x16xf32, #tpu.memory_space<vmem_shared>>) target_semaphore(%run_scoped3A_106 : memref<!tpu.dma_semaphore, #tpu.memory_space<semaphore_mem>>)
      %dma_wait3A_110 = arith.constant 0 : i32
      %dma_wait3A_111 = tpu.memref_slice %arg8[%mul3A_4, %dma_wait3A_110] : memref<100352x16xf32, #tpu.memory_space<vmem_shared>> -> memref<6272x16xf32, #tpu.memory_space<vmem_shared>>
      %dma_wait3A_112 = arith.constant 0 : i32
      %dma_wait3A_113 = tpu.memref_slice %arg4[%mul3A_2, %dma_wait3A_112] : memref<100352x16xf32, #tpu.memory_space<hbm>> -> memref<6272x16xf32, #tpu.memory_space<hbm>>
      tpu.wait_dma2 semaphore(%run_scoped3A_106 : memref<!tpu.dma_semaphore, #tpu.memory_space<semaphore_mem>>) src(%dma_wait3A_113 : memref<6272x16xf32, #tpu.memory_space<hbm>>) dst(%dma_wait3A_111 : memref<6272x16xf32, #tpu.memory_space<vmem_shared>>)
      tpu.yield
    }) : () -> ()
    %barrier3A = arith.constant 0 : index
    tpu.barrier barrier_id(%barrier3A)
    %mul3A_5 = arith.constant 786 : i32
    %mul3A_6 = arith.muli %add3A, %mul3A_5 : i32
    %run_scoped3A = arith.constant 0 : i32
    "tpu.region"() ({
      %run_scoped3A_106 = tpu.sem_alloc : memref<!tpu.dma_semaphore, #tpu.memory_space<semaphore_mem>>
      %dma_start3A = arith.constant 0 : i32
      %dma_start3A_107 = arith.constant 0 : i32
      %dma_start3A_108 = arith.constant 0 : i32
      %dma_start3A_109 = tpu.memref_slice %arg6[%run_scoped3A, %dma_start3A, %dma_start3A_107, %dma_start3A_108] : memref<2x6x2x128xi32, #tpu.memory_space<vmem>> -> memref<1x6x2x128xi32, #tpu.memory_space<vmem>>
      %dma_start3A_110 = tpu.memref_squeeze %dma_start3A_109 : memref<1x6x2x128xi32, #tpu.memory_space<vmem>> -> memref<6x2x128xi32, #tpu.memory_space<vmem>>
      %dma_start3A_111 = arith.constant 0 : i32
      %dma_start3A_112 = arith.constant 0 : i32
      %dma_start3A_113 = tpu.memref_slice %arg2[%mul3A_6, %dma_start3A_111, %dma_start3A_112] : memref<25152x2x128xi32, #tpu.memory_space<hbm>> -> memref<6x2x128xi32, #tpu.memory_space<hbm>>
      %dma_start3A_114 = arith.constant 0 : i32
      %dma_start3A_115 = arith.constant 0 : i32
      %dma_start3A_116 = arith.constant 0 : i32
      %dma_start3A_117 = tpu.memref_slice %arg6[%run_scoped3A, %dma_start3A_114, %dma_start3A_115, %dma_start3A_116] : memref<2x6x2x128xi32, #tpu.memory_space<vmem>> -> memref<1x6x2x128xi32, #tpu.memory_space<vmem>>
      %dma_start3A_118 = tpu.memref_squeeze %dma_start3A_117 : memref<1x6x2x128xi32, #tpu.memory_space<vmem>> -> memref<6x2x128xi32, #tpu.memory_space<vmem>>
      %dma_start3A_119 = arith.constant 0 : i32
      %dma_start3A_120 = arith.constant 0 : i32
      %dma_start3A_121 = tpu.memref_slice %arg2[%mul3A_6, %dma_start3A_119, %dma_start3A_120] : memref<25152x2x128xi32, #tpu.memory_space<hbm>> -> memref<6x2x128xi32, #tpu.memory_space<hbm>>
      tpu.enqueue_dma source(%dma_start3A_121 : memref<6x2x128xi32, #tpu.memory_space<hbm>>) target(%dma_start3A_118 : memref<6x2x128xi32, #tpu.memory_space<vmem>>) target_semaphore(%run_scoped3A_106 : memref<!tpu.dma_semaphore, #tpu.memory_space<semaphore_mem>>)
      %dma_wait3A_122 = arith.constant 0 : i32
      %dma_wait3A_123 = arith.constant 0 : i32
      %dma_wait3A_124 = arith.constant 0 : i32
      %dma_wait3A_125 = tpu.memref_slice %arg6[%run_scoped3A, %dma_wait3A_122, %dma_wait3A_123, %dma_wait3A_124] : memref<2x6x2x128xi32, #tpu.memory_space<vmem>> -> memref<1x6x2x128xi32, #tpu.memory_space<vmem>>
      %dma_wait3A_126 = tpu.memref_squeeze %dma_wait3A_125 : memref<1x6x2x128xi32, #tpu.memory_space<vmem>> -> memref<6x2x128xi32, #tpu.memory_space<vmem>>
      %dma_wait3A_127 = arith.constant 0 : i32
      %dma_wait3A_128 = arith.constant 0 : i32
      %dma_wait3A_129 = tpu.memref_slice %arg2[%mul3A_6, %dma_wait3A_127, %dma_wait3A_128] : memref<25152x2x128xi32, #tpu.memory_space<hbm>> -> memref<6x2x128xi32, #tpu.memory_space<hbm>>
      %dma_wait3A_130 = arith.constant 0 : i32
      %dma_wait3A_131 = arith.constant 0 : i32
      %dma_wait3A_132 = arith.constant 0 : i32
      %dma_wait3A_133 = tpu.memref_slice %arg6[%run_scoped3A, %dma_wait3A_130, %dma_wait3A_131, %dma_wait3A_132] : memref<2x6x2x128xi32, #tpu.memory_space<vmem>> -> memref<1x6x2x128xi32, #tpu.memory_space<vmem>>
      %dma_wait3A_134 = tpu.memref_squeeze %dma_wait3A_133 : memref<1x6x2x128xi32, #tpu.memory_space<vmem>> -> memref<6x2x128xi32, #tpu.memory_space<vmem>>
      %dma_wait3A_135 = arith.constant 0 : i32
      %dma_wait3A_136 = arith.constant 0 : i32
      %dma_wait3A_137 = tpu.memref_slice %arg2[%mul3A_6, %dma_wait3A_135, %dma_wait3A_136] : memref<25152x2x128xi32, #tpu.memory_space<hbm>> -> memref<6x2x128xi32, #tpu.memory_space<hbm>>
      tpu.wait_dma2 semaphore(%run_scoped3A_106 : memref<!tpu.dma_semaphore, #tpu.memory_space<semaphore_mem>>) src(%dma_wait3A_137 : memref<6x2x128xi32, #tpu.memory_space<hbm>>) dst(%dma_wait3A_134 : memref<6x2x128xi32, #tpu.memory_space<vmem>>)
      tpu.yield
    }) : () -> ()
    %scan3A = arith.constant 0 : i32
    %scan3A_7 = arith.constant 0 : i32
    %scan3A_8 = arith.constant 131 : i32
    %scan3A_9 = arith.addi %scan3A_7, %scan3A_8 : i32
    %scan3A_10 = arith.constant 1 : i32
    scf.for %scan3A_106 = %scan3A_7 to %scan3A_9 step %scan3A_10  : i32 {
      %rem3A = arith.constant 2 : i32
      %rem3A_107 = arith.remsi %scan3A_106, %rem3A : i32
      %sub3A = arith.constant 1 : i32
      %sub3A_108 = arith.subi %sub3A, %rem3A_107 : i32
      %dma_start3A = arith.constant 0 : i32
      %dma_start3A_109 = arith.constant 0 : i32
      %dma_start3A_110 = arith.constant 0 : i32
      %dma_start3A_111 = arith.constant 0 : i32
      %dma_start3A_112 = arith.constant 0 : i32
      %dma_start3A_113 = tpu.memref_slice %arg7[%rem3A_107, %dma_start3A_110, %dma_start3A_111, %dma_start3A_112] : memref<2x6x128x16xf32, #tpu.memory_space<vmem>> -> memref<1x1x128x16xf32, #tpu.memory_space<vmem>>
      %dma_start3A_114 = tpu.memref_squeeze %dma_start3A_113 : memref<1x1x128x16xf32, #tpu.memory_space<vmem>> -> memref<128x16xf32, #tpu.memory_space<vmem>>
      %dma_start3A_115 = arith.constant 0 : i32
      %dma_start3A_116 = tpu.memref_slice %arg6[%rem3A_107, %dma_start3A, %dma_start3A_109, %dma_start3A_115] : memref<2x6x2x128xi32, #tpu.memory_space<vmem>> -> memref<1x1x1x128xi32, #tpu.memory_space<vmem>>
      %dma_start3A_117 = tpu.memref_squeeze %dma_start3A_116 : memref<1x1x1x128xi32, #tpu.memory_space<vmem>> -> memref<128xi32, #tpu.memory_space<vmem>>
      %dma_start3A_118 = arith.constant 0 : i32
      %dma_start3A_119 = arith.constant 0 : i32
      %dma_start3A_120 = tpu.memref_slice %arg3[%dma_start3A_118, %dma_start3A_119] : memref<100352x16xf32, #tpu.memory_space<hbm>> -> memref<100352x16xf32, #tpu.memory_space<hbm>>
      tpu.enqueue_indirect_dma source(%dma_start3A_120 : memref<100352x16xf32, #tpu.memory_space<hbm>>) target(%dma_start3A_114 : memref<128x16xf32, #tpu.memory_space<vmem>>) offsets(%dma_start3A_117 : memref<128xi32, #tpu.memory_space<vmem>>) semaphore(%arg9 : memref<!tpu.dma_semaphore, #tpu.memory_space<semaphore_mem>>)
      %dma_start3A_121 = arith.constant 1 : i32
      %dma_start3A_122 = arith.constant 0 : i32
      %dma_start3A_123 = arith.constant 1 : i32
      %dma_start3A_124 = arith.constant 0 : i32
      %dma_start3A_125 = arith.constant 0 : i32
      %dma_start3A_126 = tpu.memref_slice %arg7[%rem3A_107, %dma_start3A_123, %dma_start3A_124, %dma_start3A_125] : memref<2x6x128x16xf32, #tpu.memory_space<vmem>> -> memref<1x1x128x16xf32, #tpu.memory_space<vmem>>
      %dma_start3A_127 = tpu.memref_squeeze %dma_start3A_126 : memref<1x1x128x16xf32, #tpu.memory_space<vmem>> -> memref<128x16xf32, #tpu.memory_space<vmem>>
      %dma_start3A_128 = arith.constant 0 : i32
      %dma_start3A_129 = tpu.memref_slice %arg6[%rem3A_107, %dma_start3A_121, %dma_start3A_122, %dma_start3A_128] : memref<2x6x2x128xi32, #tpu.memory_space<vmem>> -> memref<1x1x1x128xi32, #tpu.memory_space<vmem>>
      %dma_start3A_130 = tpu.memref_squeeze %dma_start3A_129 : memref<1x1x1x128xi32, #tpu.memory_space<vmem>> -> memref<128xi32, #tpu.memory_space<vmem>>
      %dma_start3A_131 = arith.constant 0 : i32
      %dma_start3A_132 = arith.constant 0 : i32
      %dma_start3A_133 = tpu.memref_slice %arg3[%dma_start3A_131, %dma_start3A_132] : memref<100352x16xf32, #tpu.memory_space<hbm>> -> memref<100352x16xf32, #tpu.memory_space<hbm>>
      tpu.enqueue_indirect_dma source(%dma_start3A_133 : memref<100352x16xf32, #tpu.memory_space<hbm>>) target(%dma_start3A_127 : memref<128x16xf32, #tpu.memory_space<vmem>>) offsets(%dma_start3A_130 : memref<128xi32, #tpu.memory_space<vmem>>) semaphore(%arg9 : memref<!tpu.dma_semaphore, #tpu.memory_space<semaphore_mem>>)
      %dma_start3A_134 = arith.constant 2 : i32
      %dma_start3A_135 = arith.constant 0 : i32
      %dma_start3A_136 = arith.constant 2 : i32
      %dma_start3A_137 = arith.constant 0 : i32
      %dma_start3A_138 = arith.constant 0 : i32
      %dma_start3A_139 = tpu.memref_slice %arg7[%rem3A_107, %dma_start3A_136, %dma_start3A_137, %dma_start3A_138] : memref<2x6x128x16xf32, #tpu.memory_space<vmem>> -> memref<1x1x128x16xf32, #tpu.memory_space<vmem>>
      %dma_start3A_140 = tpu.memref_squeeze %dma_start3A_139 : memref<1x1x128x16xf32, #tpu.memory_space<vmem>> -> memref<128x16xf32, #tpu.memory_space<vmem>>
      %dma_start3A_141 = arith.constant 0 : i32
      %dma_start3A_142 = tpu.memref_slice %arg6[%rem3A_107, %dma_start3A_134, %dma_start3A_135, %dma_start3A_141] : memref<2x6x2x128xi32, #tpu.memory_space<vmem>> -> memref<1x1x1x128xi32, #tpu.memory_space<vmem>>
      %dma_start3A_143 = tpu.memref_squeeze %dma_start3A_142 : memref<1x1x1x128xi32, #tpu.memory_space<vmem>> -> memref<128xi32, #tpu.memory_space<vmem>>
      %dma_start3A_144 = arith.constant 0 : i32
      %dma_start3A_145 = arith.constant 0 : i32
      %dma_start3A_146 = tpu.memref_slice %arg3[%dma_start3A_144, %dma_start3A_145] : memref<100352x16xf32, #tpu.memory_space<hbm>> -> memref<100352x16xf32, #tpu.memory_space<hbm>>
      tpu.enqueue_indirect_dma source(%dma_start3A_146 : memref<100352x16xf32, #tpu.memory_space<hbm>>) target(%dma_start3A_140 : memref<128x16xf32, #tpu.memory_space<vmem>>) offsets(%dma_start3A_143 : memref<128xi32, #tpu.memory_space<vmem>>) semaphore(%arg9 : memref<!tpu.dma_semaphore, #tpu.memory_space<semaphore_mem>>)
      %dma_start3A_147 = arith.constant 3 : i32
      %dma_start3A_148 = arith.constant 0 : i32
      %dma_start3A_149 = arith.constant 3 : i32
      %dma_start3A_150 = arith.constant 0 : i32
      %dma_start3A_151 = arith.constant 0 : i32
      %dma_start3A_152 = tpu.memref_slice %arg7[%rem3A_107, %dma_start3A_149, %dma_start3A_150, %dma_start3A_151] : memref<2x6x128x16xf32, #tpu.memory_space<vmem>> -> memref<1x1x128x16xf32, #tpu.memory_space<vmem>>
      %dma_start3A_153 = tpu.memref_squeeze %dma_start3A_152 : memref<1x1x128x16xf32, #tpu.memory_space<vmem>> -> memref<128x16xf32, #tpu.memory_space<vmem>>
      %dma_start3A_154 = arith.constant 0 : i32
      %dma_start3A_155 = tpu.memref_slice %arg6[%rem3A_107, %dma_start3A_147, %dma_start3A_148, %dma_start3A_154] : memref<2x6x2x128xi32, #tpu.memory_space<vmem>> -> memref<1x1x1x128xi32, #tpu.memory_space<vmem>>
      %dma_start3A_156 = tpu.memref_squeeze %dma_start3A_155 : memref<1x1x1x128xi32, #tpu.memory_space<vmem>> -> memref<128xi32, #tpu.memory_space<vmem>>
      %dma_start3A_157 = arith.constant 0 : i32
      %dma_start3A_158 = arith.constant 0 : i32
      %dma_start3A_159 = tpu.memref_slice %arg3[%dma_start3A_157, %dma_start3A_158] : memref<100352x16xf32, #tpu.memory_space<hbm>> -> memref<100352x16xf32, #tpu.memory_space<hbm>>
      tpu.enqueue_indirect_dma source(%dma_start3A_159 : memref<100352x16xf32, #tpu.memory_space<hbm>>) target(%dma_start3A_153 : memref<128x16xf32, #tpu.memory_space<vmem>>) offsets(%dma_start3A_156 : memref<128xi32, #tpu.memory_space<vmem>>) semaphore(%arg9 : memref<!tpu.dma_semaphore, #tpu.memory_space<semaphore_mem>>)
      %dma_start3A_160 = arith.constant 4 : i32
      %dma_start3A_161 = arith.constant 0 : i32
      %dma_start3A_162 = arith.constant 4 : i32
      %dma_start3A_163 = arith.constant 0 : i32
      %dma_start3A_164 = arith.constant 0 : i32
      %dma_start3A_165 = tpu.memref_slice %arg7[%rem3A_107, %dma_start3A_162, %dma_start3A_163, %dma_start3A_164] : memref<2x6x128x16xf32, #tpu.memory_space<vmem>> -> memref<1x1x128x16xf32, #tpu.memory_space<vmem>>
      %dma_start3A_166 = tpu.memref_squeeze %dma_start3A_165 : memref<1x1x128x16xf32, #tpu.memory_space<vmem>> -> memref<128x16xf32, #tpu.memory_space<vmem>>
      %dma_start3A_167 = arith.constant 0 : i32
      %dma_start3A_168 = tpu.memref_slice %arg6[%rem3A_107, %dma_start3A_160, %dma_start3A_161, %dma_start3A_167] : memref<2x6x2x128xi32, #tpu.memory_space<vmem>> -> memref<1x1x1x128xi32, #tpu.memory_space<vmem>>
      %dma_start3A_169 = tpu.memref_squeeze %dma_start3A_168 : memref<1x1x1x128xi32, #tpu.memory_space<vmem>> -> memref<128xi32, #tpu.memory_space<vmem>>
      %dma_start3A_170 = arith.constant 0 : i32
      %dma_start3A_171 = arith.constant 0 : i32
      %dma_start3A_172 = tpu.memref_slice %arg3[%dma_start3A_170, %dma_start3A_171] : memref<100352x16xf32, #tpu.memory_space<hbm>> -> memref<100352x16xf32, #tpu.memory_space<hbm>>
      tpu.enqueue_indirect_dma source(%dma_start3A_172 : memref<100352x16xf32, #tpu.memory_space<hbm>>) target(%dma_start3A_166 : memref<128x16xf32, #tpu.memory_space<vmem>>) offsets(%dma_start3A_169 : memref<128xi32, #tpu.memory_space<vmem>>) semaphore(%arg9 : memref<!tpu.dma_semaphore, #tpu.memory_space<semaphore_mem>>)
      %dma_start3A_173 = arith.constant 5 : i32
      %dma_start3A_174 = arith.constant 0 : i32
      %dma_start3A_175 = arith.constant 5 : i32
      %dma_start3A_176 = arith.constant 0 : i32
      %dma_start3A_177 = arith.constant 0 : i32
      %dma_start3A_178 = tpu.memref_slice %arg7[%rem3A_107, %dma_start3A_175, %dma_start3A_176, %dma_start3A_177] : memref<2x6x128x16xf32, #tpu.memory_space<vmem>> -> memref<1x1x128x16xf32, #tpu.memory_space<vmem>>
      %dma_start3A_179 = tpu.memref_squeeze %dma_start3A_178 : memref<1x1x128x16xf32, #tpu.memory_space<vmem>> -> memref<128x16xf32, #tpu.memory_space<vmem>>
      %dma_start3A_180 = arith.constant 0 : i32
      %dma_start3A_181 = tpu.memref_slice %arg6[%rem3A_107, %dma_start3A_173, %dma_start3A_174, %dma_start3A_180] : memref<2x6x2x128xi32, #tpu.memory_space<vmem>> -> memref<1x1x1x128xi32, #tpu.memory_space<vmem>>
      %dma_start3A_182 = tpu.memref_squeeze %dma_start3A_181 : memref<1x1x1x128xi32, #tpu.memory_space<vmem>> -> memref<128xi32, #tpu.memory_space<vmem>>
      %dma_start3A_183 = arith.constant 0 : i32
      %dma_start3A_184 = arith.constant 0 : i32
      %dma_start3A_185 = tpu.memref_slice %arg3[%dma_start3A_183, %dma_start3A_184] : memref<100352x16xf32, #tpu.memory_space<hbm>> -> memref<100352x16xf32, #tpu.memory_space<hbm>>
      tpu.enqueue_indirect_dma source(%dma_start3A_185 : memref<100352x16xf32, #tpu.memory_space<hbm>>) target(%dma_start3A_179 : memref<128x16xf32, #tpu.memory_space<vmem>>) offsets(%dma_start3A_182 : memref<128xi32, #tpu.memory_space<vmem>>) semaphore(%arg9 : memref<!tpu.dma_semaphore, #tpu.memory_space<semaphore_mem>>)
      %ge3A = arith.constant 1 : i32
      %ge3A_186 = arith.cmpi sge, %scan3A_106, %ge3A : i32
      %convert_element_type3A = arith.extui %ge3A_186 : i1 to i32
      %cond3A = arith.constant 0 : i32
      %cond3A_187 = arith.cmpi ne, %convert_element_type3A, %cond3A : i32
      scf.if %cond3A_187 {
        %dma_wait3A_357 = arith.constant 0 : i32
        %dma_wait3A_358 = arith.constant 0 : i32
        %dma_wait3A_359 = arith.constant 1 : i32
        %dma_wait3A_360 = arith.constant 0 : i32
        %dma_wait3A_361 = arith.constant 0 : i32
        %dma_wait3A_362 = tpu.memref_slice %arg7[%sub3A_108, %dma_wait3A_357, %dma_wait3A_360, %dma_wait3A_361] : memref<2x6x128x16xf32, #tpu.memory_space<vmem>> -> memref<1x1x128x16xf32, #tpu.memory_space<vmem>>
        %dma_wait3A_363 = tpu.memref_squeeze %dma_wait3A_362 : memref<1x1x128x16xf32, #tpu.memory_space<vmem>> -> memref<128x16xf32, #tpu.memory_space<vmem>>
        %dma_wait3A_364 = arith.constant 0 : i32
        %dma_wait3A_365 = tpu.memref_slice %arg6[%sub3A_108, %dma_wait3A_358, %dma_wait3A_359, %dma_wait3A_364] : memref<2x6x2x128xi32, #tpu.memory_space<vmem>> -> memref<1x1x1x128xi32, #tpu.memory_space<vmem>>
        %dma_wait3A_366 = tpu.memref_squeeze %dma_wait3A_365 : memref<1x1x1x128xi32, #tpu.memory_space<vmem>> -> memref<128xi32, #tpu.memory_space<vmem>>
        %dma_wait3A_367 = arith.constant 0 : i32
        %dma_wait3A_368 = arith.constant 0 : i32
        %dma_wait3A_369 = tpu.memref_slice %arg8[%dma_wait3A_367, %dma_wait3A_368] : memref<100352x16xf32, #tpu.memory_space<vmem_shared>> -> memref<100352x16xf32, #tpu.memory_space<vmem_shared>>
        tpu.wait_indirect_dma semaphore(%arg10 : memref<!tpu.dma_semaphore, #tpu.memory_space<semaphore_mem>>) src(%dma_wait3A_363 : memref<128x16xf32, #tpu.memory_space<vmem>>) dst(%dma_wait3A_369 : memref<100352x16xf32, #tpu.memory_space<vmem_shared>>)
        %dma_wait3A_370 = arith.constant 1 : i32
        %dma_wait3A_371 = arith.constant 1 : i32
        %dma_wait3A_372 = arith.constant 1 : i32
        %dma_wait3A_373 = arith.constant 0 : i32
        %dma_wait3A_374 = arith.constant 0 : i32
        %dma_wait3A_375 = tpu.memref_slice %arg7[%sub3A_108, %dma_wait3A_370, %dma_wait3A_373, %dma_wait3A_374] : memref<2x6x128x16xf32, #tpu.memory_space<vmem>> -> memref<1x1x128x16xf32, #tpu.memory_space<vmem>>
        %dma_wait3A_376 = tpu.memref_squeeze %dma_wait3A_375 : memref<1x1x128x16xf32, #tpu.memory_space<vmem>> -> memref<128x16xf32, #tpu.memory_space<vmem>>
        %dma_wait3A_377 = arith.constant 0 : i32
        %dma_wait3A_378 = tpu.memref_slice %arg6[%sub3A_108, %dma_wait3A_371, %dma_wait3A_372, %dma_wait3A_377] : memref<2x6x2x128xi32, #tpu.memory_space<vmem>> -> memref<1x1x1x128xi32, #tpu.memory_space<vmem>>
        %dma_wait3A_379 = tpu.memref_squeeze %dma_wait3A_378 : memref<1x1x1x128xi32, #tpu.memory_space<vmem>> -> memref<128xi32, #tpu.memory_space<vmem>>
        %dma_wait3A_380 = arith.constant 0 : i32
        %dma_wait3A_381 = arith.constant 0 : i32
        %dma_wait3A_382 = tpu.memref_slice %arg8[%dma_wait3A_380, %dma_wait3A_381] : memref<100352x16xf32, #tpu.memory_space<vmem_shared>> -> memref<100352x16xf32, #tpu.memory_space<vmem_shared>>
        tpu.wait_indirect_dma semaphore(%arg10 : memref<!tpu.dma_semaphore, #tpu.memory_space<semaphore_mem>>) src(%dma_wait3A_376 : memref<128x16xf32, #tpu.memory_space<vmem>>) dst(%dma_wait3A_382 : memref<100352x16xf32, #tpu.memory_space<vmem_shared>>)
        %dma_wait3A_383 = arith.constant 2 : i32
        %dma_wait3A_384 = arith.constant 2 : i32
        %dma_wait3A_385 = arith.constant 1 : i32
        %dma_wait3A_386 = arith.constant 0 : i32
        %dma_wait3A_387 = arith.constant 0 : i32
        %dma_wait3A_388 = tpu.memref_slice %arg7[%sub3A_108, %dma_wait3A_383, %dma_wait3A_386, %dma_wait3A_387] : memref<2x6x128x16xf32, #tpu.memory_space<vmem>> -> memref<1x1x128x16xf32, #tpu.memory_space<vmem>>
        %dma_wait3A_389 = tpu.memref_squeeze %dma_wait3A_388 : memref<1x1x128x16xf32, #tpu.memory_space<vmem>> -> memref<128x16xf32, #tpu.memory_space<vmem>>
        %dma_wait3A_390 = arith.constant 0 : i32
        %dma_wait3A_391 = tpu.memref_slice %arg6[%sub3A_108, %dma_wait3A_384, %dma_wait3A_385, %dma_wait3A_390] : memref<2x6x2x128xi32, #tpu.memory_space<vmem>> -> memref<1x1x1x128xi32, #tpu.memory_space<vmem>>
        %dma_wait3A_392 = tpu.memref_squeeze %dma_wait3A_391 : memref<1x1x1x128xi32, #tpu.memory_space<vmem>> -> memref<128xi32, #tpu.memory_space<vmem>>
        %dma_wait3A_393 = arith.constant 0 : i32
        %dma_wait3A_394 = arith.constant 0 : i32
        %dma_wait3A_395 = tpu.memref_slice %arg8[%dma_wait3A_393, %dma_wait3A_394] : memref<100352x16xf32, #tpu.memory_space<vmem_shared>> -> memref<100352x16xf32, #tpu.memory_space<vmem_shared>>
        tpu.wait_indirect_dma semaphore(%arg10 : memref<!tpu.dma_semaphore, #tpu.memory_space<semaphore_mem>>) src(%dma_wait3A_389 : memref<128x16xf32, #tpu.memory_space<vmem>>) dst(%dma_wait3A_395 : memref<100352x16xf32, #tpu.memory_space<vmem_shared>>)
        %dma_wait3A_396 = arith.constant 3 : i32
        %dma_wait3A_397 = arith.constant 3 : i32
        %dma_wait3A_398 = arith.constant 1 : i32
        %dma_wait3A_399 = arith.constant 0 : i32
        %dma_wait3A_400 = arith.constant 0 : i32
        %dma_wait3A_401 = tpu.memref_slice %arg7[%sub3A_108, %dma_wait3A_396, %dma_wait3A_399, %dma_wait3A_400] : memref<2x6x128x16xf32, #tpu.memory_space<vmem>> -> memref<1x1x128x16xf32, #tpu.memory_space<vmem>>
        %dma_wait3A_402 = tpu.memref_squeeze %dma_wait3A_401 : memref<1x1x128x16xf32, #tpu.memory_space<vmem>> -> memref<128x16xf32, #tpu.memory_space<vmem>>
        %dma_wait3A_403 = arith.constant 0 : i32
        %dma_wait3A_404 = tpu.memref_slice %arg6[%sub3A_108, %dma_wait3A_397, %dma_wait3A_398, %dma_wait3A_403] : memref<2x6x2x128xi32, #tpu.memory_space<vmem>> -> memref<1x1x1x128xi32, #tpu.memory_space<vmem>>
        %dma_wait3A_405 = tpu.memref_squeeze %dma_wait3A_404 : memref<1x1x1x128xi32, #tpu.memory_space<vmem>> -> memref<128xi32, #tpu.memory_space<vmem>>
        %dma_wait3A_406 = arith.constant 0 : i32
        %dma_wait3A_407 = arith.constant 0 : i32
        %dma_wait3A_408 = tpu.memref_slice %arg8[%dma_wait3A_406, %dma_wait3A_407] : memref<100352x16xf32, #tpu.memory_space<vmem_shared>> -> memref<100352x16xf32, #tpu.memory_space<vmem_shared>>
        tpu.wait_indirect_dma semaphore(%arg10 : memref<!tpu.dma_semaphore, #tpu.memory_space<semaphore_mem>>) src(%dma_wait3A_402 : memref<128x16xf32, #tpu.memory_space<vmem>>) dst(%dma_wait3A_408 : memref<100352x16xf32, #tpu.memory_space<vmem_shared>>)
        %dma_wait3A_409 = arith.constant 4 : i32
        %dma_wait3A_410 = arith.constant 4 : i32
        %dma_wait3A_411 = arith.constant 1 : i32
        %dma_wait3A_412 = arith.constant 0 : i32
        %dma_wait3A_413 = arith.constant 0 : i32
        %dma_wait3A_414 = tpu.memref_slice %arg7[%sub3A_108, %dma_wait3A_409, %dma_wait3A_412, %dma_wait3A_413] : memref<2x6x128x16xf32, #tpu.memory_space<vmem>> -> memref<1x1x128x16xf32, #tpu.memory_space<vmem>>
        %dma_wait3A_415 = tpu.memref_squeeze %dma_wait3A_414 : memref<1x1x128x16xf32, #tpu.memory_space<vmem>> -> memref<128x16xf32, #tpu.memory_space<vmem>>
        %dma_wait3A_416 = arith.constant 0 : i32
        %dma_wait3A_417 = tpu.memref_slice %arg6[%sub3A_108, %dma_wait3A_410, %dma_wait3A_411, %dma_wait3A_416] : memref<2x6x2x128xi32, #tpu.memory_space<vmem>> -> memref<1x1x1x128xi32, #tpu.memory_space<vmem>>
        %dma_wait3A_418 = tpu.memref_squeeze %dma_wait3A_417 : memref<1x1x1x128xi32, #tpu.memory_space<vmem>> -> memref<128xi32, #tpu.memory_space<vmem>>
        %dma_wait3A_419 = arith.constant 0 : i32
        %dma_wait3A_420 = arith.constant 0 : i32
        %dma_wait3A_421 = tpu.memref_slice %arg8[%dma_wait3A_419, %dma_wait3A_420] : memref<100352x16xf32, #tpu.memory_space<vmem_shared>> -> memref<100352x16xf32, #tpu.memory_space<vmem_shared>>
        tpu.wait_indirect_dma semaphore(%arg10 : memref<!tpu.dma_semaphore, #tpu.memory_space<semaphore_mem>>) src(%dma_wait3A_415 : memref<128x16xf32, #tpu.memory_space<vmem>>) dst(%dma_wait3A_421 : memref<100352x16xf32, #tpu.memory_space<vmem_shared>>)
        %dma_wait3A_422 = arith.constant 5 : i32
        %dma_wait3A_423 = arith.constant 5 : i32
        %dma_wait3A_424 = arith.constant 1 : i32
        %dma_wait3A_425 = arith.constant 0 : i32
        %dma_wait3A_426 = arith.constant 0 : i32
        %dma_wait3A_427 = tpu.memref_slice %arg7[%sub3A_108, %dma_wait3A_422, %dma_wait3A_425, %dma_wait3A_426] : memref<2x6x128x16xf32, #tpu.memory_space<vmem>> -> memref<1x1x128x16xf32, #tpu.memory_space<vmem>>
        %dma_wait3A_428 = tpu.memref_squeeze %dma_wait3A_427 : memref<1x1x128x16xf32, #tpu.memory_space<vmem>> -> memref<128x16xf32, #tpu.memory_space<vmem>>
        %dma_wait3A_429 = arith.constant 0 : i32
        %dma_wait3A_430 = tpu.memref_slice %arg6[%sub3A_108, %dma_wait3A_423, %dma_wait3A_424, %dma_wait3A_429] : memref<2x6x2x128xi32, #tpu.memory_space<vmem>> -> memref<1x1x1x128xi32, #tpu.memory_space<vmem>>
        %dma_wait3A_431 = tpu.memref_squeeze %dma_wait3A_430 : memref<1x1x1x128xi32, #tpu.memory_space<vmem>> -> memref<128xi32, #tpu.memory_space<vmem>>
        %dma_wait3A_432 = arith.constant 0 : i32
        %dma_wait3A_433 = arith.constant 0 : i32
        %dma_wait3A_434 = tpu.memref_slice %arg8[%dma_wait3A_432, %dma_wait3A_433] : memref<100352x16xf32, #tpu.memory_space<vmem_shared>> -> memref<100352x16xf32, #tpu.memory_space<vmem_shared>>
        tpu.wait_indirect_dma semaphore(%arg10 : memref<!tpu.dma_semaphore, #tpu.memory_space<semaphore_mem>>) src(%dma_wait3A_428 : memref<128x16xf32, #tpu.memory_space<vmem>>) dst(%dma_wait3A_434 : memref<100352x16xf32, #tpu.memory_space<vmem_shared>>)
      } else {
      }
      %add3A_188 = arith.constant 1 : i32
      %add3A_189 = arith.addi %scan3A_106, %add3A_188 : i32
      %lt3A = arith.constant 131 : i32
      %lt3A_190 = arith.cmpi slt, %add3A_189, %lt3A : i32
      %convert_element_type3A_191 = arith.extui %lt3A_190 : i1 to i32
      %cond3A_192 = arith.constant 0 : i32
      %cond3A_193 = arith.cmpi ne, %convert_element_type3A_191, %cond3A_192 : i32
      scf.if %cond3A_193 {
        %add3A_357 = arith.constant 1 : i32
        %add3A_358 = arith.addi %scan3A_106, %add3A_357 : i32
        %mul3A_359 = arith.constant 6 : i32
        %mul3A_360 = arith.muli %add3A_358, %mul3A_359 : i32
        %add3A_361 = arith.addi %mul3A_6, %mul3A_360 : i32
        %dma_start3A_362 = arith.constant 0 : i32
        %dma_start3A_363 = arith.constant 0 : i32
        %dma_start3A_364 = arith.constant 0 : i32
        %dma_start3A_365 = tpu.memref_slice %arg6[%sub3A_108, %dma_start3A_362, %dma_start3A_363, %dma_start3A_364] : memref<2x6x2x128xi32, #tpu.memory_space<vmem>> -> memref<1x6x2x128xi32, #tpu.memory_space<vmem>>
        %dma_start3A_366 = tpu.memref_squeeze %dma_start3A_365 : memref<1x6x2x128xi32, #tpu.memory_space<vmem>> -> memref<6x2x128xi32, #tpu.memory_space<vmem>>
        %dma_start3A_367 = arith.constant 0 : i32
        %dma_start3A_368 = arith.constant 0 : i32
        %dma_start3A_369 = tpu.memref_slice %arg2[%add3A_361, %dma_start3A_367, %dma_start3A_368] : memref<25152x2x128xi32, #tpu.memory_space<hbm>> -> memref<6x2x128xi32, #tpu.memory_space<hbm>>
        %dma_start3A_370 = arith.constant 0 : i32
        %dma_start3A_371 = arith.constant 0 : i32
        %dma_start3A_372 = arith.constant 0 : i32
        %dma_start3A_373 = tpu.memref_slice %arg6[%sub3A_108, %dma_start3A_370, %dma_start3A_371, %dma_start3A_372] : memref<2x6x2x128xi32, #tpu.memory_space<vmem>> -> memref<1x6x2x128xi32, #tpu.memory_space<vmem>>
        %dma_start3A_374 = tpu.memref_squeeze %dma_start3A_373 : memref<1x6x2x128xi32, #tpu.memory_space<vmem>> -> memref<6x2x128xi32, #tpu.memory_space<vmem>>
        %dma_start3A_375 = arith.constant 0 : i32
        %dma_start3A_376 = arith.constant 0 : i32
        %dma_start3A_377 = tpu.memref_slice %arg2[%add3A_361, %dma_start3A_375, %dma_start3A_376] : memref<25152x2x128xi32, #tpu.memory_space<hbm>> -> memref<6x2x128xi32, #tpu.memory_space<hbm>>
        tpu.enqueue_dma source(%dma_start3A_377 : memref<6x2x128xi32, #tpu.memory_space<hbm>>) target(%dma_start3A_374 : memref<6x2x128xi32, #tpu.memory_space<vmem>>) target_semaphore(%arg11 : memref<!tpu.dma_semaphore, #tpu.memory_space<semaphore_mem>>)
      } else {
      }
      %dma_wait3A_194 = arith.constant 0 : i32
      %dma_wait3A_195 = arith.constant 0 : i32
      %dma_wait3A_196 = arith.constant 0 : i32
      %dma_wait3A_197 = arith.constant 0 : i32
      %dma_wait3A_198 = arith.constant 0 : i32
      %dma_wait3A_199 = tpu.memref_slice %arg7[%rem3A_107, %dma_wait3A_196, %dma_wait3A_197, %dma_wait3A_198] : memref<2x6x128x16xf32, #tpu.memory_space<vmem>> -> memref<1x1x128x16xf32, #tpu.memory_space<vmem>>
      %dma_wait3A_200 = tpu.memref_squeeze %dma_wait3A_199 : memref<1x1x128x16xf32, #tpu.memory_space<vmem>> -> memref<128x16xf32, #tpu.memory_space<vmem>>
      %dma_wait3A_201 = arith.constant 0 : i32
      %dma_wait3A_202 = tpu.memref_slice %arg6[%rem3A_107, %dma_wait3A_194, %dma_wait3A_195, %dma_wait3A_201] : memref<2x6x2x128xi32, #tpu.memory_space<vmem>> -> memref<1x1x1x128xi32, #tpu.memory_space<vmem>>
      %dma_wait3A_203 = tpu.memref_squeeze %dma_wait3A_202 : memref<1x1x1x128xi32, #tpu.memory_space<vmem>> -> memref<128xi32, #tpu.memory_space<vmem>>
      %dma_wait3A_204 = arith.constant 0 : i32
      %dma_wait3A_205 = arith.constant 0 : i32
      %dma_wait3A_206 = tpu.memref_slice %arg3[%dma_wait3A_204, %dma_wait3A_205] : memref<100352x16xf32, #tpu.memory_space<hbm>> -> memref<100352x16xf32, #tpu.memory_space<hbm>>
      tpu.wait_indirect_dma semaphore(%arg9 : memref<!tpu.dma_semaphore, #tpu.memory_space<semaphore_mem>>) src(%dma_wait3A_206 : memref<100352x16xf32, #tpu.memory_space<hbm>>) dst(%dma_wait3A_200 : memref<128x16xf32, #tpu.memory_space<vmem>>)
      %dma_start3A_207 = arith.constant 0 : i32
      %dma_start3A_208 = arith.constant 0 : i32
      %dma_start3A_209 = arith.constant 1 : i32
      %dma_start3A_210 = arith.constant 0 : i32
      %dma_start3A_211 = arith.constant 0 : i32
      %dma_start3A_212 = tpu.memref_slice %arg7[%rem3A_107, %dma_start3A_207, %dma_start3A_210, %dma_start3A_211] : memref<2x6x128x16xf32, #tpu.memory_space<vmem>> -> memref<1x1x128x16xf32, #tpu.memory_space<vmem>>
      %dma_start3A_213 = tpu.memref_squeeze %dma_start3A_212 : memref<1x1x128x16xf32, #tpu.memory_space<vmem>> -> memref<128x16xf32, #tpu.memory_space<vmem>>
      %dma_start3A_214 = arith.constant 0 : i32
      %dma_start3A_215 = tpu.memref_slice %arg6[%rem3A_107, %dma_start3A_208, %dma_start3A_209, %dma_start3A_214] : memref<2x6x2x128xi32, #tpu.memory_space<vmem>> -> memref<1x1x1x128xi32, #tpu.memory_space<vmem>>
      %dma_start3A_216 = tpu.memref_squeeze %dma_start3A_215 : memref<1x1x1x128xi32, #tpu.memory_space<vmem>> -> memref<128xi32, #tpu.memory_space<vmem>>
      %dma_start3A_217 = arith.constant 0 : i32
      %dma_start3A_218 = arith.constant 0 : i32
      %dma_start3A_219 = tpu.memref_slice %arg8[%dma_start3A_217, %dma_start3A_218] : memref<100352x16xf32, #tpu.memory_space<vmem_shared>> -> memref<100352x16xf32, #tpu.memory_space<vmem_shared>>
      tpu.enqueue_indirect_dma source(%dma_start3A_213 : memref<128x16xf32, #tpu.memory_space<vmem>>) target(%dma_start3A_219 : memref<100352x16xf32, #tpu.memory_space<vmem_shared>>) offsets(%dma_start3A_216 : memref<128xi32, #tpu.memory_space<vmem>>) semaphore(%arg10 : memref<!tpu.dma_semaphore, #tpu.memory_space<semaphore_mem>>) {add = true}
      %dma_wait3A_220 = arith.constant 1 : i32
      %dma_wait3A_221 = arith.constant 0 : i32
      %dma_wait3A_222 = arith.constant 1 : i32
      %dma_wait3A_223 = arith.constant 0 : i32
      %dma_wait3A_224 = arith.constant 0 : i32
      %dma_wait3A_225 = tpu.memref_slice %arg7[%rem3A_107, %dma_wait3A_222, %dma_wait3A_223, %dma_wait3A_224] : memref<2x6x128x16xf32, #tpu.memory_space<vmem>> -> memref<1x1x128x16xf32, #tpu.memory_space<vmem>>
      %dma_wait3A_226 = tpu.memref_squeeze %dma_wait3A_225 : memref<1x1x128x16xf32, #tpu.memory_space<vmem>> -> memref<128x16xf32, #tpu.memory_space<vmem>>
      %dma_wait3A_227 = arith.constant 0 : i32
      %dma_wait3A_228 = tpu.memref_slice %arg6[%rem3A_107, %dma_wait3A_220, %dma_wait3A_221, %dma_wait3A_227] : memref<2x6x2x128xi32, #tpu.memory_space<vmem>> -> memref<1x1x1x128xi32, #tpu.memory_space<vmem>>
      %dma_wait3A_229 = tpu.memref_squeeze %dma_wait3A_228 : memref<1x1x1x128xi32, #tpu.memory_space<vmem>> -> memref<128xi32, #tpu.memory_space<vmem>>
      %dma_wait3A_230 = arith.constant 0 : i32
      %dma_wait3A_231 = arith.constant 0 : i32
      %dma_wait3A_232 = tpu.memref_slice %arg3[%dma_wait3A_230, %dma_wait3A_231] : memref<100352x16xf32, #tpu.memory_space<hbm>> -> memref<100352x16xf32, #tpu.memory_space<hbm>>
      tpu.wait_indirect_dma semaphore(%arg9 : memref<!tpu.dma_semaphore, #tpu.memory_space<semaphore_mem>>) src(%dma_wait3A_232 : memref<100352x16xf32, #tpu.memory_space<hbm>>) dst(%dma_wait3A_226 : memref<128x16xf32, #tpu.memory_space<vmem>>)
      %dma_start3A_233 = arith.constant 1 : i32
      %dma_start3A_234 = arith.constant 1 : i32
      %dma_start3A_235 = arith.constant 1 : i32
      %dma_start3A_236 = arith.constant 0 : i32
      %dma_start3A_237 = arith.constant 0 : i32
      %dma_start3A_238 = tpu.memref_slice %arg7[%rem3A_107, %dma_start3A_233, %dma_start3A_236, %dma_start3A_237] : memref<2x6x128x16xf32, #tpu.memory_space<vmem>> -> memref<1x1x128x16xf32, #tpu.memory_space<vmem>>
      %dma_start3A_239 = tpu.memref_squeeze %dma_start3A_238 : memref<1x1x128x16xf32, #tpu.memory_space<vmem>> -> memref<128x16xf32, #tpu.memory_space<vmem>>
      %dma_start3A_240 = arith.constant 0 : i32
      %dma_start3A_241 = tpu.memref_slice %arg6[%rem3A_107, %dma_start3A_234, %dma_start3A_235, %dma_start3A_240] : memref<2x6x2x128xi32, #tpu.memory_space<vmem>> -> memref<1x1x1x128xi32, #tpu.memory_space<vmem>>
      %dma_start3A_242 = tpu.memref_squeeze %dma_start3A_241 : memref<1x1x1x128xi32, #tpu.memory_space<vmem>> -> memref<128xi32, #tpu.memory_space<vmem>>
      %dma_start3A_243 = arith.constant 0 : i32
      %dma_start3A_244 = arith.constant 0 : i32
      %dma_start3A_245 = tpu.memref_slice %arg8[%dma_start3A_243, %dma_start3A_244] : memref<100352x16xf32, #tpu.memory_space<vmem_shared>> -> memref<100352x16xf32, #tpu.memory_space<vmem_shared>>
      tpu.enqueue_indirect_dma source(%dma_start3A_239 : memref<128x16xf32, #tpu.memory_space<vmem>>) target(%dma_start3A_245 : memref<100352x16xf32, #tpu.memory_space<vmem_shared>>) offsets(%dma_start3A_242 : memref<128xi32, #tpu.memory_space<vmem>>) semaphore(%arg10 : memref<!tpu.dma_semaphore, #tpu.memory_space<semaphore_mem>>) {add = true}
      %dma_wait3A_246 = arith.constant 2 : i32
      %dma_wait3A_247 = arith.constant 0 : i32
      %dma_wait3A_248 = arith.constant 2 : i32
      %dma_wait3A_249 = arith.constant 0 : i32
      %dma_wait3A_250 = arith.constant 0 : i32
      %dma_wait3A_251 = tpu.memref_slice %arg7[%rem3A_107, %dma_wait3A_248, %dma_wait3A_249, %dma_wait3A_250] : memref<2x6x128x16xf32, #tpu.memory_space<vmem>> -> memref<1x1x128x16xf32, #tpu.memory_space<vmem>>
      %dma_wait3A_252 = tpu.memref_squeeze %dma_wait3A_251 : memref<1x1x128x16xf32, #tpu.memory_space<vmem>> -> memref<128x16xf32, #tpu.memory_space<vmem>>
      %dma_wait3A_253 = arith.constant 0 : i32
      %dma_wait3A_254 = tpu.memref_slice %arg6[%rem3A_107, %dma_wait3A_246, %dma_wait3A_247, %dma_wait3A_253] : memref<2x6x2x128xi32, #tpu.memory_space<vmem>> -> memref<1x1x1x128xi32, #tpu.memory_space<vmem>>
      %dma_wait3A_255 = tpu.memref_squeeze %dma_wait3A_254 : memref<1x1x1x128xi32, #tpu.memory_space<vmem>> -> memref<128xi32, #tpu.memory_space<vmem>>
      %dma_wait3A_256 = arith.constant 0 : i32
      %dma_wait3A_257 = arith.constant 0 : i32
      %dma_wait3A_258 = tpu.memref_slice %arg3[%dma_wait3A_256, %dma_wait3A_257] : memref<100352x16xf32, #tpu.memory_space<hbm>> -> memref<100352x16xf32, #tpu.memory_space<hbm>>
      tpu.wait_indirect_dma semaphore(%arg9 : memref<!tpu.dma_semaphore, #tpu.memory_space<semaphore_mem>>) src(%dma_wait3A_258 : memref<100352x16xf32, #tpu.memory_space<hbm>>) dst(%dma_wait3A_252 : memref<128x16xf32, #tpu.memory_space<vmem>>)
      %dma_start3A_259 = arith.constant 2 : i32
      %dma_start3A_260 = arith.constant 2 : i32
      %dma_start3A_261 = arith.constant 1 : i32
      %dma_start3A_262 = arith.constant 0 : i32
      %dma_start3A_263 = arith.constant 0 : i32
      %dma_start3A_264 = tpu.memref_slice %arg7[%rem3A_107, %dma_start3A_259, %dma_start3A_262, %dma_start3A_263] : memref<2x6x128x16xf32, #tpu.memory_space<vmem>> -> memref<1x1x128x16xf32, #tpu.memory_space<vmem>>
      %dma_start3A_265 = tpu.memref_squeeze %dma_start3A_264 : memref<1x1x128x16xf32, #tpu.memory_space<vmem>> -> memref<128x16xf32, #tpu.memory_space<vmem>>
      %dma_start3A_266 = arith.constant 0 : i32
      %dma_start3A_267 = tpu.memref_slice %arg6[%rem3A_107, %dma_start3A_260, %dma_start3A_261, %dma_start3A_266] : memref<2x6x2x128xi32, #tpu.memory_space<vmem>> -> memref<1x1x1x128xi32, #tpu.memory_space<vmem>>
      %dma_start3A_268 = tpu.memref_squeeze %dma_start3A_267 : memref<1x1x1x128xi32, #tpu.memory_space<vmem>> -> memref<128xi32, #tpu.memory_space<vmem>>
      %dma_start3A_269 = arith.constant 0 : i32
      %dma_start3A_270 = arith.constant 0 : i32
      %dma_start3A_271 = tpu.memref_slice %arg8[%dma_start3A_269, %dma_start3A_270] : memref<100352x16xf32, #tpu.memory_space<vmem_shared>> -> memref<100352x16xf32, #tpu.memory_space<vmem_shared>>
      tpu.enqueue_indirect_dma source(%dma_start3A_265 : memref<128x16xf32, #tpu.memory_space<vmem>>) target(%dma_start3A_271 : memref<100352x16xf32, #tpu.memory_space<vmem_shared>>) offsets(%dma_start3A_268 : memref<128xi32, #tpu.memory_space<vmem>>) semaphore(%arg10 : memref<!tpu.dma_semaphore, #tpu.memory_space<semaphore_mem>>) {add = true}
      %dma_wait3A_272 = arith.constant 3 : i32
      %dma_wait3A_273 = arith.constant 0 : i32
      %dma_wait3A_274 = arith.constant 3 : i32
      %dma_wait3A_275 = arith.constant 0 : i32
      %dma_wait3A_276 = arith.constant 0 : i32
      %dma_wait3A_277 = tpu.memref_slice %arg7[%rem3A_107, %dma_wait3A_274, %dma_wait3A_275, %dma_wait3A_276] : memref<2x6x128x16xf32, #tpu.memory_space<vmem>> -> memref<1x1x128x16xf32, #tpu.memory_space<vmem>>
      %dma_wait3A_278 = tpu.memref_squeeze %dma_wait3A_277 : memref<1x1x128x16xf32, #tpu.memory_space<vmem>> -> memref<128x16xf32, #tpu.memory_space<vmem>>
      %dma_wait3A_279 = arith.constant 0 : i32
      %dma_wait3A_280 = tpu.memref_slice %arg6[%rem3A_107, %dma_wait3A_272, %dma_wait3A_273, %dma_wait3A_279] : memref<2x6x2x128xi32, #tpu.memory_space<vmem>> -> memref<1x1x1x128xi32, #tpu.memory_space<vmem>>
      %dma_wait3A_281 = tpu.memref_squeeze %dma_wait3A_280 : memref<1x1x1x128xi32, #tpu.memory_space<vmem>> -> memref<128xi32, #tpu.memory_space<vmem>>
      %dma_wait3A_282 = arith.constant 0 : i32
      %dma_wait3A_283 = arith.constant 0 : i32
      %dma_wait3A_284 = tpu.memref_slice %arg3[%dma_wait3A_282, %dma_wait3A_283] : memref<100352x16xf32, #tpu.memory_space<hbm>> -> memref<100352x16xf32, #tpu.memory_space<hbm>>
      tpu.wait_indirect_dma semaphore(%arg9 : memref<!tpu.dma_semaphore, #tpu.memory_space<semaphore_mem>>) src(%dma_wait3A_284 : memref<100352x16xf32, #tpu.memory_space<hbm>>) dst(%dma_wait3A_278 : memref<128x16xf32, #tpu.memory_space<vmem>>)
      %dma_start3A_285 = arith.constant 3 : i32
      %dma_start3A_286 = arith.constant 3 : i32
      %dma_start3A_287 = arith.constant 1 : i32
      %dma_start3A_288 = arith.constant 0 : i32
      %dma_start3A_289 = arith.constant 0 : i32
      %dma_start3A_290 = tpu.memref_slice %arg7[%rem3A_107, %dma_start3A_285, %dma_start3A_288, %dma_start3A_289] : memref<2x6x128x16xf32, #tpu.memory_space<vmem>> -> memref<1x1x128x16xf32, #tpu.memory_space<vmem>>
      %dma_start3A_291 = tpu.memref_squeeze %dma_start3A_290 : memref<1x1x128x16xf32, #tpu.memory_space<vmem>> -> memref<128x16xf32, #tpu.memory_space<vmem>>
      %dma_start3A_292 = arith.constant 0 : i32
      %dma_start3A_293 = tpu.memref_slice %arg6[%rem3A_107, %dma_start3A_286, %dma_start3A_287, %dma_start3A_292] : memref<2x6x2x128xi32, #tpu.memory_space<vmem>> -> memref<1x1x1x128xi32, #tpu.memory_space<vmem>>
      %dma_start3A_294 = tpu.memref_squeeze %dma_start3A_293 : memref<1x1x1x128xi32, #tpu.memory_space<vmem>> -> memref<128xi32, #tpu.memory_space<vmem>>
      %dma_start3A_295 = arith.constant 0 : i32
      %dma_start3A_296 = arith.constant 0 : i32
      %dma_start3A_297 = tpu.memref_slice %arg8[%dma_start3A_295, %dma_start3A_296] : memref<100352x16xf32, #tpu.memory_space<vmem_shared>> -> memref<100352x16xf32, #tpu.memory_space<vmem_shared>>
      tpu.enqueue_indirect_dma source(%dma_start3A_291 : memref<128x16xf32, #tpu.memory_space<vmem>>) target(%dma_start3A_297 : memref<100352x16xf32, #tpu.memory_space<vmem_shared>>) offsets(%dma_start3A_294 : memref<128xi32, #tpu.memory_space<vmem>>) semaphore(%arg10 : memref<!tpu.dma_semaphore, #tpu.memory_space<semaphore_mem>>) {add = true}
      %dma_wait3A_298 = arith.constant 4 : i32
      %dma_wait3A_299 = arith.constant 0 : i32
      %dma_wait3A_300 = arith.constant 4 : i32
      %dma_wait3A_301 = arith.constant 0 : i32
      %dma_wait3A_302 = arith.constant 0 : i32
      %dma_wait3A_303 = tpu.memref_slice %arg7[%rem3A_107, %dma_wait3A_300, %dma_wait3A_301, %dma_wait3A_302] : memref<2x6x128x16xf32, #tpu.memory_space<vmem>> -> memref<1x1x128x16xf32, #tpu.memory_space<vmem>>
      %dma_wait3A_304 = tpu.memref_squeeze %dma_wait3A_303 : memref<1x1x128x16xf32, #tpu.memory_space<vmem>> -> memref<128x16xf32, #tpu.memory_space<vmem>>
      %dma_wait3A_305 = arith.constant 0 : i32
      %dma_wait3A_306 = tpu.memref_slice %arg6[%rem3A_107, %dma_wait3A_298, %dma_wait3A_299, %dma_wait3A_305] : memref<2x6x2x128xi32, #tpu.memory_space<vmem>> -> memref<1x1x1x128xi32, #tpu.memory_space<vmem>>
      %dma_wait3A_307 = tpu.memref_squeeze %dma_wait3A_306 : memref<1x1x1x128xi32, #tpu.memory_space<vmem>> -> memref<128xi32, #tpu.memory_space<vmem>>
      %dma_wait3A_308 = arith.constant 0 : i32
      %dma_wait3A_309 = arith.constant 0 : i32
      %dma_wait3A_310 = tpu.memref_slice %arg3[%dma_wait3A_308, %dma_wait3A_309] : memref<100352x16xf32, #tpu.memory_space<hbm>> -> memref<100352x16xf32, #tpu.memory_space<hbm>>
      tpu.wait_indirect_dma semaphore(%arg9 : memref<!tpu.dma_semaphore, #tpu.memory_space<semaphore_mem>>) src(%dma_wait3A_310 : memref<100352x16xf32, #tpu.memory_space<hbm>>) dst(%dma_wait3A_304 : memref<128x16xf32, #tpu.memory_space<vmem>>)
      %dma_start3A_311 = arith.constant 4 : i32
      %dma_start3A_312 = arith.constant 4 : i32
      %dma_start3A_313 = arith.constant 1 : i32
      %dma_start3A_314 = arith.constant 0 : i32
      %dma_start3A_315 = arith.constant 0 : i32
      %dma_start3A_316 = tpu.memref_slice %arg7[%rem3A_107, %dma_start3A_311, %dma_start3A_314, %dma_start3A_315] : memref<2x6x128x16xf32, #tpu.memory_space<vmem>> -> memref<1x1x128x16xf32, #tpu.memory_space<vmem>>
      %dma_start3A_317 = tpu.memref_squeeze %dma_start3A_316 : memref<1x1x128x16xf32, #tpu.memory_space<vmem>> -> memref<128x16xf32, #tpu.memory_space<vmem>>
      %dma_start3A_318 = arith.constant 0 : i32
      %dma_start3A_319 = tpu.memref_slice %arg6[%rem3A_107, %dma_start3A_312, %dma_start3A_313, %dma_start3A_318] : memref<2x6x2x128xi32, #tpu.memory_space<vmem>> -> memref<1x1x1x128xi32, #tpu.memory_space<vmem>>
      %dma_start3A_320 = tpu.memref_squeeze %dma_start3A_319 : memref<1x1x1x128xi32, #tpu.memory_space<vmem>> -> memref<128xi32, #tpu.memory_space<vmem>>
      %dma_start3A_321 = arith.constant 0 : i32
      %dma_start3A_322 = arith.constant 0 : i32
      %dma_start3A_323 = tpu.memref_slice %arg8[%dma_start3A_321, %dma_start3A_322] : memref<100352x16xf32, #tpu.memory_space<vmem_shared>> -> memref<100352x16xf32, #tpu.memory_space<vmem_shared>>
      tpu.enqueue_indirect_dma source(%dma_start3A_317 : memref<128x16xf32, #tpu.memory_space<vmem>>) target(%dma_start3A_323 : memref<100352x16xf32, #tpu.memory_space<vmem_shared>>) offsets(%dma_start3A_320 : memref<128xi32, #tpu.memory_space<vmem>>) semaphore(%arg10 : memref<!tpu.dma_semaphore, #tpu.memory_space<semaphore_mem>>) {add = true}
      %dma_wait3A_324 = arith.constant 5 : i32
      %dma_wait3A_325 = arith.constant 0 : i32
      %dma_wait3A_326 = arith.constant 5 : i32
      %dma_wait3A_327 = arith.constant 0 : i32
      %dma_wait3A_328 = arith.constant 0 : i32
      %dma_wait3A_329 = tpu.memref_slice %arg7[%rem3A_107, %dma_wait3A_326, %dma_wait3A_327, %dma_wait3A_328] : memref<2x6x128x16xf32, #tpu.memory_space<vmem>> -> memref<1x1x128x16xf32, #tpu.memory_space<vmem>>
      %dma_wait3A_330 = tpu.memref_squeeze %dma_wait3A_329 : memref<1x1x128x16xf32, #tpu.memory_space<vmem>> -> memref<128x16xf32, #tpu.memory_space<vmem>>
      %dma_wait3A_331 = arith.constant 0 : i32
      %dma_wait3A_332 = tpu.memref_slice %arg6[%rem3A_107, %dma_wait3A_324, %dma_wait3A_325, %dma_wait3A_331] : memref<2x6x2x128xi32, #tpu.memory_space<vmem>> -> memref<1x1x1x128xi32, #tpu.memory_space<vmem>>
      %dma_wait3A_333 = tpu.memref_squeeze %dma_wait3A_332 : memref<1x1x1x128xi32, #tpu.memory_space<vmem>> -> memref<128xi32, #tpu.memory_space<vmem>>
      %dma_wait3A_334 = arith.constant 0 : i32
      %dma_wait3A_335 = arith.constant 0 : i32
      %dma_wait3A_336 = tpu.memref_slice %arg3[%dma_wait3A_334, %dma_wait3A_335] : memref<100352x16xf32, #tpu.memory_space<hbm>> -> memref<100352x16xf32, #tpu.memory_space<hbm>>
      tpu.wait_indirect_dma semaphore(%arg9 : memref<!tpu.dma_semaphore, #tpu.memory_space<semaphore_mem>>) src(%dma_wait3A_336 : memref<100352x16xf32, #tpu.memory_space<hbm>>) dst(%dma_wait3A_330 : memref<128x16xf32, #tpu.memory_space<vmem>>)
      %dma_start3A_337 = arith.constant 5 : i32
      %dma_start3A_338 = arith.constant 5 : i32
      %dma_start3A_339 = arith.constant 1 : i32
      %dma_start3A_340 = arith.constant 0 : i32
      %dma_start3A_341 = arith.constant 0 : i32
      %dma_start3A_342 = tpu.memref_slice %arg7[%rem3A_107, %dma_start3A_337, %dma_start3A_340, %dma_start3A_341] : memref<2x6x128x16xf32, #tpu.memory_space<vmem>> -> memref<1x1x128x16xf32, #tpu.memory_space<vmem>>
      %dma_start3A_343 = tpu.memref_squeeze %dma_start3A_342 : memref<1x1x128x16xf32, #tpu.memory_space<vmem>> -> memref<128x16xf32, #tpu.memory_space<vmem>>
      %dma_start3A_344 = arith.constant 0 : i32
      %dma_start3A_345 = tpu.memref_slice %arg6[%rem3A_107, %dma_start3A_338, %dma_start3A_339, %dma_start3A_344] : memref<2x6x2x128xi32, #tpu.memory_space<vmem>> -> memref<1x1x1x128xi32, #tpu.memory_space<vmem>>
      %dma_start3A_346 = tpu.memref_squeeze %dma_start3A_345 : memref<1x1x1x128xi32, #tpu.memory_space<vmem>> -> memref<128xi32, #tpu.memory_space<vmem>>
      %dma_start3A_347 = arith.constant 0 : i32
      %dma_start3A_348 = arith.constant 0 : i32
      %dma_start3A_349 = tpu.memref_slice %arg8[%dma_start3A_347, %dma_start3A_348] : memref<100352x16xf32, #tpu.memory_space<vmem_shared>> -> memref<100352x16xf32, #tpu.memory_space<vmem_shared>>
      tpu.enqueue_indirect_dma source(%dma_start3A_343 : memref<128x16xf32, #tpu.memory_space<vmem>>) target(%dma_start3A_349 : memref<100352x16xf32, #tpu.memory_space<vmem_shared>>) offsets(%dma_start3A_346 : memref<128xi32, #tpu.memory_space<vmem>>) semaphore(%arg10 : memref<!tpu.dma_semaphore, #tpu.memory_space<semaphore_mem>>) {add = true}
      %add3A_350 = arith.constant 1 : i32
      %add3A_351 = arith.addi %scan3A_106, %add3A_350 : i32
      %lt3A_352 = arith.constant 131 : i32
      %lt3A_353 = arith.cmpi slt, %add3A_351, %lt3A_352 : i32
      %convert_element_type3A_354 = arith.extui %lt3A_353 : i1 to i32
      %cond3A_355 = arith.constant 0 : i32
      %cond3A_356 = arith.cmpi ne, %convert_element_type3A_354, %cond3A_355 : i32
      scf.if %cond3A_356 {
        %add3A_357 = arith.constant 1 : i32
        %add3A_358 = arith.addi %scan3A_106, %add3A_357 : i32
        %mul3A_359 = arith.constant 6 : i32
        %mul3A_360 = arith.muli %add3A_358, %mul3A_359 : i32
        %add3A_361 = arith.addi %mul3A_6, %mul3A_360 : i32
        %dma_wait3A_362 = arith.constant 0 : i32
        %dma_wait3A_363 = arith.constant 0 : i32
        %dma_wait3A_364 = arith.constant 0 : i32
        %dma_wait3A_365 = tpu.memref_slice %arg6[%sub3A_108, %dma_wait3A_362, %dma_wait3A_363, %dma_wait3A_364] : memref<2x6x2x128xi32, #tpu.memory_space<vmem>> -> memref<1x6x2x128xi32, #tpu.memory_space<vmem>>
        %dma_wait3A_366 = tpu.memref_squeeze %dma_wait3A_365 : memref<1x6x2x128xi32, #tpu.memory_space<vmem>> -> memref<6x2x128xi32, #tpu.memory_space<vmem>>
        %dma_wait3A_367 = arith.constant 0 : i32
        %dma_wait3A_368 = arith.constant 0 : i32
        %dma_wait3A_369 = tpu.memref_slice %arg2[%add3A_361, %dma_wait3A_367, %dma_wait3A_368] : memref<25152x2x128xi32, #tpu.memory_space<hbm>> -> memref<6x2x128xi32, #tpu.memory_space<hbm>>
        %dma_wait3A_370 = arith.constant 0 : i32
        %dma_wait3A_371 = arith.constant 0 : i32
        %dma_wait3A_372 = arith.constant 0 : i32
        %dma_wait3A_373 = tpu.memref_slice %arg6[%sub3A_108, %dma_wait3A_370, %dma_wait3A_371, %dma_wait3A_372] : memref<2x6x2x128xi32, #tpu.memory_space<vmem>> -> memref<1x6x2x128xi32, #tpu.memory_space<vmem>>
        %dma_wait3A_374 = tpu.memref_squeeze %dma_wait3A_373 : memref<1x6x2x128xi32, #tpu.memory_space<vmem>> -> memref<6x2x128xi32, #tpu.memory_space<vmem>>
        %dma_wait3A_375 = arith.constant 0 : i32
        %dma_wait3A_376 = arith.constant 0 : i32
        %dma_wait3A_377 = tpu.memref_slice %arg2[%add3A_361, %dma_wait3A_375, %dma_wait3A_376] : memref<25152x2x128xi32, #tpu.memory_space<hbm>> -> memref<6x2x128xi32, #tpu.memory_space<hbm>>
        tpu.wait_dma2 semaphore(%arg11 : memref<!tpu.dma_semaphore, #tpu.memory_space<semaphore_mem>>) src(%dma_wait3A_377 : memref<6x2x128xi32, #tpu.memory_space<hbm>>) dst(%dma_wait3A_374 : memref<6x2x128xi32, #tpu.memory_space<vmem>>)
      } else {
      }
    }
    %scan3A_11 = arith.constant 131 : i32
    %dma_wait3A = arith.constant 0 : i32
    %dma_wait3A_12 = arith.constant 0 : i32
    %dma_wait3A_13 = arith.constant 0 : i32
    %dma_wait3A_14 = arith.constant 0 : i32
    %dma_wait3A_15 = arith.constant 1 : i32
    %dma_wait3A_16 = arith.constant 0 : i32
    %dma_wait3A_17 = arith.constant 0 : i32
    %dma_wait3A_18 = tpu.memref_slice %arg7[%dma_wait3A, %dma_wait3A_12, %dma_wait3A_16, %dma_wait3A_17] : memref<2x6x128x16xf32, #tpu.memory_space<vmem>> -> memref<1x1x128x16xf32, #tpu.memory_space<vmem>>
    %dma_wait3A_19 = tpu.memref_squeeze %dma_wait3A_18 : memref<1x1x128x16xf32, #tpu.memory_space<vmem>> -> memref<128x16xf32, #tpu.memory_space<vmem>>
    %dma_wait3A_20 = arith.constant 0 : i32
    %dma_wait3A_21 = tpu.memref_slice %arg6[%dma_wait3A_13, %dma_wait3A_14, %dma_wait3A_15, %dma_wait3A_20] : memref<2x6x2x128xi32, #tpu.memory_space<vmem>> -> memref<1x1x1x128xi32, #tpu.memory_space<vmem>>
    %dma_wait3A_22 = tpu.memref_squeeze %dma_wait3A_21 : memref<1x1x1x128xi32, #tpu.memory_space<vmem>> -> memref<128xi32, #tpu.memory_space<vmem>>
    %dma_wait3A_23 = arith.constant 0 : i32
    %dma_wait3A_24 = arith.constant 0 : i32
    %dma_wait3A_25 = tpu.memref_slice %arg8[%dma_wait3A_23, %dma_wait3A_24] : memref<100352x16xf32, #tpu.memory_space<vmem_shared>> -> memref<100352x16xf32, #tpu.memory_space<vmem_shared>>
    tpu.wait_indirect_dma semaphore(%arg10 : memref<!tpu.dma_semaphore, #tpu.memory_space<semaphore_mem>>) src(%dma_wait3A_19 : memref<128x16xf32, #tpu.memory_space<vmem>>) dst(%dma_wait3A_25 : memref<100352x16xf32, #tpu.memory_space<vmem_shared>>)
    %dma_wait3A_26 = arith.constant 0 : i32
    %dma_wait3A_27 = arith.constant 1 : i32
    %dma_wait3A_28 = arith.constant 0 : i32
    %dma_wait3A_29 = arith.constant 1 : i32
    %dma_wait3A_30 = arith.constant 1 : i32
    %dma_wait3A_31 = arith.constant 0 : i32
    %dma_wait3A_32 = arith.constant 0 : i32
    %dma_wait3A_33 = tpu.memref_slice %arg7[%dma_wait3A_26, %dma_wait3A_27, %dma_wait3A_31, %dma_wait3A_32] : memref<2x6x128x16xf32, #tpu.memory_space<vmem>> -> memref<1x1x128x16xf32, #tpu.memory_space<vmem>>
    %dma_wait3A_34 = tpu.memref_squeeze %dma_wait3A_33 : memref<1x1x128x16xf32, #tpu.memory_space<vmem>> -> memref<128x16xf32, #tpu.memory_space<vmem>>
    %dma_wait3A_35 = arith.constant 0 : i32
    %dma_wait3A_36 = tpu.memref_slice %arg6[%dma_wait3A_28, %dma_wait3A_29, %dma_wait3A_30, %dma_wait3A_35] : memref<2x6x2x128xi32, #tpu.memory_space<vmem>> -> memref<1x1x1x128xi32, #tpu.memory_space<vmem>>
    %dma_wait3A_37 = tpu.memref_squeeze %dma_wait3A_36 : memref<1x1x1x128xi32, #tpu.memory_space<vmem>> -> memref<128xi32, #tpu.memory_space<vmem>>
    %dma_wait3A_38 = arith.constant 0 : i32
    %dma_wait3A_39 = arith.constant 0 : i32
    %dma_wait3A_40 = tpu.memref_slice %arg8[%dma_wait3A_38, %dma_wait3A_39] : memref<100352x16xf32, #tpu.memory_space<vmem_shared>> -> memref<100352x16xf32, #tpu.memory_space<vmem_shared>>
    tpu.wait_indirect_dma semaphore(%arg10 : memref<!tpu.dma_semaphore, #tpu.memory_space<semaphore_mem>>) src(%dma_wait3A_34 : memref<128x16xf32, #tpu.memory_space<vmem>>) dst(%dma_wait3A_40 : memref<100352x16xf32, #tpu.memory_space<vmem_shared>>)
    %dma_wait3A_41 = arith.constant 0 : i32
    %dma_wait3A_42 = arith.constant 2 : i32
    %dma_wait3A_43 = arith.constant 0 : i32
    %dma_wait3A_44 = arith.constant 2 : i32
    %dma_wait3A_45 = arith.constant 1 : i32
    %dma_wait3A_46 = arith.constant 0 : i32
    %dma_wait3A_47 = arith.constant 0 : i32
    %dma_wait3A_48 = tpu.memref_slice %arg7[%dma_wait3A_41, %dma_wait3A_42, %dma_wait3A_46, %dma_wait3A_47] : memref<2x6x128x16xf32, #tpu.memory_space<vmem>> -> memref<1x1x128x16xf32, #tpu.memory_space<vmem>>
    %dma_wait3A_49 = tpu.memref_squeeze %dma_wait3A_48 : memref<1x1x128x16xf32, #tpu.memory_space<vmem>> -> memref<128x16xf32, #tpu.memory_space<vmem>>
    %dma_wait3A_50 = arith.constant 0 : i32
    %dma_wait3A_51 = tpu.memref_slice %arg6[%dma_wait3A_43, %dma_wait3A_44, %dma_wait3A_45, %dma_wait3A_50] : memref<2x6x2x128xi32, #tpu.memory_space<vmem>> -> memref<1x1x1x128xi32, #tpu.memory_space<vmem>>
    %dma_wait3A_52 = tpu.memref_squeeze %dma_wait3A_51 : memref<1x1x1x128xi32, #tpu.memory_space<vmem>> -> memref<128xi32, #tpu.memory_space<vmem>>
    %dma_wait3A_53 = arith.constant 0 : i32
    %dma_wait3A_54 = arith.constant 0 : i32
    %dma_wait3A_55 = tpu.memref_slice %arg8[%dma_wait3A_53, %dma_wait3A_54] : memref<100352x16xf32, #tpu.memory_space<vmem_shared>> -> memref<100352x16xf32, #tpu.memory_space<vmem_shared>>
    tpu.wait_indirect_dma semaphore(%arg10 : memref<!tpu.dma_semaphore, #tpu.memory_space<semaphore_mem>>) src(%dma_wait3A_49 : memref<128x16xf32, #tpu.memory_space<vmem>>) dst(%dma_wait3A_55 : memref<100352x16xf32, #tpu.memory_space<vmem_shared>>)
    %dma_wait3A_56 = arith.constant 0 : i32
    %dma_wait3A_57 = arith.constant 3 : i32
    %dma_wait3A_58 = arith.constant 0 : i32
    %dma_wait3A_59 = arith.constant 3 : i32
    %dma_wait3A_60 = arith.constant 1 : i32
    %dma_wait3A_61 = arith.constant 0 : i32
    %dma_wait3A_62 = arith.constant 0 : i32
    %dma_wait3A_63 = tpu.memref_slice %arg7[%dma_wait3A_56, %dma_wait3A_57, %dma_wait3A_61, %dma_wait3A_62] : memref<2x6x128x16xf32, #tpu.memory_space<vmem>> -> memref<1x1x128x16xf32, #tpu.memory_space<vmem>>
    %dma_wait3A_64 = tpu.memref_squeeze %dma_wait3A_63 : memref<1x1x128x16xf32, #tpu.memory_space<vmem>> -> memref<128x16xf32, #tpu.memory_space<vmem>>
    %dma_wait3A_65 = arith.constant 0 : i32
    %dma_wait3A_66 = tpu.memref_slice %arg6[%dma_wait3A_58, %dma_wait3A_59, %dma_wait3A_60, %dma_wait3A_65] : memref<2x6x2x128xi32, #tpu.memory_space<vmem>> -> memref<1x1x1x128xi32, #tpu.memory_space<vmem>>
    %dma_wait3A_67 = tpu.memref_squeeze %dma_wait3A_66 : memref<1x1x1x128xi32, #tpu.memory_space<vmem>> -> memref<128xi32, #tpu.memory_space<vmem>>
    %dma_wait3A_68 = arith.constant 0 : i32
    %dma_wait3A_69 = arith.constant 0 : i32
    %dma_wait3A_70 = tpu.memref_slice %arg8[%dma_wait3A_68, %dma_wait3A_69] : memref<100352x16xf32, #tpu.memory_space<vmem_shared>> -> memref<100352x16xf32, #tpu.memory_space<vmem_shared>>
    tpu.wait_indirect_dma semaphore(%arg10 : memref<!tpu.dma_semaphore, #tpu.memory_space<semaphore_mem>>) src(%dma_wait3A_64 : memref<128x16xf32, #tpu.memory_space<vmem>>) dst(%dma_wait3A_70 : memref<100352x16xf32, #tpu.memory_space<vmem_shared>>)
    %dma_wait3A_71 = arith.constant 0 : i32
    %dma_wait3A_72 = arith.constant 4 : i32
    %dma_wait3A_73 = arith.constant 0 : i32
    %dma_wait3A_74 = arith.constant 4 : i32
    %dma_wait3A_75 = arith.constant 1 : i32
    %dma_wait3A_76 = arith.constant 0 : i32
    %dma_wait3A_77 = arith.constant 0 : i32
    %dma_wait3A_78 = tpu.memref_slice %arg7[%dma_wait3A_71, %dma_wait3A_72, %dma_wait3A_76, %dma_wait3A_77] : memref<2x6x128x16xf32, #tpu.memory_space<vmem>> -> memref<1x1x128x16xf32, #tpu.memory_space<vmem>>
    %dma_wait3A_79 = tpu.memref_squeeze %dma_wait3A_78 : memref<1x1x128x16xf32, #tpu.memory_space<vmem>> -> memref<128x16xf32, #tpu.memory_space<vmem>>
    %dma_wait3A_80 = arith.constant 0 : i32
    %dma_wait3A_81 = tpu.memref_slice %arg6[%dma_wait3A_73, %dma_wait3A_74, %dma_wait3A_75, %dma_wait3A_80] : memref<2x6x2x128xi32, #tpu.memory_space<vmem>> -> memref<1x1x1x128xi32, #tpu.memory_space<vmem>>
    %dma_wait3A_82 = tpu.memref_squeeze %dma_wait3A_81 : memref<1x1x1x128xi32, #tpu.memory_space<vmem>> -> memref<128xi32, #tpu.memory_space<vmem>>
    %dma_wait3A_83 = arith.constant 0 : i32
    %dma_wait3A_84 = arith.constant 0 : i32
    %dma_wait3A_85 = tpu.memref_slice %arg8[%dma_wait3A_83, %dma_wait3A_84] : memref<100352x16xf32, #tpu.memory_space<vmem_shared>> -> memref<100352x16xf32, #tpu.memory_space<vmem_shared>>
    tpu.wait_indirect_dma semaphore(%arg10 : memref<!tpu.dma_semaphore, #tpu.memory_space<semaphore_mem>>) src(%dma_wait3A_79 : memref<128x16xf32, #tpu.memory_space<vmem>>) dst(%dma_wait3A_85 : memref<100352x16xf32, #tpu.memory_space<vmem_shared>>)
    %dma_wait3A_86 = arith.constant 0 : i32
    %dma_wait3A_87 = arith.constant 5 : i32
    %dma_wait3A_88 = arith.constant 0 : i32
    %dma_wait3A_89 = arith.constant 5 : i32
    %dma_wait3A_90 = arith.constant 1 : i32
    %dma_wait3A_91 = arith.constant 0 : i32
    %dma_wait3A_92 = arith.constant 0 : i32
    %dma_wait3A_93 = tpu.memref_slice %arg7[%dma_wait3A_86, %dma_wait3A_87, %dma_wait3A_91, %dma_wait3A_92] : memref<2x6x128x16xf32, #tpu.memory_space<vmem>> -> memref<1x1x128x16xf32, #tpu.memory_space<vmem>>
    %dma_wait3A_94 = tpu.memref_squeeze %dma_wait3A_93 : memref<1x1x128x16xf32, #tpu.memory_space<vmem>> -> memref<128x16xf32, #tpu.memory_space<vmem>>
    %dma_wait3A_95 = arith.constant 0 : i32
    %dma_wait3A_96 = tpu.memref_slice %arg6[%dma_wait3A_88, %dma_wait3A_89, %dma_wait3A_90, %dma_wait3A_95] : memref<2x6x2x128xi32, #tpu.memory_space<vmem>> -> memref<1x1x1x128xi32, #tpu.memory_space<vmem>>
    %dma_wait3A_97 = tpu.memref_squeeze %dma_wait3A_96 : memref<1x1x1x128xi32, #tpu.memory_space<vmem>> -> memref<128xi32, #tpu.memory_space<vmem>>
    %dma_wait3A_98 = arith.constant 0 : i32
    %dma_wait3A_99 = arith.constant 0 : i32
    %dma_wait3A_100 = tpu.memref_slice %arg8[%dma_wait3A_98, %dma_wait3A_99] : memref<100352x16xf32, #tpu.memory_space<vmem_shared>> -> memref<100352x16xf32, #tpu.memory_space<vmem_shared>>
    tpu.wait_indirect_dma semaphore(%arg10 : memref<!tpu.dma_semaphore, #tpu.memory_space<semaphore_mem>>) src(%dma_wait3A_94 : memref<128x16xf32, #tpu.memory_space<vmem>>) dst(%dma_wait3A_100 : memref<100352x16xf32, #tpu.memory_space<vmem_shared>>)
    %barrier3A_101 = arith.constant 0 : index
    tpu.barrier barrier_id(%barrier3A_101)
    %mul3A_102 = arith.constant 6272 : i32
    %mul3A_103 = arith.muli %arg1, %mul3A_102 : i32
    %mul3A_104 = arith.constant 6272 : i32
    %mul3A_105 = arith.muli %arg1, %mul3A_104 : i32
    "tpu.region"() ({
      %run_scoped3A_106 = tpu.sem_alloc : memref<!tpu.dma_semaphore, #tpu.memory_space<semaphore_mem>>
      %dma_start3A = arith.constant 0 : i32
      %dma_start3A_107 = tpu.memref_slice %arg5[%arg0, %mul3A_105, %dma_start3A] : memref<2x100352x16xf32, #tpu.memory_space<hbm>> -> memref<1x6272x16xf32, #tpu.memory_space<hbm>>
      %dma_start3A_108 = tpu.memref_squeeze %dma_start3A_107 : memref<1x6272x16xf32, #tpu.memory_space<hbm>> -> memref<6272x16xf32, #tpu.memory_space<hbm>>
      %dma_start3A_109 = arith.constant 0 : i32
      %dma_start3A_110 = tpu.memref_slice %arg8[%mul3A_103, %dma_start3A_109] : memref<100352x16xf32, #tpu.memory_space<vmem_shared>> -> memref<6272x16xf32, #tpu.memory_space<vmem_shared>>
      tpu.enqueue_dma source(%dma_start3A_110 : memref<6272x16xf32, #tpu.memory_space<vmem_shared>>) target(%dma_start3A_108 : memref<6272x16xf32, #tpu.memory_space<hbm>>) target_semaphore(%run_scoped3A_106 : memref<!tpu.dma_semaphore, #tpu.memory_space<semaphore_mem>>)
      %dma_wait3A_111 = arith.constant 0 : i32
      %dma_wait3A_112 = tpu.memref_slice %arg5[%arg0, %mul3A_105, %dma_wait3A_111] : memref<2x100352x16xf32, #tpu.memory_space<hbm>> -> memref<1x6272x16xf32, #tpu.memory_space<hbm>>
      %dma_wait3A_113 = tpu.memref_squeeze %dma_wait3A_112 : memref<1x6272x16xf32, #tpu.memory_space<hbm>> -> memref<6272x16xf32, #tpu.memory_space<hbm>>
      %dma_wait3A_114 = arith.constant 0 : i32
      %dma_wait3A_115 = tpu.memref_slice %arg8[%mul3A_103, %dma_wait3A_114] : memref<100352x16xf32, #tpu.memory_space<vmem_shared>> -> memref<6272x16xf32, #tpu.memory_space<vmem_shared>>
      tpu.wait_dma2 semaphore(%run_scoped3A_106 : memref<!tpu.dma_semaphore, #tpu.memory_space<semaphore_mem>>) src(%dma_wait3A_115 : memref<6272x16xf32, #tpu.memory_space<vmem_shared>>) dst(%dma_wait3A_113 : memref<6272x16xf32, #tpu.memory_space<hbm>>)
      tpu.yield
    }) : () -> ()
    return
  }
}

#map = affine_map<(d0, d1) -> (0, 0)>
#map1 = affine_map<(d0, d1) -> (0, 0, 0, 0)>
module attributes {stable_mosaic.version = 14 : i64} {
  func.func @body(%arg0: i32, %arg1: i32, %arg2: memref<25152x128xi32, #tpu.memory_space<hbm>>, %arg3: memref<784x128xf32, #tpu.memory_space<hbm>>, %arg4: memref<2x16x784x128xf32, #tpu.memory_space<hbm>>, %arg5: memref<2x6x128xi32, #tpu.memory_space<vmem>>, %arg6: memref<784x128xf32, #tpu.memory_space<vmem>>, %arg7: memref<!tpu.dma_semaphore, #tpu.memory_space<semaphore_mem>>) attributes {dimension_semantics = [#tpu.dimension_semantics<core_parallel>, #tpu.dimension_semantics<subcore_parallel>], iteration_bounds = array<i64: 2, 16>, scalar_prefetch = 0 : i64, scratch_operands = 3 : i64, tpu.core_type = #tpu.core_type<sc_vector_subcore>, window_params = [{transform_indices = #map}, {transform_indices = #map}, {transform_indices = #map1}]} {
    %mul3A = arith.constant 2 : i32
    %mul3A_0 = arith.muli %arg1, %mul3A : i32
    %add3A = arith.addi %mul3A_0, %arg0 : i32
    "tpu.region"() ({
      %run_scoped3A_9 = tpu.sem_alloc : memref<!tpu.dma_semaphore, #tpu.memory_space<semaphore_mem>>
      tpu.enqueue_dma source(%arg3 : memref<784x128xf32, #tpu.memory_space<hbm>>) target(%arg6 : memref<784x128xf32, #tpu.memory_space<vmem>>) target_semaphore(%run_scoped3A_9 : memref<!tpu.dma_semaphore, #tpu.memory_space<semaphore_mem>>)
      tpu.wait_dma2 semaphore(%run_scoped3A_9 : memref<!tpu.dma_semaphore, #tpu.memory_space<semaphore_mem>>) src(%arg3 : memref<784x128xf32, #tpu.memory_space<hbm>>) dst(%arg6 : memref<784x128xf32, #tpu.memory_space<vmem>>)
      tpu.yield
    }) : () -> ()
    %mul3A_1 = arith.constant 786 : i32
    %mul3A_2 = arith.muli %add3A, %mul3A_1 : i32
    %broadcast_in_dim3A = arith.constant 1.000000e+00 : f32
    %broadcast_in_dim3A_3 = vector.broadcast %broadcast_in_dim3A : f32 to vector<16xf32>
    %run_scoped3A = arith.constant 0 : i32
    "tpu.region"() ({
      %run_scoped3A_9 = tpu.sem_alloc : memref<!tpu.dma_semaphore, #tpu.memory_space<semaphore_mem>>
      %dma_start3A = arith.constant 0 : i32
      %dma_start3A_10 = arith.constant 0 : i32
      %dma_start3A_11 = tpu.memref_slice %arg5[%run_scoped3A, %dma_start3A, %dma_start3A_10] : memref<2x6x128xi32, #tpu.memory_space<vmem>> -> memref<1x6x128xi32, #tpu.memory_space<vmem>>
      %dma_start3A_12 = tpu.memref_squeeze %dma_start3A_11 : memref<1x6x128xi32, #tpu.memory_space<vmem>> -> memref<6x128xi32, #tpu.memory_space<vmem>>
      %dma_start3A_13 = arith.constant 0 : i32
      %dma_start3A_14 = tpu.memref_slice %arg2[%mul3A_2, %dma_start3A_13] : memref<25152x128xi32, #tpu.memory_space<hbm>> -> memref<6x128xi32, #tpu.memory_space<hbm>>
      %dma_start3A_15 = arith.constant 0 : i32
      %dma_start3A_16 = arith.constant 0 : i32
      %dma_start3A_17 = tpu.memref_slice %arg5[%run_scoped3A, %dma_start3A_15, %dma_start3A_16] : memref<2x6x128xi32, #tpu.memory_space<vmem>> -> memref<1x6x128xi32, #tpu.memory_space<vmem>>
      %dma_start3A_18 = tpu.memref_squeeze %dma_start3A_17 : memref<1x6x128xi32, #tpu.memory_space<vmem>> -> memref<6x128xi32, #tpu.memory_space<vmem>>
      %dma_start3A_19 = arith.constant 0 : i32
      %dma_start3A_20 = tpu.memref_slice %arg2[%mul3A_2, %dma_start3A_19] : memref<25152x128xi32, #tpu.memory_space<hbm>> -> memref<6x128xi32, #tpu.memory_space<hbm>>
      tpu.enqueue_dma source(%dma_start3A_20 : memref<6x128xi32, #tpu.memory_space<hbm>>) target(%dma_start3A_18 : memref<6x128xi32, #tpu.memory_space<vmem>>) target_semaphore(%run_scoped3A_9 : memref<!tpu.dma_semaphore, #tpu.memory_space<semaphore_mem>>)
      %dma_wait3A = arith.constant 0 : i32
      %dma_wait3A_21 = arith.constant 0 : i32
      %dma_wait3A_22 = tpu.memref_slice %arg5[%run_scoped3A, %dma_wait3A, %dma_wait3A_21] : memref<2x6x128xi32, #tpu.memory_space<vmem>> -> memref<1x6x128xi32, #tpu.memory_space<vmem>>
      %dma_wait3A_23 = tpu.memref_squeeze %dma_wait3A_22 : memref<1x6x128xi32, #tpu.memory_space<vmem>> -> memref<6x128xi32, #tpu.memory_space<vmem>>
      %dma_wait3A_24 = arith.constant 0 : i32
      %dma_wait3A_25 = tpu.memref_slice %arg2[%mul3A_2, %dma_wait3A_24] : memref<25152x128xi32, #tpu.memory_space<hbm>> -> memref<6x128xi32, #tpu.memory_space<hbm>>
      %dma_wait3A_26 = arith.constant 0 : i32
      %dma_wait3A_27 = arith.constant 0 : i32
      %dma_wait3A_28 = tpu.memref_slice %arg5[%run_scoped3A, %dma_wait3A_26, %dma_wait3A_27] : memref<2x6x128xi32, #tpu.memory_space<vmem>> -> memref<1x6x128xi32, #tpu.memory_space<vmem>>
      %dma_wait3A_29 = tpu.memref_squeeze %dma_wait3A_28 : memref<1x6x128xi32, #tpu.memory_space<vmem>> -> memref<6x128xi32, #tpu.memory_space<vmem>>
      %dma_wait3A_30 = arith.constant 0 : i32
      %dma_wait3A_31 = tpu.memref_slice %arg2[%mul3A_2, %dma_wait3A_30] : memref<25152x128xi32, #tpu.memory_space<hbm>> -> memref<6x128xi32, #tpu.memory_space<hbm>>
      tpu.wait_dma2 semaphore(%run_scoped3A_9 : memref<!tpu.dma_semaphore, #tpu.memory_space<semaphore_mem>>) src(%dma_wait3A_31 : memref<6x128xi32, #tpu.memory_space<hbm>>) dst(%dma_wait3A_29 : memref<6x128xi32, #tpu.memory_space<vmem>>)
      tpu.yield
    }) : () -> ()
    %scan3A = arith.constant 0 : i32
    %scan3A_4 = arith.constant 0 : i32
    %scan3A_5 = arith.constant 131 : i32
    %scan3A_6 = arith.addi %scan3A_4, %scan3A_5 : i32
    %scan3A_7 = arith.constant 1 : i32
    scf.for %scan3A_9 = %scan3A_4 to %scan3A_6 step %scan3A_7  : i32 {
      %rem3A = arith.constant 2 : i32
      %rem3A_10 = arith.remsi %scan3A_9, %rem3A : i32
      %sub3A = arith.constant 1 : i32
      %sub3A_11 = arith.subi %sub3A, %rem3A_10 : i32
      %add3A_12 = arith.constant 1 : i32
      %add3A_13 = arith.addi %scan3A_9, %add3A_12 : i32
      %lt3A = arith.constant 131 : i32
      %lt3A_14 = arith.cmpi slt, %add3A_13, %lt3A : i32
      %convert_element_type3A = arith.extui %lt3A_14 : i1 to i32
      %cond3A = arith.constant 0 : i32
      %cond3A_15 = arith.cmpi ne, %convert_element_type3A, %cond3A : i32
      scf.if %cond3A_15 {
        %add3A_548 = arith.constant 1 : i32
        %add3A_549 = arith.addi %scan3A_9, %add3A_548 : i32
        %mul3A_550 = arith.constant 6 : i32
        %mul3A_551 = arith.muli %add3A_549, %mul3A_550 : i32
        %add3A_552 = arith.addi %mul3A_2, %mul3A_551 : i32
        %dma_start3A = arith.constant 0 : i32
        %dma_start3A_553 = arith.constant 0 : i32
        %dma_start3A_554 = tpu.memref_slice %arg5[%sub3A_11, %dma_start3A, %dma_start3A_553] : memref<2x6x128xi32, #tpu.memory_space<vmem>> -> memref<1x6x128xi32, #tpu.memory_space<vmem>>
        %dma_start3A_555 = tpu.memref_squeeze %dma_start3A_554 : memref<1x6x128xi32, #tpu.memory_space<vmem>> -> memref<6x128xi32, #tpu.memory_space<vmem>>
        %dma_start3A_556 = arith.constant 0 : i32
        %dma_start3A_557 = tpu.memref_slice %arg2[%add3A_552, %dma_start3A_556] : memref<25152x128xi32, #tpu.memory_space<hbm>> -> memref<6x128xi32, #tpu.memory_space<hbm>>
        %dma_start3A_558 = arith.constant 0 : i32
        %dma_start3A_559 = arith.constant 0 : i32
        %dma_start3A_560 = tpu.memref_slice %arg5[%sub3A_11, %dma_start3A_558, %dma_start3A_559] : memref<2x6x128xi32, #tpu.memory_space<vmem>> -> memref<1x6x128xi32, #tpu.memory_space<vmem>>
        %dma_start3A_561 = tpu.memref_squeeze %dma_start3A_560 : memref<1x6x128xi32, #tpu.memory_space<vmem>> -> memref<6x128xi32, #tpu.memory_space<vmem>>
        %dma_start3A_562 = arith.constant 0 : i32
        %dma_start3A_563 = tpu.memref_slice %arg2[%add3A_552, %dma_start3A_562] : memref<25152x128xi32, #tpu.memory_space<hbm>> -> memref<6x128xi32, #tpu.memory_space<hbm>>
        tpu.enqueue_dma source(%dma_start3A_563 : memref<6x128xi32, #tpu.memory_space<hbm>>) target(%dma_start3A_561 : memref<6x128xi32, #tpu.memory_space<vmem>>) target_semaphore(%arg7 : memref<!tpu.dma_semaphore, #tpu.memory_space<semaphore_mem>>)
      } else {
      }
      %get3A = arith.constant 0 : i32
      %get3A_16 = arith.index_cast %rem3A_10 : i32 to index
      %get3A_17 = arith.index_cast %get3A : i32 to index
      %get3A_18 = arith.constant 0 : index
      %get3A_19 = tpu.vector_load %arg5[%get3A_16, %get3A_17, %get3A_18] {strides = array<i32>} : memref<2x6x128xi32, #tpu.memory_space<vmem>>, vector<16xi32>,
      %shift_right_logical3A = arith.constant 7 : i32
      %shift_right_logical3A_20 = vector.broadcast %shift_right_logical3A : i32 to vector<16xi32>
      %shift_right_logical3A_21 = arith.shrui %get3A_19, %shift_right_logical3A_20 : vector<16xi32>
      %and3A = arith.constant 127 : i32
      %and3A_22 = vector.broadcast %and3A : i32 to vector<16xi32>
      %and3A_23 = arith.andi %get3A_19, %and3A_22 : vector<16xi32>
      tpu.vector_store_idx %arg6[%shift_right_logical3A_21, %and3A_23], %broadcast_in_dim3A_3 {add = true} : memref<784x128xf32, #tpu.memory_space<vmem>>[vector<16xi32>, vector<16xi32>], vector<16xf32>,
      %get3A_24 = arith.constant 0 : i32
      %get3A_25 = arith.index_cast %rem3A_10 : i32 to index
      %get3A_26 = arith.index_cast %get3A_24 : i32 to index
      %get3A_27 = arith.constant 16 : index
      %get3A_28 = tpu.vector_load %arg5[%get3A_25, %get3A_26, %get3A_27] {strides = array<i32>} : memref<2x6x128xi32, #tpu.memory_space<vmem>>, vector<16xi32>,
      %shift_right_logical3A_29 = arith.constant 7 : i32
      %shift_right_logical3A_30 = vector.broadcast %shift_right_logical3A_29 : i32 to vector<16xi32>
      %shift_right_logical3A_31 = arith.shrui %get3A_28, %shift_right_logical3A_30 : vector<16xi32>
      %and3A_32 = arith.constant 127 : i32
      %and3A_33 = vector.broadcast %and3A_32 : i32 to vector<16xi32>
      %and3A_34 = arith.andi %get3A_28, %and3A_33 : vector<16xi32>
      tpu.vector_store_idx %arg6[%shift_right_logical3A_31, %and3A_34], %broadcast_in_dim3A_3 {add = true} : memref<784x128xf32, #tpu.memory_space<vmem>>[vector<16xi32>, vector<16xi32>], vector<16xf32>,
      %get3A_35 = arith.constant 0 : i32
      %get3A_36 = arith.index_cast %rem3A_10 : i32 to index
      %get3A_37 = arith.index_cast %get3A_35 : i32 to index
      %get3A_38 = arith.constant 32 : index
      %get3A_39 = tpu.vector_load %arg5[%get3A_36, %get3A_37, %get3A_38] {strides = array<i32>} : memref<2x6x128xi32, #tpu.memory_space<vmem>>, vector<16xi32>,
      %shift_right_logical3A_40 = arith.constant 7 : i32
      %shift_right_logical3A_41 = vector.broadcast %shift_right_logical3A_40 : i32 to vector<16xi32>
      %shift_right_logical3A_42 = arith.shrui %get3A_39, %shift_right_logical3A_41 : vector<16xi32>
      %and3A_43 = arith.constant 127 : i32
      %and3A_44 = vector.broadcast %and3A_43 : i32 to vector<16xi32>
      %and3A_45 = arith.andi %get3A_39, %and3A_44 : vector<16xi32>
      tpu.vector_store_idx %arg6[%shift_right_logical3A_42, %and3A_45], %broadcast_in_dim3A_3 {add = true} : memref<784x128xf32, #tpu.memory_space<vmem>>[vector<16xi32>, vector<16xi32>], vector<16xf32>,
      %get3A_46 = arith.constant 0 : i32
      %get3A_47 = arith.index_cast %rem3A_10 : i32 to index
      %get3A_48 = arith.index_cast %get3A_46 : i32 to index
      %get3A_49 = arith.constant 48 : index
      %get3A_50 = tpu.vector_load %arg5[%get3A_47, %get3A_48, %get3A_49] {strides = array<i32>} : memref<2x6x128xi32, #tpu.memory_space<vmem>>, vector<16xi32>,
      %shift_right_logical3A_51 = arith.constant 7 : i32
      %shift_right_logical3A_52 = vector.broadcast %shift_right_logical3A_51 : i32 to vector<16xi32>
      %shift_right_logical3A_53 = arith.shrui %get3A_50, %shift_right_logical3A_52 : vector<16xi32>
      %and3A_54 = arith.constant 127 : i32
      %and3A_55 = vector.broadcast %and3A_54 : i32 to vector<16xi32>
      %and3A_56 = arith.andi %get3A_50, %and3A_55 : vector<16xi32>
      tpu.vector_store_idx %arg6[%shift_right_logical3A_53, %and3A_56], %broadcast_in_dim3A_3 {add = true} : memref<784x128xf32, #tpu.memory_space<vmem>>[vector<16xi32>, vector<16xi32>], vector<16xf32>,
      %get3A_57 = arith.constant 0 : i32
      %get3A_58 = arith.index_cast %rem3A_10 : i32 to index
      %get3A_59 = arith.index_cast %get3A_57 : i32 to index
      %get3A_60 = arith.constant 64 : index
      %get3A_61 = tpu.vector_load %arg5[%get3A_58, %get3A_59, %get3A_60] {strides = array<i32>} : memref<2x6x128xi32, #tpu.memory_space<vmem>>, vector<16xi32>,
      %shift_right_logical3A_62 = arith.constant 7 : i32
      %shift_right_logical3A_63 = vector.broadcast %shift_right_logical3A_62 : i32 to vector<16xi32>
      %shift_right_logical3A_64 = arith.shrui %get3A_61, %shift_right_logical3A_63 : vector<16xi32>
      %and3A_65 = arith.constant 127 : i32
      %and3A_66 = vector.broadcast %and3A_65 : i32 to vector<16xi32>
      %and3A_67 = arith.andi %get3A_61, %and3A_66 : vector<16xi32>
      tpu.vector_store_idx %arg6[%shift_right_logical3A_64, %and3A_67], %broadcast_in_dim3A_3 {add = true} : memref<784x128xf32, #tpu.memory_space<vmem>>[vector<16xi32>, vector<16xi32>], vector<16xf32>,
      %get3A_68 = arith.constant 0 : i32
      %get3A_69 = arith.index_cast %rem3A_10 : i32 to index
      %get3A_70 = arith.index_cast %get3A_68 : i32 to index
      %get3A_71 = arith.constant 80 : index
      %get3A_72 = tpu.vector_load %arg5[%get3A_69, %get3A_70, %get3A_71] {strides = array<i32>} : memref<2x6x128xi32, #tpu.memory_space<vmem>>, vector<16xi32>,
      %shift_right_logical3A_73 = arith.constant 7 : i32
      %shift_right_logical3A_74 = vector.broadcast %shift_right_logical3A_73 : i32 to vector<16xi32>
      %shift_right_logical3A_75 = arith.shrui %get3A_72, %shift_right_logical3A_74 : vector<16xi32>
      %and3A_76 = arith.constant 127 : i32
      %and3A_77 = vector.broadcast %and3A_76 : i32 to vector<16xi32>
      %and3A_78 = arith.andi %get3A_72, %and3A_77 : vector<16xi32>
      tpu.vector_store_idx %arg6[%shift_right_logical3A_75, %and3A_78], %broadcast_in_dim3A_3 {add = true} : memref<784x128xf32, #tpu.memory_space<vmem>>[vector<16xi32>, vector<16xi32>], vector<16xf32>,
      %get3A_79 = arith.constant 0 : i32
      %get3A_80 = arith.index_cast %rem3A_10 : i32 to index
      %get3A_81 = arith.index_cast %get3A_79 : i32 to index
      %get3A_82 = arith.constant 96 : index
      %get3A_83 = tpu.vector_load %arg5[%get3A_80, %get3A_81, %get3A_82] {strides = array<i32>} : memref<2x6x128xi32, #tpu.memory_space<vmem>>, vector<16xi32>,
      %shift_right_logical3A_84 = arith.constant 7 : i32
      %shift_right_logical3A_85 = vector.broadcast %shift_right_logical3A_84 : i32 to vector<16xi32>
      %shift_right_logical3A_86 = arith.shrui %get3A_83, %shift_right_logical3A_85 : vector<16xi32>
      %and3A_87 = arith.constant 127 : i32
      %and3A_88 = vector.broadcast %and3A_87 : i32 to vector<16xi32>
      %and3A_89 = arith.andi %get3A_83, %and3A_88 : vector<16xi32>
      tpu.vector_store_idx %arg6[%shift_right_logical3A_86, %and3A_89], %broadcast_in_dim3A_3 {add = true} : memref<784x128xf32, #tpu.memory_space<vmem>>[vector<16xi32>, vector<16xi32>], vector<16xf32>,
      %get3A_90 = arith.constant 0 : i32
      %get3A_91 = arith.index_cast %rem3A_10 : i32 to index
      %get3A_92 = arith.index_cast %get3A_90 : i32 to index
      %get3A_93 = arith.constant 112 : index
      %get3A_94 = tpu.vector_load %arg5[%get3A_91, %get3A_92, %get3A_93] {strides = array<i32>} : memref<2x6x128xi32, #tpu.memory_space<vmem>>, vector<16xi32>,
      %shift_right_logical3A_95 = arith.constant 7 : i32
      %shift_right_logical3A_96 = vector.broadcast %shift_right_logical3A_95 : i32 to vector<16xi32>
      %shift_right_logical3A_97 = arith.shrui %get3A_94, %shift_right_logical3A_96 : vector<16xi32>
      %and3A_98 = arith.constant 127 : i32
      %and3A_99 = vector.broadcast %and3A_98 : i32 to vector<16xi32>
      %and3A_100 = arith.andi %get3A_94, %and3A_99 : vector<16xi32>
      tpu.vector_store_idx %arg6[%shift_right_logical3A_97, %and3A_100], %broadcast_in_dim3A_3 {add = true} : memref<784x128xf32, #tpu.memory_space<vmem>>[vector<16xi32>, vector<16xi32>], vector<16xf32>,
      %get3A_101 = arith.constant 1 : i32
      %get3A_102 = arith.index_cast %rem3A_10 : i32 to index
      %get3A_103 = arith.index_cast %get3A_101 : i32 to index
      %get3A_104 = arith.constant 0 : index
      %get3A_105 = tpu.vector_load %arg5[%get3A_102, %get3A_103, %get3A_104] {strides = array<i32>} : memref<2x6x128xi32, #tpu.memory_space<vmem>>, vector<16xi32>,
      %shift_right_logical3A_106 = arith.constant 7 : i32
      %shift_right_logical3A_107 = vector.broadcast %shift_right_logical3A_106 : i32 to vector<16xi32>
      %shift_right_logical3A_108 = arith.shrui %get3A_105, %shift_right_logical3A_107 : vector<16xi32>
      %and3A_109 = arith.constant 127 : i32
      %and3A_110 = vector.broadcast %and3A_109 : i32 to vector<16xi32>
      %and3A_111 = arith.andi %get3A_105, %and3A_110 : vector<16xi32>
      tpu.vector_store_idx %arg6[%shift_right_logical3A_108, %and3A_111], %broadcast_in_dim3A_3 {add = true} : memref<784x128xf32, #tpu.memory_space<vmem>>[vector<16xi32>, vector<16xi32>], vector<16xf32>,
      %get3A_112 = arith.constant 1 : i32
      %get3A_113 = arith.index_cast %rem3A_10 : i32 to index
      %get3A_114 = arith.index_cast %get3A_112 : i32 to index
      %get3A_115 = arith.constant 16 : index
      %get3A_116 = tpu.vector_load %arg5[%get3A_113, %get3A_114, %get3A_115] {strides = array<i32>} : memref<2x6x128xi32, #tpu.memory_space<vmem>>, vector<16xi32>,
      %shift_right_logical3A_117 = arith.constant 7 : i32
      %shift_right_logical3A_118 = vector.broadcast %shift_right_logical3A_117 : i32 to vector<16xi32>
      %shift_right_logical3A_119 = arith.shrui %get3A_116, %shift_right_logical3A_118 : vector<16xi32>
      %and3A_120 = arith.constant 127 : i32
      %and3A_121 = vector.broadcast %and3A_120 : i32 to vector<16xi32>
      %and3A_122 = arith.andi %get3A_116, %and3A_121 : vector<16xi32>
      tpu.vector_store_idx %arg6[%shift_right_logical3A_119, %and3A_122], %broadcast_in_dim3A_3 {add = true} : memref<784x128xf32, #tpu.memory_space<vmem>>[vector<16xi32>, vector<16xi32>], vector<16xf32>,
      %get3A_123 = arith.constant 1 : i32
      %get3A_124 = arith.index_cast %rem3A_10 : i32 to index
      %get3A_125 = arith.index_cast %get3A_123 : i32 to index
      %get3A_126 = arith.constant 32 : index
      %get3A_127 = tpu.vector_load %arg5[%get3A_124, %get3A_125, %get3A_126] {strides = array<i32>} : memref<2x6x128xi32, #tpu.memory_space<vmem>>, vector<16xi32>,
      %shift_right_logical3A_128 = arith.constant 7 : i32
      %shift_right_logical3A_129 = vector.broadcast %shift_right_logical3A_128 : i32 to vector<16xi32>
      %shift_right_logical3A_130 = arith.shrui %get3A_127, %shift_right_logical3A_129 : vector<16xi32>
      %and3A_131 = arith.constant 127 : i32
      %and3A_132 = vector.broadcast %and3A_131 : i32 to vector<16xi32>
      %and3A_133 = arith.andi %get3A_127, %and3A_132 : vector<16xi32>
      tpu.vector_store_idx %arg6[%shift_right_logical3A_130, %and3A_133], %broadcast_in_dim3A_3 {add = true} : memref<784x128xf32, #tpu.memory_space<vmem>>[vector<16xi32>, vector<16xi32>], vector<16xf32>,
      %get3A_134 = arith.constant 1 : i32
      %get3A_135 = arith.index_cast %rem3A_10 : i32 to index
      %get3A_136 = arith.index_cast %get3A_134 : i32 to index
      %get3A_137 = arith.constant 48 : index
      %get3A_138 = tpu.vector_load %arg5[%get3A_135, %get3A_136, %get3A_137] {strides = array<i32>} : memref<2x6x128xi32, #tpu.memory_space<vmem>>, vector<16xi32>,
      %shift_right_logical3A_139 = arith.constant 7 : i32
      %shift_right_logical3A_140 = vector.broadcast %shift_right_logical3A_139 : i32 to vector<16xi32>
      %shift_right_logical3A_141 = arith.shrui %get3A_138, %shift_right_logical3A_140 : vector<16xi32>
      %and3A_142 = arith.constant 127 : i32
      %and3A_143 = vector.broadcast %and3A_142 : i32 to vector<16xi32>
      %and3A_144 = arith.andi %get3A_138, %and3A_143 : vector<16xi32>
      tpu.vector_store_idx %arg6[%shift_right_logical3A_141, %and3A_144], %broadcast_in_dim3A_3 {add = true} : memref<784x128xf32, #tpu.memory_space<vmem>>[vector<16xi32>, vector<16xi32>], vector<16xf32>,
      %get3A_145 = arith.constant 1 : i32
      %get3A_146 = arith.index_cast %rem3A_10 : i32 to index
      %get3A_147 = arith.index_cast %get3A_145 : i32 to index
      %get3A_148 = arith.constant 64 : index
      %get3A_149 = tpu.vector_load %arg5[%get3A_146, %get3A_147, %get3A_148] {strides = array<i32>} : memref<2x6x128xi32, #tpu.memory_space<vmem>>, vector<16xi32>,
      %shift_right_logical3A_150 = arith.constant 7 : i32
      %shift_right_logical3A_151 = vector.broadcast %shift_right_logical3A_150 : i32 to vector<16xi32>
      %shift_right_logical3A_152 = arith.shrui %get3A_149, %shift_right_logical3A_151 : vector<16xi32>
      %and3A_153 = arith.constant 127 : i32
      %and3A_154 = vector.broadcast %and3A_153 : i32 to vector<16xi32>
      %and3A_155 = arith.andi %get3A_149, %and3A_154 : vector<16xi32>
      tpu.vector_store_idx %arg6[%shift_right_logical3A_152, %and3A_155], %broadcast_in_dim3A_3 {add = true} : memref<784x128xf32, #tpu.memory_space<vmem>>[vector<16xi32>, vector<16xi32>], vector<16xf32>,
      %get3A_156 = arith.constant 1 : i32
      %get3A_157 = arith.index_cast %rem3A_10 : i32 to index
      %get3A_158 = arith.index_cast %get3A_156 : i32 to index
      %get3A_159 = arith.constant 80 : index
      %get3A_160 = tpu.vector_load %arg5[%get3A_157, %get3A_158, %get3A_159] {strides = array<i32>} : memref<2x6x128xi32, #tpu.memory_space<vmem>>, vector<16xi32>,
      %shift_right_logical3A_161 = arith.constant 7 : i32
      %shift_right_logical3A_162 = vector.broadcast %shift_right_logical3A_161 : i32 to vector<16xi32>
      %shift_right_logical3A_163 = arith.shrui %get3A_160, %shift_right_logical3A_162 : vector<16xi32>
      %and3A_164 = arith.constant 127 : i32
      %and3A_165 = vector.broadcast %and3A_164 : i32 to vector<16xi32>
      %and3A_166 = arith.andi %get3A_160, %and3A_165 : vector<16xi32>
      tpu.vector_store_idx %arg6[%shift_right_logical3A_163, %and3A_166], %broadcast_in_dim3A_3 {add = true} : memref<784x128xf32, #tpu.memory_space<vmem>>[vector<16xi32>, vector<16xi32>], vector<16xf32>,
      %get3A_167 = arith.constant 1 : i32
      %get3A_168 = arith.index_cast %rem3A_10 : i32 to index
      %get3A_169 = arith.index_cast %get3A_167 : i32 to index
      %get3A_170 = arith.constant 96 : index
      %get3A_171 = tpu.vector_load %arg5[%get3A_168, %get3A_169, %get3A_170] {strides = array<i32>} : memref<2x6x128xi32, #tpu.memory_space<vmem>>, vector<16xi32>,
      %shift_right_logical3A_172 = arith.constant 7 : i32
      %shift_right_logical3A_173 = vector.broadcast %shift_right_logical3A_172 : i32 to vector<16xi32>
      %shift_right_logical3A_174 = arith.shrui %get3A_171, %shift_right_logical3A_173 : vector<16xi32>
      %and3A_175 = arith.constant 127 : i32
      %and3A_176 = vector.broadcast %and3A_175 : i32 to vector<16xi32>
      %and3A_177 = arith.andi %get3A_171, %and3A_176 : vector<16xi32>
      tpu.vector_store_idx %arg6[%shift_right_logical3A_174, %and3A_177], %broadcast_in_dim3A_3 {add = true} : memref<784x128xf32, #tpu.memory_space<vmem>>[vector<16xi32>, vector<16xi32>], vector<16xf32>,
      %get3A_178 = arith.constant 1 : i32
      %get3A_179 = arith.index_cast %rem3A_10 : i32 to index
      %get3A_180 = arith.index_cast %get3A_178 : i32 to index
      %get3A_181 = arith.constant 112 : index
      %get3A_182 = tpu.vector_load %arg5[%get3A_179, %get3A_180, %get3A_181] {strides = array<i32>} : memref<2x6x128xi32, #tpu.memory_space<vmem>>, vector<16xi32>,
      %shift_right_logical3A_183 = arith.constant 7 : i32
      %shift_right_logical3A_184 = vector.broadcast %shift_right_logical3A_183 : i32 to vector<16xi32>
      %shift_right_logical3A_185 = arith.shrui %get3A_182, %shift_right_logical3A_184 : vector<16xi32>
      %and3A_186 = arith.constant 127 : i32
      %and3A_187 = vector.broadcast %and3A_186 : i32 to vector<16xi32>
      %and3A_188 = arith.andi %get3A_182, %and3A_187 : vector<16xi32>
      tpu.vector_store_idx %arg6[%shift_right_logical3A_185, %and3A_188], %broadcast_in_dim3A_3 {add = true} : memref<784x128xf32, #tpu.memory_space<vmem>>[vector<16xi32>, vector<16xi32>], vector<16xf32>,
      %get3A_189 = arith.constant 2 : i32
      %get3A_190 = arith.index_cast %rem3A_10 : i32 to index
      %get3A_191 = arith.index_cast %get3A_189 : i32 to index
      %get3A_192 = arith.constant 0 : index
      %get3A_193 = tpu.vector_load %arg5[%get3A_190, %get3A_191, %get3A_192] {strides = array<i32>} : memref<2x6x128xi32, #tpu.memory_space<vmem>>, vector<16xi32>,
      %shift_right_logical3A_194 = arith.constant 7 : i32
      %shift_right_logical3A_195 = vector.broadcast %shift_right_logical3A_194 : i32 to vector<16xi32>
      %shift_right_logical3A_196 = arith.shrui %get3A_193, %shift_right_logical3A_195 : vector<16xi32>
      %and3A_197 = arith.constant 127 : i32
      %and3A_198 = vector.broadcast %and3A_197 : i32 to vector<16xi32>
      %and3A_199 = arith.andi %get3A_193, %and3A_198 : vector<16xi32>
      tpu.vector_store_idx %arg6[%shift_right_logical3A_196, %and3A_199], %broadcast_in_dim3A_3 {add = true} : memref<784x128xf32, #tpu.memory_space<vmem>>[vector<16xi32>, vector<16xi32>], vector<16xf32>,
      %get3A_200 = arith.constant 2 : i32
      %get3A_201 = arith.index_cast %rem3A_10 : i32 to index
      %get3A_202 = arith.index_cast %get3A_200 : i32 to index
      %get3A_203 = arith.constant 16 : index
      %get3A_204 = tpu.vector_load %arg5[%get3A_201, %get3A_202, %get3A_203] {strides = array<i32>} : memref<2x6x128xi32, #tpu.memory_space<vmem>>, vector<16xi32>,
      %shift_right_logical3A_205 = arith.constant 7 : i32
      %shift_right_logical3A_206 = vector.broadcast %shift_right_logical3A_205 : i32 to vector<16xi32>
      %shift_right_logical3A_207 = arith.shrui %get3A_204, %shift_right_logical3A_206 : vector<16xi32>
      %and3A_208 = arith.constant 127 : i32
      %and3A_209 = vector.broadcast %and3A_208 : i32 to vector<16xi32>
      %and3A_210 = arith.andi %get3A_204, %and3A_209 : vector<16xi32>
      tpu.vector_store_idx %arg6[%shift_right_logical3A_207, %and3A_210], %broadcast_in_dim3A_3 {add = true} : memref<784x128xf32, #tpu.memory_space<vmem>>[vector<16xi32>, vector<16xi32>], vector<16xf32>,
      %get3A_211 = arith.constant 2 : i32
      %get3A_212 = arith.index_cast %rem3A_10 : i32 to index
      %get3A_213 = arith.index_cast %get3A_211 : i32 to index
      %get3A_214 = arith.constant 32 : index
      %get3A_215 = tpu.vector_load %arg5[%get3A_212, %get3A_213, %get3A_214] {strides = array<i32>} : memref<2x6x128xi32, #tpu.memory_space<vmem>>, vector<16xi32>,
      %shift_right_logical3A_216 = arith.constant 7 : i32
      %shift_right_logical3A_217 = vector.broadcast %shift_right_logical3A_216 : i32 to vector<16xi32>
      %shift_right_logical3A_218 = arith.shrui %get3A_215, %shift_right_logical3A_217 : vector<16xi32>
      %and3A_219 = arith.constant 127 : i32
      %and3A_220 = vector.broadcast %and3A_219 : i32 to vector<16xi32>
      %and3A_221 = arith.andi %get3A_215, %and3A_220 : vector<16xi32>
      tpu.vector_store_idx %arg6[%shift_right_logical3A_218, %and3A_221], %broadcast_in_dim3A_3 {add = true} : memref<784x128xf32, #tpu.memory_space<vmem>>[vector<16xi32>, vector<16xi32>], vector<16xf32>,
      %get3A_222 = arith.constant 2 : i32
      %get3A_223 = arith.index_cast %rem3A_10 : i32 to index
      %get3A_224 = arith.index_cast %get3A_222 : i32 to index
      %get3A_225 = arith.constant 48 : index
      %get3A_226 = tpu.vector_load %arg5[%get3A_223, %get3A_224, %get3A_225] {strides = array<i32>} : memref<2x6x128xi32, #tpu.memory_space<vmem>>, vector<16xi32>,
      %shift_right_logical3A_227 = arith.constant 7 : i32
      %shift_right_logical3A_228 = vector.broadcast %shift_right_logical3A_227 : i32 to vector<16xi32>
      %shift_right_logical3A_229 = arith.shrui %get3A_226, %shift_right_logical3A_228 : vector<16xi32>
      %and3A_230 = arith.constant 127 : i32
      %and3A_231 = vector.broadcast %and3A_230 : i32 to vector<16xi32>
      %and3A_232 = arith.andi %get3A_226, %and3A_231 : vector<16xi32>
      tpu.vector_store_idx %arg6[%shift_right_logical3A_229, %and3A_232], %broadcast_in_dim3A_3 {add = true} : memref<784x128xf32, #tpu.memory_space<vmem>>[vector<16xi32>, vector<16xi32>], vector<16xf32>,
      %get3A_233 = arith.constant 2 : i32
      %get3A_234 = arith.index_cast %rem3A_10 : i32 to index
      %get3A_235 = arith.index_cast %get3A_233 : i32 to index
      %get3A_236 = arith.constant 64 : index
      %get3A_237 = tpu.vector_load %arg5[%get3A_234, %get3A_235, %get3A_236] {strides = array<i32>} : memref<2x6x128xi32, #tpu.memory_space<vmem>>, vector<16xi32>,
      %shift_right_logical3A_238 = arith.constant 7 : i32
      %shift_right_logical3A_239 = vector.broadcast %shift_right_logical3A_238 : i32 to vector<16xi32>
      %shift_right_logical3A_240 = arith.shrui %get3A_237, %shift_right_logical3A_239 : vector<16xi32>
      %and3A_241 = arith.constant 127 : i32
      %and3A_242 = vector.broadcast %and3A_241 : i32 to vector<16xi32>
      %and3A_243 = arith.andi %get3A_237, %and3A_242 : vector<16xi32>
      tpu.vector_store_idx %arg6[%shift_right_logical3A_240, %and3A_243], %broadcast_in_dim3A_3 {add = true} : memref<784x128xf32, #tpu.memory_space<vmem>>[vector<16xi32>, vector<16xi32>], vector<16xf32>,
      %get3A_244 = arith.constant 2 : i32
      %get3A_245 = arith.index_cast %rem3A_10 : i32 to index
      %get3A_246 = arith.index_cast %get3A_244 : i32 to index
      %get3A_247 = arith.constant 80 : index
      %get3A_248 = tpu.vector_load %arg5[%get3A_245, %get3A_246, %get3A_247] {strides = array<i32>} : memref<2x6x128xi32, #tpu.memory_space<vmem>>, vector<16xi32>,
      %shift_right_logical3A_249 = arith.constant 7 : i32
      %shift_right_logical3A_250 = vector.broadcast %shift_right_logical3A_249 : i32 to vector<16xi32>
      %shift_right_logical3A_251 = arith.shrui %get3A_248, %shift_right_logical3A_250 : vector<16xi32>
      %and3A_252 = arith.constant 127 : i32
      %and3A_253 = vector.broadcast %and3A_252 : i32 to vector<16xi32>
      %and3A_254 = arith.andi %get3A_248, %and3A_253 : vector<16xi32>
      tpu.vector_store_idx %arg6[%shift_right_logical3A_251, %and3A_254], %broadcast_in_dim3A_3 {add = true} : memref<784x128xf32, #tpu.memory_space<vmem>>[vector<16xi32>, vector<16xi32>], vector<16xf32>,
      %get3A_255 = arith.constant 2 : i32
      %get3A_256 = arith.index_cast %rem3A_10 : i32 to index
      %get3A_257 = arith.index_cast %get3A_255 : i32 to index
      %get3A_258 = arith.constant 96 : index
      %get3A_259 = tpu.vector_load %arg5[%get3A_256, %get3A_257, %get3A_258] {strides = array<i32>} : memref<2x6x128xi32, #tpu.memory_space<vmem>>, vector<16xi32>,
      %shift_right_logical3A_260 = arith.constant 7 : i32
      %shift_right_logical3A_261 = vector.broadcast %shift_right_logical3A_260 : i32 to vector<16xi32>
      %shift_right_logical3A_262 = arith.shrui %get3A_259, %shift_right_logical3A_261 : vector<16xi32>
      %and3A_263 = arith.constant 127 : i32
      %and3A_264 = vector.broadcast %and3A_263 : i32 to vector<16xi32>
      %and3A_265 = arith.andi %get3A_259, %and3A_264 : vector<16xi32>
      tpu.vector_store_idx %arg6[%shift_right_logical3A_262, %and3A_265], %broadcast_in_dim3A_3 {add = true} : memref<784x128xf32, #tpu.memory_space<vmem>>[vector<16xi32>, vector<16xi32>], vector<16xf32>,
      %get3A_266 = arith.constant 2 : i32
      %get3A_267 = arith.index_cast %rem3A_10 : i32 to index
      %get3A_268 = arith.index_cast %get3A_266 : i32 to index
      %get3A_269 = arith.constant 112 : index
      %get3A_270 = tpu.vector_load %arg5[%get3A_267, %get3A_268, %get3A_269] {strides = array<i32>} : memref<2x6x128xi32, #tpu.memory_space<vmem>>, vector<16xi32>,
      %shift_right_logical3A_271 = arith.constant 7 : i32
      %shift_right_logical3A_272 = vector.broadcast %shift_right_logical3A_271 : i32 to vector<16xi32>
      %shift_right_logical3A_273 = arith.shrui %get3A_270, %shift_right_logical3A_272 : vector<16xi32>
      %and3A_274 = arith.constant 127 : i32
      %and3A_275 = vector.broadcast %and3A_274 : i32 to vector<16xi32>
      %and3A_276 = arith.andi %get3A_270, %and3A_275 : vector<16xi32>
      tpu.vector_store_idx %arg6[%shift_right_logical3A_273, %and3A_276], %broadcast_in_dim3A_3 {add = true} : memref<784x128xf32, #tpu.memory_space<vmem>>[vector<16xi32>, vector<16xi32>], vector<16xf32>,
      %get3A_277 = arith.constant 3 : i32
      %get3A_278 = arith.index_cast %rem3A_10 : i32 to index
      %get3A_279 = arith.index_cast %get3A_277 : i32 to index
      %get3A_280 = arith.constant 0 : index
      %get3A_281 = tpu.vector_load %arg5[%get3A_278, %get3A_279, %get3A_280] {strides = array<i32>} : memref<2x6x128xi32, #tpu.memory_space<vmem>>, vector<16xi32>,
      %shift_right_logical3A_282 = arith.constant 7 : i32
      %shift_right_logical3A_283 = vector.broadcast %shift_right_logical3A_282 : i32 to vector<16xi32>
      %shift_right_logical3A_284 = arith.shrui %get3A_281, %shift_right_logical3A_283 : vector<16xi32>
      %and3A_285 = arith.constant 127 : i32
      %and3A_286 = vector.broadcast %and3A_285 : i32 to vector<16xi32>
      %and3A_287 = arith.andi %get3A_281, %and3A_286 : vector<16xi32>
      tpu.vector_store_idx %arg6[%shift_right_logical3A_284, %and3A_287], %broadcast_in_dim3A_3 {add = true} : memref<784x128xf32, #tpu.memory_space<vmem>>[vector<16xi32>, vector<16xi32>], vector<16xf32>,
      %get3A_288 = arith.constant 3 : i32
      %get3A_289 = arith.index_cast %rem3A_10 : i32 to index
      %get3A_290 = arith.index_cast %get3A_288 : i32 to index
      %get3A_291 = arith.constant 16 : index
      %get3A_292 = tpu.vector_load %arg5[%get3A_289, %get3A_290, %get3A_291] {strides = array<i32>} : memref<2x6x128xi32, #tpu.memory_space<vmem>>, vector<16xi32>,
      %shift_right_logical3A_293 = arith.constant 7 : i32
      %shift_right_logical3A_294 = vector.broadcast %shift_right_logical3A_293 : i32 to vector<16xi32>
      %shift_right_logical3A_295 = arith.shrui %get3A_292, %shift_right_logical3A_294 : vector<16xi32>
      %and3A_296 = arith.constant 127 : i32
      %and3A_297 = vector.broadcast %and3A_296 : i32 to vector<16xi32>
      %and3A_298 = arith.andi %get3A_292, %and3A_297 : vector<16xi32>
      tpu.vector_store_idx %arg6[%shift_right_logical3A_295, %and3A_298], %broadcast_in_dim3A_3 {add = true} : memref<784x128xf32, #tpu.memory_space<vmem>>[vector<16xi32>, vector<16xi32>], vector<16xf32>,
      %get3A_299 = arith.constant 3 : i32
      %get3A_300 = arith.index_cast %rem3A_10 : i32 to index
      %get3A_301 = arith.index_cast %get3A_299 : i32 to index
      %get3A_302 = arith.constant 32 : index
      %get3A_303 = tpu.vector_load %arg5[%get3A_300, %get3A_301, %get3A_302] {strides = array<i32>} : memref<2x6x128xi32, #tpu.memory_space<vmem>>, vector<16xi32>,
      %shift_right_logical3A_304 = arith.constant 7 : i32
      %shift_right_logical3A_305 = vector.broadcast %shift_right_logical3A_304 : i32 to vector<16xi32>
      %shift_right_logical3A_306 = arith.shrui %get3A_303, %shift_right_logical3A_305 : vector<16xi32>
      %and3A_307 = arith.constant 127 : i32
      %and3A_308 = vector.broadcast %and3A_307 : i32 to vector<16xi32>
      %and3A_309 = arith.andi %get3A_303, %and3A_308 : vector<16xi32>
      tpu.vector_store_idx %arg6[%shift_right_logical3A_306, %and3A_309], %broadcast_in_dim3A_3 {add = true} : memref<784x128xf32, #tpu.memory_space<vmem>>[vector<16xi32>, vector<16xi32>], vector<16xf32>,
      %get3A_310 = arith.constant 3 : i32
      %get3A_311 = arith.index_cast %rem3A_10 : i32 to index
      %get3A_312 = arith.index_cast %get3A_310 : i32 to index
      %get3A_313 = arith.constant 48 : index
      %get3A_314 = tpu.vector_load %arg5[%get3A_311, %get3A_312, %get3A_313] {strides = array<i32>} : memref<2x6x128xi32, #tpu.memory_space<vmem>>, vector<16xi32>,
      %shift_right_logical3A_315 = arith.constant 7 : i32
      %shift_right_logical3A_316 = vector.broadcast %shift_right_logical3A_315 : i32 to vector<16xi32>
      %shift_right_logical3A_317 = arith.shrui %get3A_314, %shift_right_logical3A_316 : vector<16xi32>
      %and3A_318 = arith.constant 127 : i32
      %and3A_319 = vector.broadcast %and3A_318 : i32 to vector<16xi32>
      %and3A_320 = arith.andi %get3A_314, %and3A_319 : vector<16xi32>
      tpu.vector_store_idx %arg6[%shift_right_logical3A_317, %and3A_320], %broadcast_in_dim3A_3 {add = true} : memref<784x128xf32, #tpu.memory_space<vmem>>[vector<16xi32>, vector<16xi32>], vector<16xf32>,
      %get3A_321 = arith.constant 3 : i32
      %get3A_322 = arith.index_cast %rem3A_10 : i32 to index
      %get3A_323 = arith.index_cast %get3A_321 : i32 to index
      %get3A_324 = arith.constant 64 : index
      %get3A_325 = tpu.vector_load %arg5[%get3A_322, %get3A_323, %get3A_324] {strides = array<i32>} : memref<2x6x128xi32, #tpu.memory_space<vmem>>, vector<16xi32>,
      %shift_right_logical3A_326 = arith.constant 7 : i32
      %shift_right_logical3A_327 = vector.broadcast %shift_right_logical3A_326 : i32 to vector<16xi32>
      %shift_right_logical3A_328 = arith.shrui %get3A_325, %shift_right_logical3A_327 : vector<16xi32>
      %and3A_329 = arith.constant 127 : i32
      %and3A_330 = vector.broadcast %and3A_329 : i32 to vector<16xi32>
      %and3A_331 = arith.andi %get3A_325, %and3A_330 : vector<16xi32>
      tpu.vector_store_idx %arg6[%shift_right_logical3A_328, %and3A_331], %broadcast_in_dim3A_3 {add = true} : memref<784x128xf32, #tpu.memory_space<vmem>>[vector<16xi32>, vector<16xi32>], vector<16xf32>,
      %get3A_332 = arith.constant 3 : i32
      %get3A_333 = arith.index_cast %rem3A_10 : i32 to index
      %get3A_334 = arith.index_cast %get3A_332 : i32 to index
      %get3A_335 = arith.constant 80 : index
      %get3A_336 = tpu.vector_load %arg5[%get3A_333, %get3A_334, %get3A_335] {strides = array<i32>} : memref<2x6x128xi32, #tpu.memory_space<vmem>>, vector<16xi32>,
      %shift_right_logical3A_337 = arith.constant 7 : i32
      %shift_right_logical3A_338 = vector.broadcast %shift_right_logical3A_337 : i32 to vector<16xi32>
      %shift_right_logical3A_339 = arith.shrui %get3A_336, %shift_right_logical3A_338 : vector<16xi32>
      %and3A_340 = arith.constant 127 : i32
      %and3A_341 = vector.broadcast %and3A_340 : i32 to vector<16xi32>
      %and3A_342 = arith.andi %get3A_336, %and3A_341 : vector<16xi32>
      tpu.vector_store_idx %arg6[%shift_right_logical3A_339, %and3A_342], %broadcast_in_dim3A_3 {add = true} : memref<784x128xf32, #tpu.memory_space<vmem>>[vector<16xi32>, vector<16xi32>], vector<16xf32>,
      %get3A_343 = arith.constant 3 : i32
      %get3A_344 = arith.index_cast %rem3A_10 : i32 to index
      %get3A_345 = arith.index_cast %get3A_343 : i32 to index
      %get3A_346 = arith.constant 96 : index
      %get3A_347 = tpu.vector_load %arg5[%get3A_344, %get3A_345, %get3A_346] {strides = array<i32>} : memref<2x6x128xi32, #tpu.memory_space<vmem>>, vector<16xi32>,
      %shift_right_logical3A_348 = arith.constant 7 : i32
      %shift_right_logical3A_349 = vector.broadcast %shift_right_logical3A_348 : i32 to vector<16xi32>
      %shift_right_logical3A_350 = arith.shrui %get3A_347, %shift_right_logical3A_349 : vector<16xi32>
      %and3A_351 = arith.constant 127 : i32
      %and3A_352 = vector.broadcast %and3A_351 : i32 to vector<16xi32>
      %and3A_353 = arith.andi %get3A_347, %and3A_352 : vector<16xi32>
      tpu.vector_store_idx %arg6[%shift_right_logical3A_350, %and3A_353], %broadcast_in_dim3A_3 {add = true} : memref<784x128xf32, #tpu.memory_space<vmem>>[vector<16xi32>, vector<16xi32>], vector<16xf32>,
      %get3A_354 = arith.constant 3 : i32
      %get3A_355 = arith.index_cast %rem3A_10 : i32 to index
      %get3A_356 = arith.index_cast %get3A_354 : i32 to index
      %get3A_357 = arith.constant 112 : index
      %get3A_358 = tpu.vector_load %arg5[%get3A_355, %get3A_356, %get3A_357] {strides = array<i32>} : memref<2x6x128xi32, #tpu.memory_space<vmem>>, vector<16xi32>,
      %shift_right_logical3A_359 = arith.constant 7 : i32
      %shift_right_logical3A_360 = vector.broadcast %shift_right_logical3A_359 : i32 to vector<16xi32>
      %shift_right_logical3A_361 = arith.shrui %get3A_358, %shift_right_logical3A_360 : vector<16xi32>
      %and3A_362 = arith.constant 127 : i32
      %and3A_363 = vector.broadcast %and3A_362 : i32 to vector<16xi32>
      %and3A_364 = arith.andi %get3A_358, %and3A_363 : vector<16xi32>
      tpu.vector_store_idx %arg6[%shift_right_logical3A_361, %and3A_364], %broadcast_in_dim3A_3 {add = true} : memref<784x128xf32, #tpu.memory_space<vmem>>[vector<16xi32>, vector<16xi32>], vector<16xf32>,
      %get3A_365 = arith.constant 4 : i32
      %get3A_366 = arith.index_cast %rem3A_10 : i32 to index
      %get3A_367 = arith.index_cast %get3A_365 : i32 to index
      %get3A_368 = arith.constant 0 : index
      %get3A_369 = tpu.vector_load %arg5[%get3A_366, %get3A_367, %get3A_368] {strides = array<i32>} : memref<2x6x128xi32, #tpu.memory_space<vmem>>, vector<16xi32>,
      %shift_right_logical3A_370 = arith.constant 7 : i32
      %shift_right_logical3A_371 = vector.broadcast %shift_right_logical3A_370 : i32 to vector<16xi32>
      %shift_right_logical3A_372 = arith.shrui %get3A_369, %shift_right_logical3A_371 : vector<16xi32>
      %and3A_373 = arith.constant 127 : i32
      %and3A_374 = vector.broadcast %and3A_373 : i32 to vector<16xi32>
      %and3A_375 = arith.andi %get3A_369, %and3A_374 : vector<16xi32>
      tpu.vector_store_idx %arg6[%shift_right_logical3A_372, %and3A_375], %broadcast_in_dim3A_3 {add = true} : memref<784x128xf32, #tpu.memory_space<vmem>>[vector<16xi32>, vector<16xi32>], vector<16xf32>,
      %get3A_376 = arith.constant 4 : i32
      %get3A_377 = arith.index_cast %rem3A_10 : i32 to index
      %get3A_378 = arith.index_cast %get3A_376 : i32 to index
      %get3A_379 = arith.constant 16 : index
      %get3A_380 = tpu.vector_load %arg5[%get3A_377, %get3A_378, %get3A_379] {strides = array<i32>} : memref<2x6x128xi32, #tpu.memory_space<vmem>>, vector<16xi32>,
      %shift_right_logical3A_381 = arith.constant 7 : i32
      %shift_right_logical3A_382 = vector.broadcast %shift_right_logical3A_381 : i32 to vector<16xi32>
      %shift_right_logical3A_383 = arith.shrui %get3A_380, %shift_right_logical3A_382 : vector<16xi32>
      %and3A_384 = arith.constant 127 : i32
      %and3A_385 = vector.broadcast %and3A_384 : i32 to vector<16xi32>
      %and3A_386 = arith.andi %get3A_380, %and3A_385 : vector<16xi32>
      tpu.vector_store_idx %arg6[%shift_right_logical3A_383, %and3A_386], %broadcast_in_dim3A_3 {add = true} : memref<784x128xf32, #tpu.memory_space<vmem>>[vector<16xi32>, vector<16xi32>], vector<16xf32>,
      %get3A_387 = arith.constant 4 : i32
      %get3A_388 = arith.index_cast %rem3A_10 : i32 to index
      %get3A_389 = arith.index_cast %get3A_387 : i32 to index
      %get3A_390 = arith.constant 32 : index
      %get3A_391 = tpu.vector_load %arg5[%get3A_388, %get3A_389, %get3A_390] {strides = array<i32>} : memref<2x6x128xi32, #tpu.memory_space<vmem>>, vector<16xi32>,
      %shift_right_logical3A_392 = arith.constant 7 : i32
      %shift_right_logical3A_393 = vector.broadcast %shift_right_logical3A_392 : i32 to vector<16xi32>
      %shift_right_logical3A_394 = arith.shrui %get3A_391, %shift_right_logical3A_393 : vector<16xi32>
      %and3A_395 = arith.constant 127 : i32
      %and3A_396 = vector.broadcast %and3A_395 : i32 to vector<16xi32>
      %and3A_397 = arith.andi %get3A_391, %and3A_396 : vector<16xi32>
      tpu.vector_store_idx %arg6[%shift_right_logical3A_394, %and3A_397], %broadcast_in_dim3A_3 {add = true} : memref<784x128xf32, #tpu.memory_space<vmem>>[vector<16xi32>, vector<16xi32>], vector<16xf32>,
      %get3A_398 = arith.constant 4 : i32
      %get3A_399 = arith.index_cast %rem3A_10 : i32 to index
      %get3A_400 = arith.index_cast %get3A_398 : i32 to index
      %get3A_401 = arith.constant 48 : index
      %get3A_402 = tpu.vector_load %arg5[%get3A_399, %get3A_400, %get3A_401] {strides = array<i32>} : memref<2x6x128xi32, #tpu.memory_space<vmem>>, vector<16xi32>,
      %shift_right_logical3A_403 = arith.constant 7 : i32
      %shift_right_logical3A_404 = vector.broadcast %shift_right_logical3A_403 : i32 to vector<16xi32>
      %shift_right_logical3A_405 = arith.shrui %get3A_402, %shift_right_logical3A_404 : vector<16xi32>
      %and3A_406 = arith.constant 127 : i32
      %and3A_407 = vector.broadcast %and3A_406 : i32 to vector<16xi32>
      %and3A_408 = arith.andi %get3A_402, %and3A_407 : vector<16xi32>
      tpu.vector_store_idx %arg6[%shift_right_logical3A_405, %and3A_408], %broadcast_in_dim3A_3 {add = true} : memref<784x128xf32, #tpu.memory_space<vmem>>[vector<16xi32>, vector<16xi32>], vector<16xf32>,
      %get3A_409 = arith.constant 4 : i32
      %get3A_410 = arith.index_cast %rem3A_10 : i32 to index
      %get3A_411 = arith.index_cast %get3A_409 : i32 to index
      %get3A_412 = arith.constant 64 : index
      %get3A_413 = tpu.vector_load %arg5[%get3A_410, %get3A_411, %get3A_412] {strides = array<i32>} : memref<2x6x128xi32, #tpu.memory_space<vmem>>, vector<16xi32>,
      %shift_right_logical3A_414 = arith.constant 7 : i32
      %shift_right_logical3A_415 = vector.broadcast %shift_right_logical3A_414 : i32 to vector<16xi32>
      %shift_right_logical3A_416 = arith.shrui %get3A_413, %shift_right_logical3A_415 : vector<16xi32>
      %and3A_417 = arith.constant 127 : i32
      %and3A_418 = vector.broadcast %and3A_417 : i32 to vector<16xi32>
      %and3A_419 = arith.andi %get3A_413, %and3A_418 : vector<16xi32>
      tpu.vector_store_idx %arg6[%shift_right_logical3A_416, %and3A_419], %broadcast_in_dim3A_3 {add = true} : memref<784x128xf32, #tpu.memory_space<vmem>>[vector<16xi32>, vector<16xi32>], vector<16xf32>,
      %get3A_420 = arith.constant 4 : i32
      %get3A_421 = arith.index_cast %rem3A_10 : i32 to index
      %get3A_422 = arith.index_cast %get3A_420 : i32 to index
      %get3A_423 = arith.constant 80 : index
      %get3A_424 = tpu.vector_load %arg5[%get3A_421, %get3A_422, %get3A_423] {strides = array<i32>} : memref<2x6x128xi32, #tpu.memory_space<vmem>>, vector<16xi32>,
      %shift_right_logical3A_425 = arith.constant 7 : i32
      %shift_right_logical3A_426 = vector.broadcast %shift_right_logical3A_425 : i32 to vector<16xi32>
      %shift_right_logical3A_427 = arith.shrui %get3A_424, %shift_right_logical3A_426 : vector<16xi32>
      %and3A_428 = arith.constant 127 : i32
      %and3A_429 = vector.broadcast %and3A_428 : i32 to vector<16xi32>
      %and3A_430 = arith.andi %get3A_424, %and3A_429 : vector<16xi32>
      tpu.vector_store_idx %arg6[%shift_right_logical3A_427, %and3A_430], %broadcast_in_dim3A_3 {add = true} : memref<784x128xf32, #tpu.memory_space<vmem>>[vector<16xi32>, vector<16xi32>], vector<16xf32>,
      %get3A_431 = arith.constant 4 : i32
      %get3A_432 = arith.index_cast %rem3A_10 : i32 to index
      %get3A_433 = arith.index_cast %get3A_431 : i32 to index
      %get3A_434 = arith.constant 96 : index
      %get3A_435 = tpu.vector_load %arg5[%get3A_432, %get3A_433, %get3A_434] {strides = array<i32>} : memref<2x6x128xi32, #tpu.memory_space<vmem>>, vector<16xi32>,
      %shift_right_logical3A_436 = arith.constant 7 : i32
      %shift_right_logical3A_437 = vector.broadcast %shift_right_logical3A_436 : i32 to vector<16xi32>
      %shift_right_logical3A_438 = arith.shrui %get3A_435, %shift_right_logical3A_437 : vector<16xi32>
      %and3A_439 = arith.constant 127 : i32
      %and3A_440 = vector.broadcast %and3A_439 : i32 to vector<16xi32>
      %and3A_441 = arith.andi %get3A_435, %and3A_440 : vector<16xi32>
      tpu.vector_store_idx %arg6[%shift_right_logical3A_438, %and3A_441], %broadcast_in_dim3A_3 {add = true} : memref<784x128xf32, #tpu.memory_space<vmem>>[vector<16xi32>, vector<16xi32>], vector<16xf32>,
      %get3A_442 = arith.constant 4 : i32
      %get3A_443 = arith.index_cast %rem3A_10 : i32 to index
      %get3A_444 = arith.index_cast %get3A_442 : i32 to index
      %get3A_445 = arith.constant 112 : index
      %get3A_446 = tpu.vector_load %arg5[%get3A_443, %get3A_444, %get3A_445] {strides = array<i32>} : memref<2x6x128xi32, #tpu.memory_space<vmem>>, vector<16xi32>,
      %shift_right_logical3A_447 = arith.constant 7 : i32
      %shift_right_logical3A_448 = vector.broadcast %shift_right_logical3A_447 : i32 to vector<16xi32>
      %shift_right_logical3A_449 = arith.shrui %get3A_446, %shift_right_logical3A_448 : vector<16xi32>
      %and3A_450 = arith.constant 127 : i32
      %and3A_451 = vector.broadcast %and3A_450 : i32 to vector<16xi32>
      %and3A_452 = arith.andi %get3A_446, %and3A_451 : vector<16xi32>
      tpu.vector_store_idx %arg6[%shift_right_logical3A_449, %and3A_452], %broadcast_in_dim3A_3 {add = true} : memref<784x128xf32, #tpu.memory_space<vmem>>[vector<16xi32>, vector<16xi32>], vector<16xf32>,
      %get3A_453 = arith.constant 5 : i32
      %get3A_454 = arith.index_cast %rem3A_10 : i32 to index
      %get3A_455 = arith.index_cast %get3A_453 : i32 to index
      %get3A_456 = arith.constant 0 : index
      %get3A_457 = tpu.vector_load %arg5[%get3A_454, %get3A_455, %get3A_456] {strides = array<i32>} : memref<2x6x128xi32, #tpu.memory_space<vmem>>, vector<16xi32>,
      %shift_right_logical3A_458 = arith.constant 7 : i32
      %shift_right_logical3A_459 = vector.broadcast %shift_right_logical3A_458 : i32 to vector<16xi32>
      %shift_right_logical3A_460 = arith.shrui %get3A_457, %shift_right_logical3A_459 : vector<16xi32>
      %and3A_461 = arith.constant 127 : i32
      %and3A_462 = vector.broadcast %and3A_461 : i32 to vector<16xi32>
      %and3A_463 = arith.andi %get3A_457, %and3A_462 : vector<16xi32>
      tpu.vector_store_idx %arg6[%shift_right_logical3A_460, %and3A_463], %broadcast_in_dim3A_3 {add = true} : memref<784x128xf32, #tpu.memory_space<vmem>>[vector<16xi32>, vector<16xi32>], vector<16xf32>,
      %get3A_464 = arith.constant 5 : i32
      %get3A_465 = arith.index_cast %rem3A_10 : i32 to index
      %get3A_466 = arith.index_cast %get3A_464 : i32 to index
      %get3A_467 = arith.constant 16 : index
      %get3A_468 = tpu.vector_load %arg5[%get3A_465, %get3A_466, %get3A_467] {strides = array<i32>} : memref<2x6x128xi32, #tpu.memory_space<vmem>>, vector<16xi32>,
      %shift_right_logical3A_469 = arith.constant 7 : i32
      %shift_right_logical3A_470 = vector.broadcast %shift_right_logical3A_469 : i32 to vector<16xi32>
      %shift_right_logical3A_471 = arith.shrui %get3A_468, %shift_right_logical3A_470 : vector<16xi32>
      %and3A_472 = arith.constant 127 : i32
      %and3A_473 = vector.broadcast %and3A_472 : i32 to vector<16xi32>
      %and3A_474 = arith.andi %get3A_468, %and3A_473 : vector<16xi32>
      tpu.vector_store_idx %arg6[%shift_right_logical3A_471, %and3A_474], %broadcast_in_dim3A_3 {add = true} : memref<784x128xf32, #tpu.memory_space<vmem>>[vector<16xi32>, vector<16xi32>], vector<16xf32>,
      %get3A_475 = arith.constant 5 : i32
      %get3A_476 = arith.index_cast %rem3A_10 : i32 to index
      %get3A_477 = arith.index_cast %get3A_475 : i32 to index
      %get3A_478 = arith.constant 32 : index
      %get3A_479 = tpu.vector_load %arg5[%get3A_476, %get3A_477, %get3A_478] {strides = array<i32>} : memref<2x6x128xi32, #tpu.memory_space<vmem>>, vector<16xi32>,
      %shift_right_logical3A_480 = arith.constant 7 : i32
      %shift_right_logical3A_481 = vector.broadcast %shift_right_logical3A_480 : i32 to vector<16xi32>
      %shift_right_logical3A_482 = arith.shrui %get3A_479, %shift_right_logical3A_481 : vector<16xi32>
      %and3A_483 = arith.constant 127 : i32
      %and3A_484 = vector.broadcast %and3A_483 : i32 to vector<16xi32>
      %and3A_485 = arith.andi %get3A_479, %and3A_484 : vector<16xi32>
      tpu.vector_store_idx %arg6[%shift_right_logical3A_482, %and3A_485], %broadcast_in_dim3A_3 {add = true} : memref<784x128xf32, #tpu.memory_space<vmem>>[vector<16xi32>, vector<16xi32>], vector<16xf32>,
      %get3A_486 = arith.constant 5 : i32
      %get3A_487 = arith.index_cast %rem3A_10 : i32 to index
      %get3A_488 = arith.index_cast %get3A_486 : i32 to index
      %get3A_489 = arith.constant 48 : index
      %get3A_490 = tpu.vector_load %arg5[%get3A_487, %get3A_488, %get3A_489] {strides = array<i32>} : memref<2x6x128xi32, #tpu.memory_space<vmem>>, vector<16xi32>,
      %shift_right_logical3A_491 = arith.constant 7 : i32
      %shift_right_logical3A_492 = vector.broadcast %shift_right_logical3A_491 : i32 to vector<16xi32>
      %shift_right_logical3A_493 = arith.shrui %get3A_490, %shift_right_logical3A_492 : vector<16xi32>
      %and3A_494 = arith.constant 127 : i32
      %and3A_495 = vector.broadcast %and3A_494 : i32 to vector<16xi32>
      %and3A_496 = arith.andi %get3A_490, %and3A_495 : vector<16xi32>
      tpu.vector_store_idx %arg6[%shift_right_logical3A_493, %and3A_496], %broadcast_in_dim3A_3 {add = true} : memref<784x128xf32, #tpu.memory_space<vmem>>[vector<16xi32>, vector<16xi32>], vector<16xf32>,
      %get3A_497 = arith.constant 5 : i32
      %get3A_498 = arith.index_cast %rem3A_10 : i32 to index
      %get3A_499 = arith.index_cast %get3A_497 : i32 to index
      %get3A_500 = arith.constant 64 : index
      %get3A_501 = tpu.vector_load %arg5[%get3A_498, %get3A_499, %get3A_500] {strides = array<i32>} : memref<2x6x128xi32, #tpu.memory_space<vmem>>, vector<16xi32>,
      %shift_right_logical3A_502 = arith.constant 7 : i32
      %shift_right_logical3A_503 = vector.broadcast %shift_right_logical3A_502 : i32 to vector<16xi32>
      %shift_right_logical3A_504 = arith.shrui %get3A_501, %shift_right_logical3A_503 : vector<16xi32>
      %and3A_505 = arith.constant 127 : i32
      %and3A_506 = vector.broadcast %and3A_505 : i32 to vector<16xi32>
      %and3A_507 = arith.andi %get3A_501, %and3A_506 : vector<16xi32>
      tpu.vector_store_idx %arg6[%shift_right_logical3A_504, %and3A_507], %broadcast_in_dim3A_3 {add = true} : memref<784x128xf32, #tpu.memory_space<vmem>>[vector<16xi32>, vector<16xi32>], vector<16xf32>,
      %get3A_508 = arith.constant 5 : i32
      %get3A_509 = arith.index_cast %rem3A_10 : i32 to index
      %get3A_510 = arith.index_cast %get3A_508 : i32 to index
      %get3A_511 = arith.constant 80 : index
      %get3A_512 = tpu.vector_load %arg5[%get3A_509, %get3A_510, %get3A_511] {strides = array<i32>} : memref<2x6x128xi32, #tpu.memory_space<vmem>>, vector<16xi32>,
      %shift_right_logical3A_513 = arith.constant 7 : i32
      %shift_right_logical3A_514 = vector.broadcast %shift_right_logical3A_513 : i32 to vector<16xi32>
      %shift_right_logical3A_515 = arith.shrui %get3A_512, %shift_right_logical3A_514 : vector<16xi32>
      %and3A_516 = arith.constant 127 : i32
      %and3A_517 = vector.broadcast %and3A_516 : i32 to vector<16xi32>
      %and3A_518 = arith.andi %get3A_512, %and3A_517 : vector<16xi32>
      tpu.vector_store_idx %arg6[%shift_right_logical3A_515, %and3A_518], %broadcast_in_dim3A_3 {add = true} : memref<784x128xf32, #tpu.memory_space<vmem>>[vector<16xi32>, vector<16xi32>], vector<16xf32>,
      %get3A_519 = arith.constant 5 : i32
      %get3A_520 = arith.index_cast %rem3A_10 : i32 to index
      %get3A_521 = arith.index_cast %get3A_519 : i32 to index
      %get3A_522 = arith.constant 96 : index
      %get3A_523 = tpu.vector_load %arg5[%get3A_520, %get3A_521, %get3A_522] {strides = array<i32>} : memref<2x6x128xi32, #tpu.memory_space<vmem>>, vector<16xi32>,
      %shift_right_logical3A_524 = arith.constant 7 : i32
      %shift_right_logical3A_525 = vector.broadcast %shift_right_logical3A_524 : i32 to vector<16xi32>
      %shift_right_logical3A_526 = arith.shrui %get3A_523, %shift_right_logical3A_525 : vector<16xi32>
      %and3A_527 = arith.constant 127 : i32
      %and3A_528 = vector.broadcast %and3A_527 : i32 to vector<16xi32>
      %and3A_529 = arith.andi %get3A_523, %and3A_528 : vector<16xi32>
      tpu.vector_store_idx %arg6[%shift_right_logical3A_526, %and3A_529], %broadcast_in_dim3A_3 {add = true} : memref<784x128xf32, #tpu.memory_space<vmem>>[vector<16xi32>, vector<16xi32>], vector<16xf32>,
      %get3A_530 = arith.constant 5 : i32
      %get3A_531 = arith.index_cast %rem3A_10 : i32 to index
      %get3A_532 = arith.index_cast %get3A_530 : i32 to index
      %get3A_533 = arith.constant 112 : index
      %get3A_534 = tpu.vector_load %arg5[%get3A_531, %get3A_532, %get3A_533] {strides = array<i32>} : memref<2x6x128xi32, #tpu.memory_space<vmem>>, vector<16xi32>,
      %shift_right_logical3A_535 = arith.constant 7 : i32
      %shift_right_logical3A_536 = vector.broadcast %shift_right_logical3A_535 : i32 to vector<16xi32>
      %shift_right_logical3A_537 = arith.shrui %get3A_534, %shift_right_logical3A_536 : vector<16xi32>
      %and3A_538 = arith.constant 127 : i32
      %and3A_539 = vector.broadcast %and3A_538 : i32 to vector<16xi32>
      %and3A_540 = arith.andi %get3A_534, %and3A_539 : vector<16xi32>
      tpu.vector_store_idx %arg6[%shift_right_logical3A_537, %and3A_540], %broadcast_in_dim3A_3 {add = true} : memref<784x128xf32, #tpu.memory_space<vmem>>[vector<16xi32>, vector<16xi32>], vector<16xf32>,
      %add3A_541 = arith.constant 1 : i32
      %add3A_542 = arith.addi %scan3A_9, %add3A_541 : i32
      %lt3A_543 = arith.constant 131 : i32
      %lt3A_544 = arith.cmpi slt, %add3A_542, %lt3A_543 : i32
      %convert_element_type3A_545 = arith.extui %lt3A_544 : i1 to i32
      %cond3A_546 = arith.constant 0 : i32
      %cond3A_547 = arith.cmpi ne, %convert_element_type3A_545, %cond3A_546 : i32
      scf.if %cond3A_547 {
        %add3A_548 = arith.constant 1 : i32
        %add3A_549 = arith.addi %scan3A_9, %add3A_548 : i32
        %mul3A_550 = arith.constant 6 : i32
        %mul3A_551 = arith.muli %add3A_549, %mul3A_550 : i32
        %add3A_552 = arith.addi %mul3A_2, %mul3A_551 : i32
        %dma_wait3A = arith.constant 0 : i32
        %dma_wait3A_553 = arith.constant 0 : i32
        %dma_wait3A_554 = tpu.memref_slice %arg5[%sub3A_11, %dma_wait3A, %dma_wait3A_553] : memref<2x6x128xi32, #tpu.memory_space<vmem>> -> memref<1x6x128xi32, #tpu.memory_space<vmem>>
        %dma_wait3A_555 = tpu.memref_squeeze %dma_wait3A_554 : memref<1x6x128xi32, #tpu.memory_space<vmem>> -> memref<6x128xi32, #tpu.memory_space<vmem>>
        %dma_wait3A_556 = arith.constant 0 : i32
        %dma_wait3A_557 = tpu.memref_slice %arg2[%add3A_552, %dma_wait3A_556] : memref<25152x128xi32, #tpu.memory_space<hbm>> -> memref<6x128xi32, #tpu.memory_space<hbm>>
        %dma_wait3A_558 = arith.constant 0 : i32
        %dma_wait3A_559 = arith.constant 0 : i32
        %dma_wait3A_560 = tpu.memref_slice %arg5[%sub3A_11, %dma_wait3A_558, %dma_wait3A_559] : memref<2x6x128xi32, #tpu.memory_space<vmem>> -> memref<1x6x128xi32, #tpu.memory_space<vmem>>
        %dma_wait3A_561 = tpu.memref_squeeze %dma_wait3A_560 : memref<1x6x128xi32, #tpu.memory_space<vmem>> -> memref<6x128xi32, #tpu.memory_space<vmem>>
        %dma_wait3A_562 = arith.constant 0 : i32
        %dma_wait3A_563 = tpu.memref_slice %arg2[%add3A_552, %dma_wait3A_562] : memref<25152x128xi32, #tpu.memory_space<hbm>> -> memref<6x128xi32, #tpu.memory_space<hbm>>
        tpu.wait_dma2 semaphore(%arg7 : memref<!tpu.dma_semaphore, #tpu.memory_space<semaphore_mem>>) src(%dma_wait3A_563 : memref<6x128xi32, #tpu.memory_space<hbm>>) dst(%dma_wait3A_561 : memref<6x128xi32, #tpu.memory_space<vmem>>)
      } else {
      }
    }
    %scan3A_8 = arith.constant 131 : i32
    "tpu.region"() ({
      %run_scoped3A_9 = tpu.sem_alloc : memref<!tpu.dma_semaphore, #tpu.memory_space<semaphore_mem>>
      %dma_start3A = arith.constant 0 : i32
      %dma_start3A_10 = arith.constant 0 : i32
      %dma_start3A_11 = tpu.memref_slice %arg4[%arg0, %arg1, %dma_start3A, %dma_start3A_10] : memref<2x16x784x128xf32, #tpu.memory_space<hbm>> -> memref<1x1x784x128xf32, #tpu.memory_space<hbm>>
      %dma_start3A_12 = tpu.memref_squeeze %dma_start3A_11 : memref<1x1x784x128xf32, #tpu.memory_space<hbm>> -> memref<784x128xf32, #tpu.memory_space<hbm>>
      %dma_start3A_13 = arith.constant 0 : i32
      %dma_start3A_14 = arith.constant 0 : i32
      %dma_start3A_15 = tpu.memref_slice %arg4[%arg0, %arg1, %dma_start3A_13, %dma_start3A_14] : memref<2x16x784x128xf32, #tpu.memory_space<hbm>> -> memref<1x1x784x128xf32, #tpu.memory_space<hbm>>
      %dma_start3A_16 = tpu.memref_squeeze %dma_start3A_15 : memref<1x1x784x128xf32, #tpu.memory_space<hbm>> -> memref<784x128xf32, #tpu.memory_space<hbm>>
      tpu.enqueue_dma source(%arg6 : memref<784x128xf32, #tpu.memory_space<vmem>>) target(%dma_start3A_16 : memref<784x128xf32, #tpu.memory_space<hbm>>) target_semaphore(%run_scoped3A_9 : memref<!tpu.dma_semaphore, #tpu.memory_space<semaphore_mem>>)
      %dma_wait3A = arith.constant 0 : i32
      %dma_wait3A_17 = arith.constant 0 : i32
      %dma_wait3A_18 = tpu.memref_slice %arg4[%arg0, %arg1, %dma_wait3A, %dma_wait3A_17] : memref<2x16x784x128xf32, #tpu.memory_space<hbm>> -> memref<1x1x784x128xf32, #tpu.memory_space<hbm>>
      %dma_wait3A_19 = tpu.memref_squeeze %dma_wait3A_18 : memref<1x1x784x128xf32, #tpu.memory_space<hbm>> -> memref<784x128xf32, #tpu.memory_space<hbm>>
      %dma_wait3A_20 = arith.constant 0 : i32
      %dma_wait3A_21 = arith.constant 0 : i32
      %dma_wait3A_22 = tpu.memref_slice %arg4[%arg0, %arg1, %dma_wait3A_20, %dma_wait3A_21] : memref<2x16x784x128xf32, #tpu.memory_space<hbm>> -> memref<1x1x784x128xf32, #tpu.memory_space<hbm>>
      %dma_wait3A_23 = tpu.memref_squeeze %dma_wait3A_22 : memref<1x1x784x128xf32, #tpu.memory_space<hbm>> -> memref<784x128xf32, #tpu.memory_space<hbm>>
      tpu.wait_dma2 semaphore(%run_scoped3A_9 : memref<!tpu.dma_semaphore, #tpu.memory_space<semaphore_mem>>) src(%arg6 : memref<784x128xf32, #tpu.memory_space<vmem>>) dst(%dma_wait3A_23 : memref<784x128xf32, #tpu.memory_space<hbm>>)
      tpu.yield
    }) : () -> ()
    return
  }
}

module attributes {stable_mosaic.version = 14 : i64} {
  func.func @body(%arg0: i32, %arg1: memref<32x8x128xf32, #tpu.memory_space<vmem>>, %arg2: memref<1024x16xf32, #tpu.memory_space<vmem>>, %arg3: memref<1024x16xf32, #tpu.memory_space<vmem>>, %arg4: memref<1024x16xf32, #tpu.memory_space<vmem>>) attributes {dimension_semantics = [#tpu.dimension_semantics<arbitrary>], iteration_bounds = array<i64: 98>, scalar_prefetch = 0 : i64, scratch_operands = 0 : i64, tpu.core_type = #tpu.core_type<tc>, window_params = [{transform_indices = @transform_0, window_bounds = array<i64: 32, 8, 128>}, {transform_indices = @transform_1, window_bounds = array<i64: 1024, 16>}, {transform_indices = @transform_2, window_bounds = array<i64: 1024, 16>}, {transform_indices = @transform_3, window_bounds = array<i64: 1024, 16>}]} {
    %get3A = arith.constant 0 : index
    %get3A_0 = arith.constant 0 : index
    %get3A_1 = arith.constant 0 : index
    %get3A_2 = vector.load %arg1[%get3A, %get3A_0, %get3A_1] : memref<32x8x128xf32, #tpu.memory_space<vmem>>, vector<32x8x128xf32>
    %reduce_sum3A = arith.constant dense<0.000000e+00> : vector<8x128xf32>
    %reduce_sum3A_3 = vector.multi_reduction <add>, %get3A_2, %reduce_sum3A [0] : vector<32x8x128xf32> to vector<8x128xf32>
    %reshape3A = vector.shape_cast %reduce_sum3A_3 : vector<8x128xf32> to vector<1024xf32>
    %add3A = arith.constant 1.000000e+00 : f32
    %add3A_4 = vector.broadcast %add3A : f32 to vector<1024xf32>
    %add3A_5 = arith.addf %reshape3A, %add3A_4 : vector<1024xf32>
    %rsqrt3A = math.rsqrt %add3A_5 : vector<1024xf32>
    %broadcast_in_dim3A = vector.shape_cast %rsqrt3A : vector<1024xf32> to vector<1024x1xf32>
    %broadcast_in_dim3A_6 = vector.shape_cast %broadcast_in_dim3A : vector<1024x1xf32> to vector<1024x1xf32>
    %broadcast_in_dim3A_7 = vector.broadcast %broadcast_in_dim3A_6 : vector<1024x1xf32> to vector<1024x16xf32>
    %swap3A = arith.constant 0 : index
    %swap3A_8 = arith.constant 0 : index
    %swap3A_9 = vector.load %arg4[%swap3A, %swap3A_8] : memref<1024x16xf32, #tpu.memory_space<vmem>>, vector<1024x16xf32>
    tpu.vector_store %arg4[%swap3A, %swap3A_8], %broadcast_in_dim3A_7 {strides = array<i32>} : memref<1024x16xf32, #tpu.memory_space<vmem>>, vector<1024x16xf32>,
    %get3A_10 = arith.constant 0 : index
    %get3A_11 = arith.constant 0 : index
    %get3A_12 = vector.load %arg2[%get3A_10, %get3A_11] : memref<1024x16xf32, #tpu.memory_space<vmem>>, vector<1024x16xf32>
    %mul3A = vector.broadcast %broadcast_in_dim3A : vector<1024x1xf32> to vector<1024x16xf32>
    %mul3A_13 = arith.mulf %get3A_12, %mul3A : vector<1024x16xf32>
    %swap3A_14 = arith.constant 0 : index
    %swap3A_15 = arith.constant 0 : index
    %swap3A_16 = vector.load %arg3[%swap3A_14, %swap3A_15] : memref<1024x16xf32, #tpu.memory_space<vmem>>, vector<1024x16xf32>
    tpu.vector_store %arg3[%swap3A_14, %swap3A_15], %mul3A_13 {strides = array<i32>} : memref<1024x16xf32, #tpu.memory_space<vmem>>, vector<1024x16xf32>,
    return
  }
  func.func @transform_0(%arg0: i32) -> (i32, i32, i32) {
    %c0_i32 = arith.constant 0 : i32
    %c0_i32_0 = arith.constant 0 : i32
    %c0_i32_1 = arith.constant 0 : i32
    return %c0_i32, %arg0, %c0_i32_0 : i32, i32, i32
  }
  func.func @transform_1(%arg0: i32) -> (i32, i32) {
    %c0_i32 = arith.constant 0 : i32
    %c0_i32_0 = arith.constant 0 : i32
    return %arg0, %c0_i32 : i32, i32
  }
  func.func @transform_2(%arg0: i32) -> (i32, i32) {
    %c0_i32 = arith.constant 0 : i32
    %c0_i32_0 = arith.constant 0 : i32
    return %arg0, %c0_i32 : i32, i32
  }
  func.func @transform_3(%arg0: i32) -> (i32, i32) {
    %c0_i32 = arith.constant 0 : i32
    %c0_i32_0 = arith.constant 0 : i32
    return %arg0, %c0_i32 : i32, i32
  }
}

module attributes {stable_mosaic.version = 14 : i64} {
  func.func @body(%arg0: i32, %arg1: memref<2x1024x16xf32, #tpu.memory_space<vmem>>, %arg2: memref<1024x16xf32, #tpu.memory_space<vmem>>, %arg3: memref<1024x16xf32, #tpu.memory_space<vmem>>, %arg4: memref<16x32xf32, #tpu.memory_space<vmem>>, %arg5: memref<1x32xf32, #tpu.memory_space<vmem>>, %arg6: memref<32x16xf32, #tpu.memory_space<vmem>>, %arg7: memref<1024x16xf32, #tpu.memory_space<vmem>>) attributes {dimension_semantics = [#tpu.dimension_semantics<arbitrary>], iteration_bounds = array<i64: 98>, scalar_prefetch = 0 : i64, scratch_operands = 0 : i64, tpu.core_type = #tpu.core_type<tc>, window_params = [{transform_indices = @transform_0, window_bounds = array<i64: 2, 1024, 16>}, {transform_indices = @transform_1, window_bounds = array<i64: 1024, 16>}, {transform_indices = @transform_2, window_bounds = array<i64: 1024, 16>}, {pipeline_mode = #tpu.pipeline_mode<synchronous>, transform_indices = @transform_3, window_bounds = array<i64: 16, 32>}, {pipeline_mode = #tpu.pipeline_mode<synchronous>, transform_indices = @transform_4, window_bounds = array<i64: 1, 32>}, {pipeline_mode = #tpu.pipeline_mode<synchronous>, transform_indices = @transform_5, window_bounds = array<i64: 32, 16>}, {transform_indices = @transform_6, window_bounds = array<i64: 1024, 16>}]} {
    %get3A = arith.constant 0 : index
    %get3A_0 = arith.constant 0 : index
    %get3A_1 = vector.load %arg2[%get3A, %get3A_0] : memref<1024x16xf32, #tpu.memory_space<vmem>>, vector<1024x16xf32>
    %get3A_2 = arith.constant 0 : index
    %get3A_3 = arith.constant 0 : index
    %get3A_4 = arith.constant 0 : index
    %get3A_5 = vector.load %arg1[%get3A_2, %get3A_3, %get3A_4] : memref<2x1024x16xf32, #tpu.memory_space<vmem>>, vector<1x1024x16xf32>
    %get3A_6 = vector.shape_cast %get3A_5 : vector<1x1024x16xf32> to vector<1024x16xf32>
    %add3A = arith.addf %get3A_1, %get3A_6 : vector<1024x16xf32>
    %get3A_7 = arith.constant 1 : index
    %get3A_8 = arith.constant 0 : index
    %get3A_9 = arith.constant 0 : index
    %get3A_10 = vector.load %arg1[%get3A_7, %get3A_8, %get3A_9] : memref<2x1024x16xf32, #tpu.memory_space<vmem>>, vector<1x1024x16xf32>
    %get3A_11 = vector.shape_cast %get3A_10 : vector<1x1024x16xf32> to vector<1024x16xf32>
    %add3A_12 = arith.addf %add3A, %get3A_11 : vector<1024x16xf32>
    %get3A_13 = arith.constant 0 : index
    %get3A_14 = arith.constant 0 : index
    %get3A_15 = vector.load %arg3[%get3A_13, %get3A_14] : memref<1024x16xf32, #tpu.memory_space<vmem>>, vector<1024x16xf32>
    %mul3A = arith.mulf %get3A_15, %add3A_12 : vector<1024x16xf32>
    %get3A_16 = arith.constant 0 : index
    %get3A_17 = arith.constant 0 : index
    %get3A_18 = vector.load %arg4[%get3A_16, %get3A_17] : memref<16x32xf32, #tpu.memory_space<vmem>>, vector<16x32xf32>
    %dot_general3A = arith.constant dense<0.000000e+00> : vector<1024x32xf32>
    %dot_general3A_19 = tpu.matmul %mul3A, %get3A_18, %dot_general3A {dimension_numbers = #tpu.dot_dimension_numbers<[1], [0], [0], [1], [0, 0, 1, 1], [], []>, transpose_lhs_hint = false} : vector<1024x16xf32>, vector<16x32xf32>, vector<1024x32xf32> -> vector<1024x32xf32>
    %get3A_20 = arith.constant 0 : index
    %get3A_21 = arith.constant 0 : index
    %get3A_22 = vector.load %arg5[%get3A_20, %get3A_21] : memref<1x32xf32, #tpu.memory_space<vmem>>, vector<1x32xf32>
    %add3A_23 = vector.broadcast %get3A_22 : vector<1x32xf32> to vector<1024x32xf32>
    %add3A_24 = arith.addf %dot_general3A_19, %add3A_23 : vector<1024x32xf32>
    %max3A = arith.constant 0.000000e+00 : f32
    %max3A_25 = vector.broadcast %max3A : f32 to vector<1024x32xf32>
    %max3A_26 = arith.maximumf %add3A_24, %max3A_25 : vector<1024x32xf32>
    %get3A_27 = arith.constant 0 : index
    %get3A_28 = arith.constant 0 : index
    %get3A_29 = vector.load %arg6[%get3A_27, %get3A_28] : memref<32x16xf32, #tpu.memory_space<vmem>>, vector<32x16xf32>
    %dot_general3A_30 = arith.constant dense<0.000000e+00> : vector<1024x16xf32>
    %dot_general3A_31 = tpu.matmul %max3A_26, %get3A_29, %dot_general3A_30 {dimension_numbers = #tpu.dot_dimension_numbers<[1], [0], [0], [1], [0, 0, 1, 1], [], []>, transpose_lhs_hint = false} : vector<1024x32xf32>, vector<32x16xf32>, vector<1024x16xf32> -> vector<1024x16xf32>
    %get3A_32 = arith.constant 0 : index
    %get3A_33 = arith.constant 0 : index
    %get3A_34 = vector.load %arg3[%get3A_32, %get3A_33] : memref<1024x16xf32, #tpu.memory_space<vmem>>, vector<1024x16xf32>
    %mul3A_35 = arith.mulf %dot_general3A_31, %get3A_34 : vector<1024x16xf32>
    %swap3A = arith.constant 0 : index
    %swap3A_36 = arith.constant 0 : index
    %swap3A_37 = vector.load %arg7[%swap3A, %swap3A_36] : memref<1024x16xf32, #tpu.memory_space<vmem>>, vector<1024x16xf32>
    tpu.vector_store %arg7[%swap3A, %swap3A_36], %mul3A_35 {strides = array<i32>} : memref<1024x16xf32, #tpu.memory_space<vmem>>, vector<1024x16xf32>,
    return
  }
  func.func @transform_0(%arg0: i32) -> (i32, i32, i32) {
    %c0_i32 = arith.constant 0 : i32
    %c0_i32_0 = arith.constant 0 : i32
    %c0_i32_1 = arith.constant 0 : i32
    return %c0_i32, %arg0, %c0_i32_0 : i32, i32, i32
  }
  func.func @transform_1(%arg0: i32) -> (i32, i32) {
    %c0_i32 = arith.constant 0 : i32
    %c0_i32_0 = arith.constant 0 : i32
    return %arg0, %c0_i32 : i32, i32
  }
  func.func @transform_2(%arg0: i32) -> (i32, i32) {
    %c0_i32 = arith.constant 0 : i32
    %c0_i32_0 = arith.constant 0 : i32
    return %arg0, %c0_i32 : i32, i32
  }
  func.func @transform_3(%arg0: i32) -> (i32, i32) {
    %c0_i32 = arith.constant 0 : i32
    %c0_i32_0 = arith.constant 0 : i32
    %c0_i32_1 = arith.constant 0 : i32
    return %c0_i32, %c0_i32_0 : i32, i32
  }
  func.func @transform_4(%arg0: i32) -> (i32, i32) {
    %c0_i32 = arith.constant 0 : i32
    %c0_i32_0 = arith.constant 0 : i32
    %c0_i32_1 = arith.constant 0 : i32
    return %c0_i32, %c0_i32_0 : i32, i32
  }
  func.func @transform_5(%arg0: i32) -> (i32, i32) {
    %c0_i32 = arith.constant 0 : i32
    %c0_i32_0 = arith.constant 0 : i32
    %c0_i32_1 = arith.constant 0 : i32
    return %c0_i32, %c0_i32_0 : i32, i32
  }
  func.func @transform_6(%arg0: i32) -> (i32, i32) {
    %c0_i32 = arith.constant 0 : i32
    %c0_i32_0 = arith.constant 0 : i32
    return %arg0, %c0_i32 : i32, i32
  }
}

module attributes {stable_mosaic.version = 14 : i64} {
  func.func @body(%arg0: i32, %arg1: memref<2x1024x16xf32, #tpu.memory_space<vmem>>, %arg2: memref<1024x16xf32, #tpu.memory_space<vmem>>, %arg3: memref<1024x16xf32, #tpu.memory_space<vmem>>, %arg4: memref<1x16xf32, #tpu.memory_space<vmem>>, %arg5: memref<1024x16xf32, #tpu.memory_space<vmem>>) attributes {dimension_semantics = [#tpu.dimension_semantics<arbitrary>], iteration_bounds = array<i64: 98>, scalar_prefetch = 0 : i64, scratch_operands = 0 : i64, tpu.core_type = #tpu.core_type<tc>, window_params = [{transform_indices = @transform_0, window_bounds = array<i64: 2, 1024, 16>}, {transform_indices = @transform_1, window_bounds = array<i64: 1024, 16>}, {transform_indices = @transform_2, window_bounds = array<i64: 1024, 16>}, {pipeline_mode = #tpu.pipeline_mode<synchronous>, transform_indices = @transform_3, window_bounds = array<i64: 1, 16>}, {transform_indices = @transform_4, window_bounds = array<i64: 1024, 16>}]} {
    %get3A = arith.constant 0 : index
    %get3A_0 = arith.constant 0 : index
    %get3A_1 = vector.load %arg2[%get3A, %get3A_0] : memref<1024x16xf32, #tpu.memory_space<vmem>>, vector<1024x16xf32>
    %get3A_2 = arith.constant 0 : index
    %get3A_3 = arith.constant 0 : index
    %get3A_4 = arith.constant 0 : index
    %get3A_5 = vector.load %arg1[%get3A_2, %get3A_3, %get3A_4] : memref<2x1024x16xf32, #tpu.memory_space<vmem>>, vector<1x1024x16xf32>
    %get3A_6 = vector.shape_cast %get3A_5 : vector<1x1024x16xf32> to vector<1024x16xf32>
    %add3A = arith.addf %get3A_1, %get3A_6 : vector<1024x16xf32>
    %get3A_7 = arith.constant 1 : index
    %get3A_8 = arith.constant 0 : index
    %get3A_9 = arith.constant 0 : index
    %get3A_10 = vector.load %arg1[%get3A_7, %get3A_8, %get3A_9] : memref<2x1024x16xf32, #tpu.memory_space<vmem>>, vector<1x1024x16xf32>
    %get3A_11 = vector.shape_cast %get3A_10 : vector<1x1024x16xf32> to vector<1024x16xf32>
    %add3A_12 = arith.addf %add3A, %get3A_11 : vector<1024x16xf32>
    %get3A_13 = arith.constant 0 : index
    %get3A_14 = arith.constant 0 : index
    %get3A_15 = vector.load %arg3[%get3A_13, %get3A_14] : memref<1024x16xf32, #tpu.memory_space<vmem>>, vector<1024x16xf32>
    %mul3A = arith.mulf %get3A_15, %add3A_12 : vector<1024x16xf32>
    %get3A_16 = arith.constant 0 : index
    %get3A_17 = arith.constant 0 : index
    %get3A_18 = vector.load %arg4[%get3A_16, %get3A_17] : memref<1x16xf32, #tpu.memory_space<vmem>>, vector<1x16xf32>
    %add3A_19 = vector.broadcast %get3A_18 : vector<1x16xf32> to vector<1024x16xf32>
    %add3A_20 = arith.addf %mul3A, %add3A_19 : vector<1024x16xf32>
    %swap3A = arith.constant 0 : index
    %swap3A_21 = arith.constant 0 : index
    %swap3A_22 = vector.load %arg5[%swap3A, %swap3A_21] : memref<1024x16xf32, #tpu.memory_space<vmem>>, vector<1024x16xf32>
    tpu.vector_store %arg5[%swap3A, %swap3A_21], %add3A_20 {strides = array<i32>} : memref<1024x16xf32, #tpu.memory_space<vmem>>, vector<1024x16xf32>,
    return
  }
  func.func @transform_0(%arg0: i32) -> (i32, i32, i32) {
    %c0_i32 = arith.constant 0 : i32
    %c0_i32_0 = arith.constant 0 : i32
    %c0_i32_1 = arith.constant 0 : i32
    return %c0_i32, %arg0, %c0_i32_0 : i32, i32, i32
  }
  func.func @transform_1(%arg0: i32) -> (i32, i32) {
    %c0_i32 = arith.constant 0 : i32
    %c0_i32_0 = arith.constant 0 : i32
    return %arg0, %c0_i32 : i32, i32
  }
  func.func @transform_2(%arg0: i32) -> (i32, i32) {
    %c0_i32 = arith.constant 0 : i32
    %c0_i32_0 = arith.constant 0 : i32
    return %arg0, %c0_i32 : i32, i32
  }
  func.func @transform_3(%arg0: i32) -> (i32, i32) {
    %c0_i32 = arith.constant 0 : i32
    %c0_i32_0 = arith.constant 0 : i32
    %c0_i32_1 = arith.constant 0 : i32
    return %c0_i32, %c0_i32_0 : i32, i32
  }
  func.func @transform_4(%arg0: i32) -> (i32, i32) {
    %c0_i32 = arith.constant 0 : i32
    %c0_i32_0 = arith.constant 0 : i32
    return %arg0, %c0_i32 : i32, i32
  }
}

</mosaic_0001>

<sc_bundles>
// kernel: kernel.11.cloned.1.call-start
scs
__scs_entry_jumppad:
0x0: {  	(pc) =	sbr.rel $0x88, $3  }
0x1: {  	(tag) =	ssettag $0x0;
	lr =	simm.s32 $0x1  }
0x2: {  	[smem:$0x3F9B] =	sst lr;
	_ =	strace $0xD0000000  }
0x3: {  	_ = 	snop  }
0x4: {  	_ = 	snop  }
0x5: {  	_ = 	snop  }
0x6: {  	_ = 	snop  }
0x7: {  	_ = 	snop  }
__scs_overlays_trampoline_lowered:
0x8: {  	[smem:$0x3FAA] =	sst s0  }
0x9: {  	[smem:$0x3FAB] =	sst s1  }
0xa: {  	[smem:$0x3FAC] =	sst s2  }
0xb: {  	[smem:$0x3FAD] =	sst s3  }
0xc: {  	[smem:$0x3FAE] =	sst s4  }
0xd: {  	[smem:$0x3FAF] =	sst s5  }
0xe: {  	[smem:$0x3FB0] =	sst s6  }
0xf: {  	[smem:$0x3FB1] =	sst s7  }
0x10: {  	[smem:$0x3FB2] =	sst s8  }
0x11: {  	[smem:$0x3FB3] =	sst s9;
	s0 =	simm.s32 @!p0 $0x0  }
0x12: {  	s1 =	sld [smem:$0x3F99];
	s0 =	simm.s32 @p0 $0x1  }
0x13: {  	[smem:$0x3FB4] =	sst s0;
	s0 =	simm.s32 @!p1 $0x0  }
0x14: {  	s2 =	sld [smem:$0x3F98];
	s0 =	simm.s32 @p1 $0x1  }
0x15: {  	[smem:$0x3FB5] =	sst s0;
	s0 =	simm.s32 @!p2 $0x0  }
0x16: {  	s3 =	sld [smem:$0x3FDB];
	s0 =	simm.s32 @p2 $0x1  }
0x17: {  	s4 =	simm.s32 $0x1BF5;
	[smem:$0x3FB7] =	sst s0  }
0x18: {  	s0 =	sld [smem:$0x3F9A];
	_ =	swait.ge [sflag:s4], $0x0  }
0x19: {  	s7 =	sld [smem:$0x3F9B]  }
0x1a: {  	s8 =	sadd.s32 $0xFFFFE003, lr  }
0x1b: {  	s9 =	sadd.s32 $0xFFFFFEF7, lr;
	s5 =	simm.s32 $0xFFFFFFFF;
	p2 =	slt.u32 s8, $0xFFFFF086  }
0x1c: {  	p1 =	slt.u32 s9, $0xF7A;
	s5 =	simm.s32 @!p2 $0x0  }
0x1d: {  	s5 =	simm.s32 @p1 $0x1;
	p0 =	seq.s32 s7, s2  }
0x1e: {  	s7 =	smul.u32 @!p0 $0xF7A, s2;
	p2 =	seq.s32 @!p0 s5, $0x0  }
0x1f: {  	s9 =	smul.u32 $0xF7A, s1;
	s8 =	simm.s32 @!p0 $0x1BF5;
	p2 =	por !p2, p0  }
0x20: {  	[sflag:s8] =	ssyncset.s32 @!p0 $0xFFFFF086;
	s6 =	sadd.s32 @!p0 s3, s7;
	s7 =	simm.s32 @!p0 $0x108  }
0x21: {  	s3 =	sadd.s32 s3, s9;
	s6 =	sadd.s32 @!p0 $0x88, s6;
	s7 =	simm.s32 @p2 $0x1082  }
0x22: {  	[simem:s7], [sflag:s8] =	dma.local @!p0 [hbm:s6], $0xF7A  }
0x23: {  	s9 =	sor.u32 $0xD0000000, s2;
	s6 =	simm.s32 $0x108;
	_ =	swait.ge @!p0 [sflag:s8], $0x0  }
0x24: {  	s3 =	sadd.s32 $0x88, s3;
	s6 =	simm.s32 @!p1 $0x1082;
	[sflag:s4] =	ssyncset.s32 $0xFFFFF086  }
0x25: {  	[simem:s6], [sflag:s4] =	dma.local [hbm:s3], $0xF7A  }
0x26: {  	[smem:$0x3F9B] =	sst s1;
	(tag) =	ssettag s2;
	_ =	strace s9  }
0x27: {  	s1 =	sld [smem:$0x3FAB]  }
0x28: {  	s2 =	sld [smem:$0x3FAC]  }
0x29: {  	s4 =	sld [smem:$0x3FAE]  }
0x2a: {  	p0 =	seq.s32 s5, $0x0;
	s5 =	sld [smem:$0x3FAF]  }
0x2b: {  	s6 =	sld [smem:$0x3FB0]  }
0x2c: {  	s7 =	sld [smem:$0x3FB1]  }
0x2d: {  	s3 =	simm.s32 $0x108;
	s8 =	sld [smem:$0x3FB2]  }
0x2e: {  	s3 =	simm.s32 @!p0 $0x1082;
	s9 =	sld [smem:$0x3FB3]  }
0x2f: {  	lr =	sadd.s32 s0, s3;
	s0 =	sld [smem:$0x3FAA]  }
0x30: {  	s3 =	sld [smem:$0x3FAD]  }
0x31: {  	[smem:$0x3FB6] =	sst s10  }
0x32: {  	s10 =	sld [smem:$0x3FB4];
	_ =	sdelay $0x3  }
0x33: {  	p0 =	seq.s32 s10, $0x1;
	s10 =	sld [smem:$0x3FB6];
	_ =	sdelay $0x3  }
0x34: {  	[smem:$0x3FB6] =	sst s10  }
0x35: {  	s10 =	sld [smem:$0x3FB5];
	_ =	sdelay $0x3  }
0x36: {  	p1 =	seq.s32 s10, $0x1;
	s10 =	sld [smem:$0x3FB6];
	_ =	sdelay $0x3  }
0x37: {  	[smem:$0x3FB6] =	sst s10  }
0x38: {  	s10 =	sld [smem:$0x3FB7]  }
0x39: {  	_ = 	snop;
	(pc) =	sbr.ind lr, $3  }
0x3a: {  	_ = 	snop  }
0x3b: {  	_ = 	snop  }
0x3c: {  	p2 =	seq.s32 s10, $0x1;
	s10 =	sld [smem:$0x3FB6]  }
0x3d: {  	_ =	shalt  }
0x3e: {  	_ =	shalt  }
0x3f: {  	_ =	shalt  }
0x40: {  	_ =	shalt  }
0x41: {  	_ =	shalt  }
0x42: {  	_ =	shalt  }
0x43: {  	_ =	shalt  }
0x44: {  	_ =	shalt  }
0x45: {  	_ =	shalt  }
0x46: {  	_ =	shalt  }
0x47: {  	_ =	shalt  }
0x48: {  	_ =	shalt  }
0x49: {  	_ =	shalt  }
0x4a: {  	_ =	shalt  }
0x4b: {  	_ =	shalt  }
0x4c: {  	_ =	shalt  }
0x4d: {  	_ =	shalt  }
0x4e: {  	_ =	shalt  }
0x4f: {  	_ =	shalt  }
0x50: {  	_ =	shalt  }
0x51: {  	_ =	shalt  }
0x52: {  	_ =	shalt  }
0x53: {  	_ =	shalt  }
0x54: {  	_ =	shalt  }
0x55: {  	_ =	shalt  }
0x56: {  	_ =	shalt  }
0x57: {  	_ =	shalt  }
0x58: {  	_ =	shalt  }
0x59: {  	_ =	shalt  }
0x5a: {  	_ =	shalt  }
0x5b: {  	_ =	shalt  }
0x5c: {  	_ =	shalt  }
0x5d: {  	_ =	shalt  }
0x5e: {  	_ =	shalt  }
0x5f: {  	_ =	shalt  }
0x60: {  	_ =	shalt  }
0x61: {  	_ =	shalt  }
0x62: {  	_ =	shalt  }
0x63: {  	_ =	shalt  }
0x64: {  	_ =	shalt  }
0x65: {  	_ =	shalt  }
0x66: {  	_ =	shalt  }
0x67: {  	_ =	shalt  }
0x68: {  	_ =	shalt  }
0x69: {  	_ =	shalt  }
0x6a: {  	_ =	shalt  }
0x6b: {  	_ =	shalt  }
0x6c: {  	_ =	shalt  }
0x6d: {  	_ =	shalt  }
0x6e: {  	_ =	shalt  }
0x6f: {  	_ =	shalt  }
0x70: {  	_ =	shalt  }
0x71: {  	_ =	shalt  }
0x72: {  	_ =	shalt  }
0x73: {  	_ =	shalt  }
0x74: {  	_ =	shalt  }
0x75: {  	_ =	shalt  }
0x76: {  	_ =	shalt  }
0x77: {  	_ =	shalt  }
0x78: {  	_ =	shalt  }
0x79: {  	_ =	shalt  }
0x7a: {  	_ =	shalt  }
0x7b: {  	_ =	shalt  }
0x7c: {  	_ =	shalt  }
0x7d: {  	_ =	shalt  }
0x7e: {  	_ =	shalt  }
0x7f: {  	_ =	shalt  }
0x80: {  	_ =	shalt  }
0x81: {  	_ =	shalt  }
0x82: {  	_ =	shalt  }
0x83: {  	_ =	shalt  }
0x84: {  	_ =	shalt  }
0x85: {  	_ =	shalt  }
0x86: {  	_ =	shalt  }
0x87: {  	_ =	shalt  }
.Lfunc_end0:
.L_simem_size_0:
called_computation.1_lowered:
.L_overlay_start_0:
0x88: {  	s2 =	sld [smem:$0x3FD9]  }
0x89: {  	s3 =	sld [smem:$0x3FFE];
	_ =	sdelay $0x1  }
0x8a: {  	s1 =	srdreg.scid  }
0x8b: {  	s0 =	sand.u32 $0x1, s1  }
0x8c: {  	s16 =	sshll.u32 s0, $0xA;
	s2 =	sadd.s32 s3, s2  }
0x8d: {  	s2 =	sadd.s32 s2, s16  }
0x8e: {  	[smem:$0x3FC2] =	sst s2  }
0x8f: {  	_ = 	snop  }
0x90: {  	(tm) =	ssettm $0x1  }
0x91: {  	s17 =	sld [smem:$0x3FFB];
	_ =	sdelay $0x3  }
0x92: {  	_ =	strace s17  }
0x93: {  	s2 =	sld [smem:$0x3FFC];
	_ =	sdelay $0x3  }
0x94: {  	_ =	strace s2  }
0x95: {  	s2 =	sld [smem:$0x3FFD];
	_ =	sdelay $0x3  }
0x96: {  	_ =	strace s2  }
0x97: {  	_ =	strace $0x8FFFFFFF  }
0x98: {  	s18 =	sld [smem:$0x3FDB];
	_ =	sdelay $0x1  }
0x99: {  	s19 =	simm.s32 $_scs_section_size  }
0x9a: {  	s4 =	simm.s32 $_size__tile_overlayer_lowered;
	s5 =	simm.s32 $_tile_overlayer_lowered  }
0x9b: {  	s22 =	simm.s32 $0x1BFF;
	s21 =	sshll.u32 s5, $0x1;
	s2 =	sadd.s32 s19, s18  }
0x9c: {  	s6 =	simm.s32 $0x0;
	s20 =	sshll.u32 s4, $0x1;
	s4 =	sadd.s32 s21, s2  }
0x9d: {  	[timem:s6], [sflag:s22] =	dma.local [hbm:s4], s20  }
0x9e: {  	_ =	swait.ge [sflag:s22], s20  }
0x9f: {  	s3 =	ssub.s32 $0x0, s20;
	[sflag:s22] =	ssyncset.done $0x0  }
0xa0: {  	[sflag:s22] =	ssyncadd.s32 s3;
	_ =	sdelay $0x1  }
0xa1: {  	s23 =	simm.s32 $0x1B8B  }
0xa2: {  	_ =	swait.ge [sflag:s23], $0x1  }
0xa3: {  	[sflag:s23] =	ssyncset.done $0x0  }
0xa4: {  	s25 =	simm.s32 $0x1B8E;
	s24 =	sld [smem:$0x3FFE];
	[sflag:s23] =	ssyncadd.s32 $0xFFFFFFFF  }
0xa5: {  	s26 =	simm.s32 $execute0_lowered;
	[smem:$0x3FD2] =	sst s25  }
0xa6: {  	s4 =	sshll.u32 s26, $0x1;
	_ =	strace $0x80000049;
	[dreg:$0x1] =	wrdreg $0xFFFFFFFF  }
0xa7: {  	s28 =	simm.s32 $_size_execute0_lowered;
	s2 =	sadd.s32 s2, s4;
	[dreg:$0x0] =	wrdreg $0x0  }
0xa8: {  	s4 =	sshll.u32 s28, $0x1;
	[dreg:$0x2] =	wrdreg s2  }
0xa9: {  	[dreg:$0x3] =	wrdreg s4  }
0xaa: {  	[dreg:$0x4] =	wrdreg $0xC0  }
0xab: {  	_ =	task [dreg:s6], $0x5FFFF  }
0xac: {  	[dreg:$0x1] =	wrdreg $0xFFFFFFFF  }
0xad: {  	[dreg:$0x0] =	wrdreg $0x60  }
0xae: {  	[dreg:$0x2] =	wrdreg s24  }
0xaf: {  	[dreg:$0x3] =	wrdreg $0x6C000  }
0xb0: {  	[dreg:$0x4] =	wrdreg $0x9  }
0xb1: {  	_ =	task.clear_ibuf [dreg:s6], $0x5FFFF;
	_ =	strace $0x90000049  }
0xb2: {  	s29 =	simm.s32 $0x9;
	_ =	strace $0x8000004B  }
0xb3: {  	_ =	swait.ge [sflag:s29], $0x1  }
0xb4: {  	[sflag:s29] =	ssyncadd.s32 $0xFFFFFFFF  }
0xb5: {  	_ =	strace $0x9000004B  }
0xb6: {  	_ =	sfence  }
0xb7: {  	s30 =	sld [smem:$0x0];
	_ =	sdelay $0x2  }
0xb8: {  	s31 =	sshll.u32 s1, $0xD;
	s1 =	sshrl.u32 s1, $0x2  }
0xb9: {  	s3 =	sand.u32 $0x4000, s31;
	s1 =	sadd.s32 s1, s30  }
0xba: {  	s0 =	sor.u32 s3, s0;
	s1 =	sshll.u32 s1, $0x11  }
0xbb: {  	s0 =	sor.u32 s1, s0  }
0xbc: {  	s0 =	sadd.s32 $0x8F2B, s0  }
0xbd: {  	[sflag:s0] =	ssyncadd.remote.s32 $0x1  }
0xbe: {  	_ =	sfence.sel $0xFFFF  }
0xbf: {  	[dreg:$0x0] =	wrdreg $0xFFFFFFFF;
	(pc) =	sbr.abs _section_cstart, $3  }
0xc0: {  	[dreg:$0x1] =	wrdreg $0xFFFFFFFF  }
0xc1: {  	_ =	task.clear_ibuf [dreg:s6], $0x2FFFF;
	_ =	strace $0x9FFFFFFF  }
0xc2: {  	(tm) =	ssettm $0x7FFFFFFF  }
0xc3: {  	_ =	shalt  }
tec
execute0_lowered:
.L_overlay_start_1:
0x0: {  	(tag) =	ssettag $0x1  }
0x1: {  	s6 =	rddreg [dreg:$0x0]  }
0x2: {  	s2 =	rddreg [dreg:$0x1]  }
0x3: {  	s0 =	rddreg [dreg:$0x2]  }
0x4: {  	s3 =	simm.s32 $0x0;
	s1 =	stileid.u32;
	s4 =	srdreg.scid  }
0x5: {  	s15 =	simm.s32 $0x1;
	s16 =	simm.s32 $0x2;
	s17 =	simm.s32 $0x0  }
0x6: {  	[smem:$0x7FF] =	sst s3;
	s7 =	smul.u32 $0x18800, s1;
	s8 =	sand.u32 $0x1, s4  }
0x7: {  	s4 =	sadd.s32 $0xC7600, s6;
	s5 =	sadd.s32 $0x3200, s6;
	s13 =	sshll.u32 s1, $0x1  }
0x8: {  	s9 =	smul.u32 $0x188000, s8;
	s11 =	ssub.s32 $0x2, s8;
	s8 =	sor.u32 s8, s13  }
0x9: {  	s30 =	sshll.u32 s1, $0x6;
	_ =	strace $0x8000004A;
	s31 =	smul.u32 $0x6240, s8  }
0xa: {  	s13 =	simm.s32 $0x4;
	s10 =	sshrl.u32 s7, $0x3;
	s8 =	smul.u32 $0x312, s8  }
.Ltmp0:
0xb: {  	s12 =	sshrl.u32 s11, $0x1;
	s29 =	sadd.s32 s7, s2;
	(pc) =	sbr.rel .LBB2_1-.Ltmp0, $4  }
0xc: {  	s10 =	sadd.s32 s10, s6;
	s9 =	sadd.s32 s7, s9;
	s11 =	ssub.s32 s11, s12  }
0xd: {  	s7 =	sor.u32 $0x1C04, s30;
	s12 =	sshrl.u32 s29, $0x3;
	s9 =	sshrl.u32 s9, $0x3  }
0xe: {  	s11 =	smax.u32 s11, $0x1;
	s14 =	sadd.s32 s9, s6;
	s6 =	sadd.s32 $0x34200, s10  }
0xf: {  	s9 =	sadd.s32 s4, s31;
	s10 =	sadd.s32 $0x65200, s14;
	s14 =	simm.s32 $0x80  }
.LBB2_6:
0x10: {  	_ =	swait.ge [sflag:s16], $0x800  }
0x11: {  	[sflag:s16] =	ssyncset.done $0x0  }
0x12: {  	[sflag:s16] =	ssyncadd.s32 $0xFFFFF800  }
0x13: {  	_ =	swait.ge [sflag:s16], $0x800  }
0x14: {  	[sflag:s16] =	ssyncset.done $0x0  }
0x15: {  	[sflag:s16] =	ssyncadd.s32 $0xFFFFF800  }
0x16: {  	_ =	swait.ge [sflag:s16], $0x800  }
0x17: {  	[sflag:s16] =	ssyncset.done $0x0  }
0x18: {  	[sflag:s16] =	ssyncadd.s32 $0xFFFFF800  }
0x19: {  	_ =	swait.ge [sflag:s16], $0x800  }
0x1a: {  	[sflag:s16] =	ssyncset.done $0x0  }
0x1b: {  	[sflag:s16] =	ssyncadd.s32 $0xFFFFF800  }
0x1c: {  	_ =	swait.ge [sflag:s16], $0x800  }
0x1d: {  	[sflag:s16] =	ssyncset.done $0x0  }
0x1e: {  	[sflag:s16] =	ssyncadd.s32 $0xFFFFF800  }
0x1f: {  	_ =	swait.ge [sflag:s16], $0x800  }
0x20: {  	s17 =	sadd.s32 $0x1, s17;
	[sflag:s16] =	ssyncset.done $0x0  }
0x21: {  	p0 =	sne.s32 s17, s11;
	[sflag:s16] =	ssyncadd.s32 $0xFFFFF800  }
.Ltmp1:
0x22: {  	[bflag:$0x0] =	sbarrier.arrive $0xFFFF;
	(pc) =	sbr.rel @!p0 .LBB2_7-.Ltmp1, $4  }
0x23: {  	[hbm:s10], [sflag:s7] =	dma.local [spmem:s12], $0x3100  }
0x24: {  	_ =	swait.ge [sflag:s13], $0x3100  }
0x25: {  	[sflag:s13] =	ssyncset.done $0x0  }
0x26: {  	[sflag:s13] =	ssyncadd.s32 $0xFFFFCF00  }
.LBB2_1:
0x27: {  	[spmem:s12], [sflag:s7] =	dma.local [hbm:s6], $0x3100  }
0x28: {  	_ =	swait.ge [sflag:s13], $0x3100  }
0x29: {  	[sflag:s13] =	ssyncset.done $0x0  }
0x2a: {  	[sflag:s13] =	ssyncadd.s32 $0xFFFFCF00  }
.Ltmp2:
0x2b: {  	[bflag:$0x0] =	sbarrier.arrive $0xFFFF;
	(pc) =	sbr.rel .LBB2_2-.Ltmp2, $4  }
0x2c: {  	[tilespmem:s3], [sflag:$0x4] =	stream.linear.gather [hbm4b:s9+s3], $0x600, $0x38;
	[tilespmem:$0x1F400] =	vst v63  }
0x2d: {  	_ =	swait.ge [sflag:s13], $0x600  }
0x2e: {  	[sflag:s13] =	ssyncset.done $0x0  }
0x2f: {  	s18 =	simm.s32 $0x0;
	[sflag:s13] =	ssyncadd.s32 $0xFFFFFA00  }
.LBB2_4:
0x30: {  	s18 =	sadd.s32 @!p0 $0x1, s18  }
0x31: {  	s18 =	simm.s32 @p0 $0x1  }
0x32: {  	s28 =	smul.u32 $0x6, s18;
	_ =	sdelay $0x1  }
0x33: {  	s26 =	sxor.u32 $0x1, s26;
	s28 =	sadd.s32 s8, s28  }
0x34: {  	s26 =	smul.u32 $0x1800, s26;
	s28 =	sshll.u32 s28, $0x5  }
0x35: {  	s28 =	sand.u32 $0x1FFFFFC0, s28  }
0x36: {  	p0 =	por $0x0, $0x0;
	s26 =	sshrl.u32 s26, $0x2;
	s28 =	sadd.s32 s4, s28  }
0x37: {  	[tilespmem:s26], [sflag:$0x3] =	stream.linear.gather [hbm4b:s28+s3], $0x600, $0x38;
	[tilespmem:$0x1F400] =	vst v63  }
.LBB2_5:
0x38: {  	_ =	swait.ge [sflag:s15], $0x800  }
0x39: {  	[sflag:s15] =	ssyncset.done $0x0  }
0x3a: {  	s26 =	sadd.s32 $0x80, s19;
	[sflag:s15] =	ssyncadd.s32 $0xFFFFF800  }
0x3b: {  	[spmem:s2] =	stream.indirect.scatter.add.f32 [tilespmem:s25], [sflag:$0x2], $0x10, s26, s14, $0xb8;
	[tilespmem:$0x1F400] =	vst v63  }
0x3c: {  	_ =	swait.ge [sflag:s15], $0x800  }
0x3d: {  	[sflag:s15] =	ssyncset.done $0x0  }
0x3e: {  	s26 =	sadd.s32 $0x180, s19;
	[sflag:s15] =	ssyncadd.s32 $0xFFFFF800  }
0x3f: {  	[spmem:s2] =	stream.indirect.scatter.add.f32 [tilespmem:s24], [sflag:$0x2], $0x10, s26, s14, $0xb8;
	[tilespmem:$0x1F400] =	vst v63  }
0x40: {  	_ =	swait.ge [sflag:s15], $0x800  }
0x41: {  	[sflag:s15] =	ssyncset.done $0x0  }
0x42: {  	s28 =	sadd.s32 $0x280, s19;
	[sflag:s15] =	ssyncadd.s32 $0xFFFFF800  }
0x43: {  	[spmem:s2] =	stream.indirect.scatter.add.f32 [tilespmem:s23], [sflag:$0x2], $0x10, s28, s14, $0xb8;
	[tilespmem:$0x1F400] =	vst v63  }
0x44: {  	_ =	swait.ge [sflag:s15], $0x800  }
0x45: {  	[sflag:s15] =	ssyncset.done $0x0  }
0x46: {  	s29 =	sadd.s32 $0x380, s19;
	[sflag:s15] =	ssyncadd.s32 $0xFFFFF800  }
0x47: {  	[spmem:s2] =	stream.indirect.scatter.add.f32 [tilespmem:s22], [sflag:$0x2], $0x10, s29, s14, $0xb8;
	[tilespmem:$0x1F400] =	vst v63  }
0x48: {  	_ =	swait.ge [sflag:s15], $0x800  }
0x49: {  	[sflag:s15] =	ssyncset.done $0x0  }
0x4a: {  	s30 =	sadd.s32 $0x480, s19;
	[sflag:s15] =	ssyncadd.s32 $0xFFFFF800  }
0x4b: {  	[spmem:s2] =	stream.indirect.scatter.add.f32 [tilespmem:s21], [sflag:$0x2], $0x10, s30, s14, $0xb8;
	[tilespmem:$0x1F400] =	vst v63  }
0x4c: {  	_ =	swait.ge [sflag:s15], $0x800  }
0x4d: {  	s31 =	sadd.s32 $0x580, s19;
	p1 =	slt.u32 s18, $0x83;
	[sflag:s15] =	ssyncset.done $0x0  }
.Ltmp3:
0x4e: {  	s19 =	simm.s32 @!p0 $0x3;
	[sflag:s15] =	ssyncadd.s32 $0xFFFFF800;
	(pc) =	sbr.rel @!p1 .LBB2_6-.Ltmp3, $4  }
0x4f: {  	[spmem:s2] =	stream.indirect.scatter.add.f32 [tilespmem:s20], [sflag:$0x2], $0x10, s31, s14, $0xb8;
	[tilespmem:$0x1F400] =	vst v63  }
0x50: {  	_ =	swait.ge @!p0 [sflag:s19], $0x600  }
0x51: {  	[sflag:s19] =	ssyncset.done @!p0 $0x0  }
0x52: {  	[sflag:s19] =	ssyncadd.s32 @!p0 $0xFFFFFA00  }
.LBB2_2:
0x53: {  	s26 =	sand.u32 $0x1, s18  }
0x54: {  	s19 =	smul.u32 $0xC000, s26  }
0x55: {  	s20 =	smul.u32 $0x1800, s26  }
0x56: {  	s28 =	sshrl.u32 s19, $0x2  }
0x57: {  	s19 =	sshrl.u32 s20, $0x2;
	s25 =	sor.u32 $0xC00, s28  }
0x58: {  	[tilespmem:s25], [sflag:$0x1] =	stream.indirect.gather [hbm4b:s5+s14], $0x10, s19, s14, $0xb8;
	[tilespmem:$0x1F400] =	vst v63  }
0x59: {  	s24 =	sadd.s32 $0x1400, s28;
	s20 =	sor.u32 $0x100, s19  }
0x5a: {  	[tilespmem:s24], [sflag:$0x1] =	stream.indirect.gather [hbm4b:s5+s14], $0x10, s20, s14, $0xb8;
	[tilespmem:$0x1F400] =	vst v63  }
0x5b: {  	s23 =	sadd.s32 $0x1C00, s28;
	s22 =	sadd.s32 $0x200, s19  }
0x5c: {  	[tilespmem:s23], [sflag:$0x1] =	stream.indirect.gather [hbm4b:s5+s14], $0x10, s22, s14, $0xb8;
	[tilespmem:$0x1F400] =	vst v63  }
0x5d: {  	s29 =	sadd.s32 $0x300, s19;
	s22 =	sadd.s32 $0x2400, s28  }
0x5e: {  	[tilespmem:s22], [sflag:$0x1] =	stream.indirect.gather [hbm4b:s5+s14], $0x10, s29, s14, $0xb8;
	[tilespmem:$0x1F400] =	vst v63  }
0x5f: {  	p0 =	seq.s32 s18, $0x0;
	s21 =	sadd.s32 $0x2C00, s28;
	s30 =	sadd.s32 $0x400, s19  }
0x60: {  	[tilespmem:s21], [sflag:$0x1] =	stream.indirect.gather [hbm4b:s5+s14], $0x10, s30, s14, $0xb8;
	[tilespmem:$0x1F400] =	vst v63  }
0x61: {  	s31 =	sadd.s32 $0x500, s19;
	s20 =	sadd.s32 $0x3400, s28;
	s28 =	simm.s32 @!p0 $0x2  }
0x62: {  	[tilespmem:s20], [sflag:$0x1] =	stream.indirect.gather [hbm4b:s5+s14], $0x10, s31, s14, $0xb8;
	[tilespmem:$0x1F400] =	vst v63  }
0x63: {  	_ =	swait.ge @!p0 [sflag:s28], $0x800  }
0x64: {  	[sflag:s28] =	ssyncset.done @!p0 $0x0  }
0x65: {  	[sflag:s28] =	ssyncadd.s32 @!p0 $0xFFFFF800  }
0x66: {  	_ =	swait.ge @!p0 [sflag:s28], $0x800  }
0x67: {  	[sflag:s28] =	ssyncset.done @!p0 $0x0  }
0x68: {  	[sflag:s28] =	ssyncadd.s32 @!p0 $0xFFFFF800  }
0x69: {  	_ =	swait.ge @!p0 [sflag:s28], $0x800  }
0x6a: {  	[sflag:s28] =	ssyncset.done @!p0 $0x0  }
0x6b: {  	[sflag:s28] =	ssyncadd.s32 @!p0 $0xFFFFF800  }
0x6c: {  	_ =	swait.ge @!p0 [sflag:s28], $0x800  }
0x6d: {  	[sflag:s28] =	ssyncset.done @!p0 $0x0  }
0x6e: {  	p1 =	seq.s32 @!p0 s18, $0x82;
	[sflag:s28] =	ssyncadd.s32 @!p0 $0xFFFFF800  }
0x6f: {  	p1 =	por p0, !p1;
	_ =	swait.ge @!p0 [sflag:s28], $0x800  }
.Ltmp4:
0x70: {  	[sflag:s28] =	ssyncset.done @!p0 $0x0;
	(pc) =	sbr.rel @p1 .LBB2_4-.Ltmp4, $4  }
0x71: {  	[sflag:s28] =	ssyncadd.s32 @!p0 $0xFFFFF800  }
0x72: {  	_ =	swait.ge @!p0 [sflag:s28], $0x800  }
0x73: {  	[sflag:s28] =	ssyncset.done @!p0 $0x0  }
0x74: {  	[sflag:s28] =	ssyncadd.s32 @!p0 $0xFFFFF800  }
.Ltmp5:
0x75: {  	(pc) =	sbr.rel .LBB2_5-.Ltmp5, $2  }
0x76: {  	_ =	sdelay $0x2  }
0x77: {  	s18 =	simm.s32 @!p0 $0x83;
	p0 =	por @!p0 $0x1, $0x1  }
.LBB2_7:
0x78: {  	_ =	sfence.sel $0x180000  }
0x79: {  	[bflag:$0x0] =	sbarrier.arrive $0xFFFF  }
0x7a: {  	p0 =	sne.s32 s1, $0x0;
	_ =	strace $0x9000004A  }
0x7b: {  	s0 =	sadd.s32 @!p0 $0x100000, s0;
	[bflag:$0x2] =	sbarrier.arrive $0xFFFF  }
0x7c: {  	[sflag:s0] =	ssyncadd.tile.s32 @!p0 $0x1;
	_ =	shalt  }
.Lfunc_end2:
_tile_overlayer_lowered:
.L_overlay_start_2:
0x7d: {  	(tag) =	ssettag $0x2  }
0x7e: {  	s0 =	rddreg [dreg:$0x0];
	s2 =	stileid.u32  }
0x7f: {  	s1 =	rddreg [dreg:$0x1];
	p0 =	sne.s32 s2, $0x0  }
0x80: {  	s3 =	rddreg [dreg:$0x2];
	[bflag:$0x3] =	sbarrier.arrive $0xFFFF;
	s2 =	simm.s32 @!p0 $0x1C04  }
0x81: {  	[timem:s3], [sflag:s2] =	dma.local @!p0 [hbm:s0], s1  }
0x82: {  	s0 =	simm.s32 @!p0 $0x4  }
0x83: {  	_ =	swait.ge @!p0 [sflag:s0], s1  }
0x84: {  	s1 =	ssub.s32 @!p0 $0x0, s1;
	[sflag:s0] =	ssyncset.done @!p0 $0x0  }
0x85: {  	[sflag:s0] =	ssyncadd.s32 @!p0 s1  }
0x86: {  	[bflag:$0x3] =	sbarrier.arrive $0xFFFF  }
0x87: {  	_ =	shalt  }

// kernel: kernel.14.cloned.1.call-start
scs
__scs_entry_jumppad:
0x0: {  	(pc) =	sbr.rel $0x88, $3  }
0x1: {  	(tag) =	ssettag $0x0;
	lr =	simm.s32 $0x1  }
0x2: {  	[smem:$0x3F9B] =	sst lr;
	_ =	strace $0xD0000000  }
0x3: {  	_ = 	snop  }
0x4: {  	_ = 	snop  }
0x5: {  	_ = 	snop  }
0x6: {  	_ = 	snop  }
0x7: {  	_ = 	snop  }
__scs_overlays_trampoline_lowered:
0x8: {  	[smem:$0x3FAA] =	sst s0  }
0x9: {  	[smem:$0x3FAB] =	sst s1  }
0xa: {  	[smem:$0x3FAC] =	sst s2  }
0xb: {  	[smem:$0x3FAD] =	sst s3  }
0xc: {  	[smem:$0x3FAE] =	sst s4  }
0xd: {  	[smem:$0x3FAF] =	sst s5  }
0xe: {  	[smem:$0x3FB0] =	sst s6  }
0xf: {  	[smem:$0x3FB1] =	sst s7  }
0x10: {  	[smem:$0x3FB2] =	sst s8  }
0x11: {  	[smem:$0x3FB3] =	sst s9;
	s0 =	simm.s32 @!p0 $0x0  }
0x12: {  	s1 =	sld [smem:$0x3F99];
	s0 =	simm.s32 @p0 $0x1  }
0x13: {  	[smem:$0x3FB4] =	sst s0;
	s0 =	simm.s32 @!p1 $0x0  }
0x14: {  	s2 =	sld [smem:$0x3F98];
	s0 =	simm.s32 @p1 $0x1  }
0x15: {  	[smem:$0x3FB5] =	sst s0;
	s0 =	simm.s32 @!p2 $0x0  }
0x16: {  	s3 =	sld [smem:$0x3FDB];
	s0 =	simm.s32 @p2 $0x1  }
0x17: {  	s4 =	simm.s32 $0x1BF5;
	[smem:$0x3FB7] =	sst s0  }
0x18: {  	s0 =	sld [smem:$0x3F9A];
	_ =	swait.ge [sflag:s4], $0x0  }
0x19: {  	s7 =	sld [smem:$0x3F9B]  }
0x1a: {  	s8 =	sadd.s32 $0xFFFFE003, lr  }
0x1b: {  	s9 =	sadd.s32 $0xFFFFFEF7, lr;
	s5 =	simm.s32 $0xFFFFFFFF;
	p2 =	slt.u32 s8, $0xFFFFF086  }
0x1c: {  	p1 =	slt.u32 s9, $0xF7A;
	s5 =	simm.s32 @!p2 $0x0  }
0x1d: {  	s5 =	simm.s32 @p1 $0x1;
	p0 =	seq.s32 s7, s2  }
0x1e: {  	s7 =	smul.u32 @!p0 $0xF7A, s2;
	p2 =	seq.s32 @!p0 s5, $0x0  }
0x1f: {  	s9 =	smul.u32 $0xF7A, s1;
	s8 =	simm.s32 @!p0 $0x1BF5;
	p2 =	por !p2, p0  }
0x20: {  	[sflag:s8] =	ssyncset.s32 @!p0 $0xFFFFF086;
	s6 =	sadd.s32 @!p0 s3, s7;
	s7 =	simm.s32 @!p0 $0x108  }
0x21: {  	s3 =	sadd.s32 s3, s9;
	s6 =	sadd.s32 @!p0 $0x88, s6;
	s7 =	simm.s32 @p2 $0x1082  }
0x22: {  	[simem:s7], [sflag:s8] =	dma.local @!p0 [hbm:s6], $0xF7A  }
0x23: {  	s9 =	sor.u32 $0xD0000000, s2;
	s6 =	simm.s32 $0x108;
	_ =	swait.ge @!p0 [sflag:s8], $0x0  }
0x24: {  	s3 =	sadd.s32 $0x88, s3;
	s6 =	simm.s32 @!p1 $0x1082;
	[sflag:s4] =	ssyncset.s32 $0xFFFFF086  }
0x25: {  	[simem:s6], [sflag:s4] =	dma.local [hbm:s3], $0xF7A  }
0x26: {  	[smem:$0x3F9B] =	sst s1;
	(tag) =	ssettag s2;
	_ =	strace s9  }
0x27: {  	s1 =	sld [smem:$0x3FAB]  }
0x28: {  	s2 =	sld [smem:$0x3FAC]  }
0x29: {  	s4 =	sld [smem:$0x3FAE]  }
0x2a: {  	p0 =	seq.s32 s5, $0x0;
	s5 =	sld [smem:$0x3FAF]  }
0x2b: {  	s6 =	sld [smem:$0x3FB0]  }
0x2c: {  	s7 =	sld [smem:$0x3FB1]  }
0x2d: {  	s3 =	simm.s32 $0x108;
	s8 =	sld [smem:$0x3FB2]  }
0x2e: {  	s3 =	simm.s32 @!p0 $0x1082;
	s9 =	sld [smem:$0x3FB3]  }
0x2f: {  	lr =	sadd.s32 s0, s3;
	s0 =	sld [smem:$0x3FAA]  }
0x30: {  	s3 =	sld [smem:$0x3FAD]  }
0x31: {  	[smem:$0x3FB6] =	sst s10  }
0x32: {  	s10 =	sld [smem:$0x3FB4];
	_ =	sdelay $0x3  }
0x33: {  	p0 =	seq.s32 s10, $0x1;
	s10 =	sld [smem:$0x3FB6];
	_ =	sdelay $0x3  }
0x34: {  	[smem:$0x3FB6] =	sst s10  }
0x35: {  	s10 =	sld [smem:$0x3FB5];
	_ =	sdelay $0x3  }
0x36: {  	p1 =	seq.s32 s10, $0x1;
	s10 =	sld [smem:$0x3FB6];
	_ =	sdelay $0x3  }
0x37: {  	[smem:$0x3FB6] =	sst s10  }
0x38: {  	s10 =	sld [smem:$0x3FB7]  }
0x39: {  	_ = 	snop;
	(pc) =	sbr.ind lr, $3  }
0x3a: {  	_ = 	snop  }
0x3b: {  	_ = 	snop  }
0x3c: {  	p2 =	seq.s32 s10, $0x1;
	s10 =	sld [smem:$0x3FB6]  }
0x3d: {  	_ =	shalt  }
0x3e: {  	_ =	shalt  }
0x3f: {  	_ =	shalt  }
0x40: {  	_ =	shalt  }
0x41: {  	_ =	shalt  }
0x42: {  	_ =	shalt  }
0x43: {  	_ =	shalt  }
0x44: {  	_ =	shalt  }
0x45: {  	_ =	shalt  }
0x46: {  	_ =	shalt  }
0x47: {  	_ =	shalt  }
0x48: {  	_ =	shalt  }
0x49: {  	_ =	shalt  }
0x4a: {  	_ =	shalt  }
0x4b: {  	_ =	shalt  }
0x4c: {  	_ =	shalt  }
0x4d: {  	_ =	shalt  }
0x4e: {  	_ =	shalt  }
0x4f: {  	_ =	shalt  }
0x50: {  	_ =	shalt  }
0x51: {  	_ =	shalt  }
0x52: {  	_ =	shalt  }
0x53: {  	_ =	shalt  }
0x54: {  	_ =	shalt  }
0x55: {  	_ =	shalt  }
0x56: {  	_ =	shalt  }
0x57: {  	_ =	shalt  }
0x58: {  	_ =	shalt  }
0x59: {  	_ =	shalt  }
0x5a: {  	_ =	shalt  }
0x5b: {  	_ =	shalt  }
0x5c: {  	_ =	shalt  }
0x5d: {  	_ =	shalt  }
0x5e: {  	_ =	shalt  }
0x5f: {  	_ =	shalt  }
0x60: {  	_ =	shalt  }
0x61: {  	_ =	shalt  }
0x62: {  	_ =	shalt  }
0x63: {  	_ =	shalt  }
0x64: {  	_ =	shalt  }
0x65: {  	_ =	shalt  }
0x66: {  	_ =	shalt  }
0x67: {  	_ =	shalt  }
0x68: {  	_ =	shalt  }
0x69: {  	_ =	shalt  }
0x6a: {  	_ =	shalt  }
0x6b: {  	_ =	shalt  }
0x6c: {  	_ =	shalt  }
0x6d: {  	_ =	shalt  }
0x6e: {  	_ =	shalt  }
0x6f: {  	_ =	shalt  }
0x70: {  	_ =	shalt  }
0x71: {  	_ =	shalt  }
0x72: {  	_ =	shalt  }
0x73: {  	_ =	shalt  }
0x74: {  	_ =	shalt  }
0x75: {  	_ =	shalt  }
0x76: {  	_ =	shalt  }
0x77: {  	_ =	shalt  }
0x78: {  	_ =	shalt  }
0x79: {  	_ =	shalt  }
0x7a: {  	_ =	shalt  }
0x7b: {  	_ =	shalt  }
0x7c: {  	_ =	shalt  }
0x7d: {  	_ =	shalt  }
0x7e: {  	_ =	shalt  }
0x7f: {  	_ =	shalt  }
0x80: {  	_ =	shalt  }
0x81: {  	_ =	shalt  }
0x82: {  	_ =	shalt  }
0x83: {  	_ =	shalt  }
0x84: {  	_ =	shalt  }
0x85: {  	_ =	shalt  }
0x86: {  	_ =	shalt  }
0x87: {  	_ =	shalt  }
.Lfunc_end0:
.L_simem_size_0:
called_computation.2_lowered:
.L_overlay_start_0:
0x88: {  	s2 =	sld [smem:$0x3FD9]  }
0x89: {  	s3 =	sld [smem:$0x3FFE];
	_ =	sdelay $0x1  }
0x8a: {  	s1 =	srdreg.scid  }
0x8b: {  	s0 =	sand.u32 $0x1, s1  }
0x8c: {  	s16 =	sshll.u32 s0, $0xA;
	s2 =	sadd.s32 s3, s2  }
0x8d: {  	s2 =	sadd.s32 s2, s16  }
0x8e: {  	[smem:$0x3FC2] =	sst s2  }
0x8f: {  	_ = 	snop  }
0x90: {  	(tm) =	ssettm $0x1  }
0x91: {  	s17 =	sld [smem:$0x3FFB];
	_ =	sdelay $0x3  }
0x92: {  	_ =	strace s17  }
0x93: {  	s2 =	sld [smem:$0x3FFC];
	_ =	sdelay $0x3  }
0x94: {  	_ =	strace s2  }
0x95: {  	s2 =	sld [smem:$0x3FFD];
	_ =	sdelay $0x3  }
0x96: {  	_ =	strace s2  }
0x97: {  	_ =	strace $0x8FFFFFFF  }
0x98: {  	s18 =	sld [smem:$0x3FDB];
	_ =	sdelay $0x1  }
0x99: {  	s19 =	simm.s32 $_scs_section_size  }
0x9a: {  	s4 =	simm.s32 $_size__tile_overlayer_lowered;
	s5 =	simm.s32 $_tile_overlayer_lowered  }
0x9b: {  	s22 =	simm.s32 $0x1BFF;
	s21 =	sshll.u32 s5, $0x1;
	s2 =	sadd.s32 s19, s18  }
0x9c: {  	s6 =	simm.s32 $0x0;
	s20 =	sshll.u32 s4, $0x1;
	s4 =	sadd.s32 s21, s2  }
0x9d: {  	[timem:s6], [sflag:s22] =	dma.local [hbm:s4], s20  }
0x9e: {  	_ =	swait.ge [sflag:s22], s20  }
0x9f: {  	s3 =	ssub.s32 $0x0, s20;
	[sflag:s22] =	ssyncset.done $0x0  }
0xa0: {  	[sflag:s22] =	ssyncadd.s32 s3;
	_ =	sdelay $0x1  }
0xa1: {  	s23 =	simm.s32 $0x1B8B  }
0xa2: {  	_ =	swait.ge [sflag:s23], $0x1  }
0xa3: {  	[sflag:s23] =	ssyncset.done $0x0  }
0xa4: {  	s25 =	simm.s32 $0x1B8E;
	s24 =	sld [smem:$0x3FFE];
	[sflag:s23] =	ssyncadd.s32 $0xFFFFFFFF  }
0xa5: {  	s26 =	simm.s32 $execute0_lowered;
	[smem:$0x3FD2] =	sst s25  }
0xa6: {  	s4 =	sshll.u32 s26, $0x1;
	_ =	strace $0x8000004C;
	[dreg:$0x1] =	wrdreg $0xFFFFFFFF  }
0xa7: {  	s28 =	simm.s32 $_size_execute0_lowered;
	s2 =	sadd.s32 s2, s4;
	[dreg:$0x0] =	wrdreg $0x0  }
0xa8: {  	s4 =	sshll.u32 s28, $0x1;
	[dreg:$0x2] =	wrdreg s2  }
0xa9: {  	[dreg:$0x3] =	wrdreg s4  }
0xaa: {  	[dreg:$0x4] =	wrdreg $0xC0  }
0xab: {  	_ =	task [dreg:s6], $0x5FFFF  }
0xac: {  	[dreg:$0x1] =	wrdreg $0xFFFFFFFF  }
0xad: {  	[dreg:$0x0] =	wrdreg $0x60  }
0xae: {  	[dreg:$0x2] =	wrdreg s24  }
0xaf: {  	[dreg:$0x3] =	wrdreg $0x6C000  }
0xb0: {  	[dreg:$0x4] =	wrdreg $0x9  }
0xb1: {  	_ =	task.clear_ibuf [dreg:s6], $0x5FFFF;
	_ =	strace $0x9000004C  }
0xb2: {  	s29 =	simm.s32 $0x9;
	_ =	strace $0x8000004E  }
0xb3: {  	_ =	swait.ge [sflag:s29], $0x1  }
0xb4: {  	[sflag:s29] =	ssyncadd.s32 $0xFFFFFFFF  }
0xb5: {  	_ =	strace $0x9000004E  }
0xb6: {  	_ =	sfence  }
0xb7: {  	s30 =	sld [smem:$0x0];
	_ =	sdelay $0x2  }
0xb8: {  	s31 =	sshll.u32 s1, $0xD;
	s1 =	sshrl.u32 s1, $0x2  }
0xb9: {  	s3 =	sand.u32 $0x4000, s31;
	s1 =	sadd.s32 s1, s30  }
0xba: {  	s0 =	sor.u32 s3, s0;
	s1 =	sshll.u32 s1, $0x11  }
0xbb: {  	s0 =	sor.u32 s1, s0  }
0xbc: {  	s0 =	sadd.s32 $0x8F2B, s0  }
0xbd: {  	[sflag:s0] =	ssyncadd.remote.s32 $0x1  }
0xbe: {  	_ =	sfence.sel $0xFFFF  }
0xbf: {  	[dreg:$0x0] =	wrdreg $0xFFFFFFFF;
	(pc) =	sbr.abs _section_cstart, $3  }
0xc0: {  	[dreg:$0x1] =	wrdreg $0xFFFFFFFF  }
0xc1: {  	_ =	task.clear_ibuf [dreg:s6], $0x2FFFF;
	_ =	strace $0x9FFFFFFF  }
0xc2: {  	(tm) =	ssettm $0x7FFFFFFF  }
0xc3: {  	_ =	shalt  }
tec
execute0_lowered:
.L_overlay_start_1:
0x0: {  	(tag) =	ssettag $0x1  }
0x1: {  	s6 =	rddreg [dreg:$0x0]  }
0x2: {  	s2 =	rddreg [dreg:$0x1]  }
0x3: {  	s0 =	rddreg [dreg:$0x2]  }
0x4: {  	s3 =	simm.s32 $0x0;
	s1 =	stileid.u32;
	s4 =	srdreg.scid  }
0x5: {  	s15 =	simm.s32 $0x1;
	s16 =	simm.s32 $0x2;
	s17 =	simm.s32 $0x0  }
0x6: {  	[smem:$0x7FF] =	sst s3;
	s7 =	smul.u32 $0x18800, s1;
	s8 =	sand.u32 $0x1, s4  }
0x7: {  	s4 =	sadd.s32 $0xC7600, s6;
	s5 =	sadd.s32 $0x3200, s6;
	s13 =	sshll.u32 s1, $0x1  }
0x8: {  	s9 =	smul.u32 $0x188000, s8;
	s11 =	ssub.s32 $0x2, s8;
	s8 =	sor.u32 s8, s13  }
0x9: {  	s30 =	sshll.u32 s1, $0x6;
	_ =	strace $0x8000004D;
	s31 =	smul.u32 $0x6240, s8  }
0xa: {  	s13 =	simm.s32 $0x4;
	s10 =	sshrl.u32 s7, $0x3;
	s8 =	smul.u32 $0x312, s8  }
.Ltmp0:
0xb: {  	s12 =	sshrl.u32 s11, $0x1;
	s29 =	sadd.s32 s7, s2;
	(pc) =	sbr.rel .LBB2_1-.Ltmp0, $4  }
0xc: {  	s10 =	sadd.s32 s10, s6;
	s9 =	sadd.s32 s7, s9;
	s11 =	ssub.s32 s11, s12  }
0xd: {  	s7 =	sor.u32 $0x1C04, s30;
	s12 =	sshrl.u32 s29, $0x3;
	s9 =	sshrl.u32 s9, $0x3  }
0xe: {  	s11 =	smax.u32 s11, $0x1;
	s14 =	sadd.s32 s9, s6;
	s6 =	sadd.s32 $0x34200, s10  }
0xf: {  	s9 =	sadd.s32 s4, s31;
	s10 =	sadd.s32 $0x65200, s14;
	s14 =	simm.s32 $0x80  }
.LBB2_6:
0x10: {  	_ =	swait.ge [sflag:s16], $0x800  }
0x11: {  	[sflag:s16] =	ssyncset.done $0x0  }
0x12: {  	[sflag:s16] =	ssyncadd.s32 $0xFFFFF800  }
0x13: {  	_ =	swait.ge [sflag:s16], $0x800  }
0x14: {  	[sflag:s16] =	ssyncset.done $0x0  }
0x15: {  	[sflag:s16] =	ssyncadd.s32 $0xFFFFF800  }
0x16: {  	_ =	swait.ge [sflag:s16], $0x800  }
0x17: {  	[sflag:s16] =	ssyncset.done $0x0  }
0x18: {  	[sflag:s16] =	ssyncadd.s32 $0xFFFFF800  }
0x19: {  	_ =	swait.ge [sflag:s16], $0x800  }
0x1a: {  	[sflag:s16] =	ssyncset.done $0x0  }
0x1b: {  	[sflag:s16] =	ssyncadd.s32 $0xFFFFF800  }
0x1c: {  	_ =	swait.ge [sflag:s16], $0x800  }
0x1d: {  	[sflag:s16] =	ssyncset.done $0x0  }
0x1e: {  	[sflag:s16] =	ssyncadd.s32 $0xFFFFF800  }
0x1f: {  	_ =	swait.ge [sflag:s16], $0x800  }
0x20: {  	s17 =	sadd.s32 $0x1, s17;
	[sflag:s16] =	ssyncset.done $0x0  }
0x21: {  	p0 =	sne.s32 s17, s11;
	[sflag:s16] =	ssyncadd.s32 $0xFFFFF800  }
.Ltmp1:
0x22: {  	[bflag:$0x0] =	sbarrier.arrive $0xFFFF;
	(pc) =	sbr.rel @!p0 .LBB2_7-.Ltmp1, $4  }
0x23: {  	[hbm:s10], [sflag:s7] =	dma.local [spmem:s12], $0x3100  }
0x24: {  	_ =	swait.ge [sflag:s13], $0x3100  }
0x25: {  	[sflag:s13] =	ssyncset.done $0x0  }
0x26: {  	[sflag:s13] =	ssyncadd.s32 $0xFFFFCF00  }
.LBB2_1:
0x27: {  	[spmem:s12], [sflag:s7] =	dma.local [hbm:s6], $0x3100  }
0x28: {  	_ =	swait.ge [sflag:s13], $0x3100  }
0x29: {  	[sflag:s13] =	ssyncset.done $0x0  }
0x2a: {  	[sflag:s13] =	ssyncadd.s32 $0xFFFFCF00  }
.Ltmp2:
0x2b: {  	[bflag:$0x0] =	sbarrier.arrive $0xFFFF;
	(pc) =	sbr.rel .LBB2_2-.Ltmp2, $4  }
0x2c: {  	[tilespmem:s3], [sflag:$0x4] =	stream.linear.gather [hbm4b:s9+s3], $0x600, $0x38;
	[tilespmem:$0x1F400] =	vst v63  }
0x2d: {  	_ =	swait.ge [sflag:s13], $0x600  }
0x2e: {  	[sflag:s13] =	ssyncset.done $0x0  }
0x2f: {  	s18 =	simm.s32 $0x0;
	[sflag:s13] =	ssyncadd.s32 $0xFFFFFA00  }
.LBB2_4:
0x30: {  	s18 =	sadd.s32 @!p0 $0x1, s18  }
0x31: {  	s18 =	simm.s32 @p0 $0x1  }
0x32: {  	s28 =	smul.u32 $0x6, s18;
	_ =	sdelay $0x1  }
0x33: {  	s26 =	sxor.u32 $0x1, s26;
	s28 =	sadd.s32 s8, s28  }
0x34: {  	s26 =	smul.u32 $0x1800, s26;
	s28 =	sshll.u32 s28, $0x5  }
0x35: {  	s28 =	sand.u32 $0x1FFFFFC0, s28  }
0x36: {  	p0 =	por $0x0, $0x0;
	s26 =	sshrl.u32 s26, $0x2;
	s28 =	sadd.s32 s4, s28  }
0x37: {  	[tilespmem:s26], [sflag:$0x3] =	stream.linear.gather [hbm4b:s28+s3], $0x600, $0x38;
	[tilespmem:$0x1F400] =	vst v63  }
.LBB2_5:
0x38: {  	_ =	swait.ge [sflag:s15], $0x800  }
0x39: {  	[sflag:s15] =	ssyncset.done $0x0  }
0x3a: {  	s26 =	sadd.s32 $0x80, s19;
	[sflag:s15] =	ssyncadd.s32 $0xFFFFF800  }
0x3b: {  	[spmem:s2] =	stream.indirect.scatter.add.f32 [tilespmem:s25], [sflag:$0x2], $0x10, s26, s14, $0xb8;
	[tilespmem:$0x1F400] =	vst v63  }
0x3c: {  	_ =	swait.ge [sflag:s15], $0x800  }
0x3d: {  	[sflag:s15] =	ssyncset.done $0x0  }
0x3e: {  	s26 =	sadd.s32 $0x180, s19;
	[sflag:s15] =	ssyncadd.s32 $0xFFFFF800  }
0x3f: {  	[spmem:s2] =	stream.indirect.scatter.add.f32 [tilespmem:s24], [sflag:$0x2], $0x10, s26, s14, $0xb8;
	[tilespmem:$0x1F400] =	vst v63  }
0x40: {  	_ =	swait.ge [sflag:s15], $0x800  }
0x41: {  	[sflag:s15] =	ssyncset.done $0x0  }
0x42: {  	s28 =	sadd.s32 $0x280, s19;
	[sflag:s15] =	ssyncadd.s32 $0xFFFFF800  }
0x43: {  	[spmem:s2] =	stream.indirect.scatter.add.f32 [tilespmem:s23], [sflag:$0x2], $0x10, s28, s14, $0xb8;
	[tilespmem:$0x1F400] =	vst v63  }
0x44: {  	_ =	swait.ge [sflag:s15], $0x800  }
0x45: {  	[sflag:s15] =	ssyncset.done $0x0  }
0x46: {  	s29 =	sadd.s32 $0x380, s19;
	[sflag:s15] =	ssyncadd.s32 $0xFFFFF800  }
0x47: {  	[spmem:s2] =	stream.indirect.scatter.add.f32 [tilespmem:s22], [sflag:$0x2], $0x10, s29, s14, $0xb8;
	[tilespmem:$0x1F400] =	vst v63  }
0x48: {  	_ =	swait.ge [sflag:s15], $0x800  }
0x49: {  	[sflag:s15] =	ssyncset.done $0x0  }
0x4a: {  	s30 =	sadd.s32 $0x480, s19;
	[sflag:s15] =	ssyncadd.s32 $0xFFFFF800  }
0x4b: {  	[spmem:s2] =	stream.indirect.scatter.add.f32 [tilespmem:s21], [sflag:$0x2], $0x10, s30, s14, $0xb8;
	[tilespmem:$0x1F400] =	vst v63  }
0x4c: {  	_ =	swait.ge [sflag:s15], $0x800  }
0x4d: {  	s31 =	sadd.s32 $0x580, s19;
	p1 =	slt.u32 s18, $0x83;
	[sflag:s15] =	ssyncset.done $0x0  }
.Ltmp3:
0x4e: {  	s19 =	simm.s32 @!p0 $0x3;
	[sflag:s15] =	ssyncadd.s32 $0xFFFFF800;
	(pc) =	sbr.rel @!p1 .LBB2_6-.Ltmp3, $4  }
0x4f: {  	[spmem:s2] =	stream.indirect.scatter.add.f32 [tilespmem:s20], [sflag:$0x2], $0x10, s31, s14, $0xb8;
	[tilespmem:$0x1F400] =	vst v63  }
0x50: {  	_ =	swait.ge @!p0 [sflag:s19], $0x600  }
0x51: {  	[sflag:s19] =	ssyncset.done @!p0 $0x0  }
0x52: {  	[sflag:s19] =	ssyncadd.s32 @!p0 $0xFFFFFA00  }
.LBB2_2:
0x53: {  	s26 =	sand.u32 $0x1, s18  }
0x54: {  	s19 =	smul.u32 $0xC000, s26  }
0x55: {  	s20 =	smul.u32 $0x1800, s26  }
0x56: {  	s28 =	sshrl.u32 s19, $0x2  }
0x57: {  	s19 =	sshrl.u32 s20, $0x2;
	s25 =	sor.u32 $0xC00, s28  }
0x58: {  	[tilespmem:s25], [sflag:$0x1] =	stream.indirect.gather [hbm4b:s5+s14], $0x10, s19, s14, $0xb8;
	[tilespmem:$0x1F400] =	vst v63  }
0x59: {  	s24 =	sadd.s32 $0x1400, s28;
	s20 =	sor.u32 $0x100, s19  }
0x5a: {  	[tilespmem:s24], [sflag:$0x1] =	stream.indirect.gather [hbm4b:s5+s14], $0x10, s20, s14, $0xb8;
	[tilespmem:$0x1F400] =	vst v63  }
0x5b: {  	s23 =	sadd.s32 $0x1C00, s28;
	s22 =	sadd.s32 $0x200, s19  }
0x5c: {  	[tilespmem:s23], [sflag:$0x1] =	stream.indirect.gather [hbm4b:s5+s14], $0x10, s22, s14, $0xb8;
	[tilespmem:$0x1F400] =	vst v63  }
0x5d: {  	s29 =	sadd.s32 $0x300, s19;
	s22 =	sadd.s32 $0x2400, s28  }
0x5e: {  	[tilespmem:s22], [sflag:$0x1] =	stream.indirect.gather [hbm4b:s5+s14], $0x10, s29, s14, $0xb8;
	[tilespmem:$0x1F400] =	vst v63  }
0x5f: {  	p0 =	seq.s32 s18, $0x0;
	s21 =	sadd.s32 $0x2C00, s28;
	s30 =	sadd.s32 $0x400, s19  }
0x60: {  	[tilespmem:s21], [sflag:$0x1] =	stream.indirect.gather [hbm4b:s5+s14], $0x10, s30, s14, $0xb8;
	[tilespmem:$0x1F400] =	vst v63  }
0x61: {  	s31 =	sadd.s32 $0x500, s19;
	s20 =	sadd.s32 $0x3400, s28;
	s28 =	simm.s32 @!p0 $0x2  }
0x62: {  	[tilespmem:s20], [sflag:$0x1] =	stream.indirect.gather [hbm4b:s5+s14], $0x10, s31, s14, $0xb8;
	[tilespmem:$0x1F400] =	vst v63  }
0x63: {  	_ =	swait.ge @!p0 [sflag:s28], $0x800  }
0x64: {  	[sflag:s28] =	ssyncset.done @!p0 $0x0  }
0x65: {  	[sflag:s28] =	ssyncadd.s32 @!p0 $0xFFFFF800  }
0x66: {  	_ =	swait.ge @!p0 [sflag:s28], $0x800  }
0x67: {  	[sflag:s28] =	ssyncset.done @!p0 $0x0  }
0x68: {  	[sflag:s28] =	ssyncadd.s32 @!p0 $0xFFFFF800  }
0x69: {  	_ =	swait.ge @!p0 [sflag:s28], $0x800  }
0x6a: {  	[sflag:s28] =	ssyncset.done @!p0 $0x0  }
0x6b: {  	[sflag:s28] =	ssyncadd.s32 @!p0 $0xFFFFF800  }
0x6c: {  	_ =	swait.ge @!p0 [sflag:s28], $0x800  }
0x6d: {  	[sflag:s28] =	ssyncset.done @!p0 $0x0  }
0x6e: {  	p1 =	seq.s32 @!p0 s18, $0x82;
	[sflag:s28] =	ssyncadd.s32 @!p0 $0xFFFFF800  }
0x6f: {  	p1 =	por p0, !p1;
	_ =	swait.ge @!p0 [sflag:s28], $0x800  }
.Ltmp4:
0x70: {  	[sflag:s28] =	ssyncset.done @!p0 $0x0;
	(pc) =	sbr.rel @p1 .LBB2_4-.Ltmp4, $4  }
0x71: {  	[sflag:s28] =	ssyncadd.s32 @!p0 $0xFFFFF800  }
0x72: {  	_ =	swait.ge @!p0 [sflag:s28], $0x800  }
0x73: {  	[sflag:s28] =	ssyncset.done @!p0 $0x0  }
0x74: {  	[sflag:s28] =	ssyncadd.s32 @!p0 $0xFFFFF800  }
.Ltmp5:
0x75: {  	(pc) =	sbr.rel .LBB2_5-.Ltmp5, $2  }
0x76: {  	_ =	sdelay $0x2  }
0x77: {  	s18 =	simm.s32 @!p0 $0x83;
	p0 =	por @!p0 $0x1, $0x1  }
.LBB2_7:
0x78: {  	_ =	sfence.sel $0x180000  }
0x79: {  	[bflag:$0x0] =	sbarrier.arrive $0xFFFF  }
0x7a: {  	p0 =	sne.s32 s1, $0x0;
	_ =	strace $0x9000004D  }
0x7b: {  	s0 =	sadd.s32 @!p0 $0x100000, s0;
	[bflag:$0x2] =	sbarrier.arrive $0xFFFF  }
0x7c: {  	[sflag:s0] =	ssyncadd.tile.s32 @!p0 $0x1;
	_ =	shalt  }
.Lfunc_end2:
_tile_overlayer_lowered:
.L_overlay_start_2:
0x7d: {  	(tag) =	ssettag $0x2  }
0x7e: {  	s0 =	rddreg [dreg:$0x0];
	s2 =	stileid.u32  }
0x7f: {  	s1 =	rddreg [dreg:$0x1];
	p0 =	sne.s32 s2, $0x0  }
0x80: {  	s3 =	rddreg [dreg:$0x2];
	[bflag:$0x3] =	sbarrier.arrive $0xFFFF;
	s2 =	simm.s32 @!p0 $0x1C04  }
0x81: {  	[timem:s3], [sflag:s2] =	dma.local @!p0 [hbm:s0], s1  }
0x82: {  	s0 =	simm.s32 @!p0 $0x4  }
0x83: {  	_ =	swait.ge @!p0 [sflag:s0], s1  }
0x84: {  	s1 =	ssub.s32 @!p0 $0x0, s1;
	[sflag:s0] =	ssyncset.done @!p0 $0x0  }
0x85: {  	[sflag:s0] =	ssyncadd.s32 @!p0 s1  }
0x86: {  	[bflag:$0x3] =	sbarrier.arrive $0xFFFF  }
0x87: {  	_ =	shalt  }

// kernel: kernel.8.cloned.1.call-start
scs
__scs_entry_jumppad:
0x0: {  	(pc) =	sbr.rel $0x88, $3  }
0x1: {  	(tag) =	ssettag $0x0;
	lr =	simm.s32 $0x1  }
0x2: {  	[smem:$0x3F9B] =	sst lr;
	_ =	strace $0xD0000000  }
0x3: {  	_ = 	snop  }
0x4: {  	_ = 	snop  }
0x5: {  	_ = 	snop  }
0x6: {  	_ = 	snop  }
0x7: {  	_ = 	snop  }
__scs_overlays_trampoline_lowered:
0x8: {  	[smem:$0x3FAA] =	sst s0  }
0x9: {  	[smem:$0x3FAB] =	sst s1  }
0xa: {  	[smem:$0x3FAC] =	sst s2  }
0xb: {  	[smem:$0x3FAD] =	sst s3  }
0xc: {  	[smem:$0x3FAE] =	sst s4  }
0xd: {  	[smem:$0x3FAF] =	sst s5  }
0xe: {  	[smem:$0x3FB0] =	sst s6  }
0xf: {  	[smem:$0x3FB1] =	sst s7  }
0x10: {  	[smem:$0x3FB2] =	sst s8  }
0x11: {  	[smem:$0x3FB3] =	sst s9;
	s0 =	simm.s32 @!p0 $0x0  }
0x12: {  	s1 =	sld [smem:$0x3F99];
	s0 =	simm.s32 @p0 $0x1  }
0x13: {  	[smem:$0x3FB4] =	sst s0;
	s0 =	simm.s32 @!p1 $0x0  }
0x14: {  	s2 =	sld [smem:$0x3F98];
	s0 =	simm.s32 @p1 $0x1  }
0x15: {  	[smem:$0x3FB5] =	sst s0;
	s0 =	simm.s32 @!p2 $0x0  }
0x16: {  	s3 =	sld [smem:$0x3FDB];
	s0 =	simm.s32 @p2 $0x1  }
0x17: {  	s4 =	simm.s32 $0x1BF5;
	[smem:$0x3FB7] =	sst s0  }
0x18: {  	s0 =	sld [smem:$0x3F9A];
	_ =	swait.ge [sflag:s4], $0x0  }
0x19: {  	s7 =	sld [smem:$0x3F9B]  }
0x1a: {  	s8 =	sadd.s32 $0xFFFFE003, lr  }
0x1b: {  	s9 =	sadd.s32 $0xFFFFFEF7, lr;
	s5 =	simm.s32 $0xFFFFFFFF;
	p2 =	slt.u32 s8, $0xFFFFF086  }
0x1c: {  	p1 =	slt.u32 s9, $0xF7A;
	s5 =	simm.s32 @!p2 $0x0  }
0x1d: {  	s5 =	simm.s32 @p1 $0x1;
	p0 =	seq.s32 s7, s2  }
0x1e: {  	s7 =	smul.u32 @!p0 $0xF7A, s2;
	p2 =	seq.s32 @!p0 s5, $0x0  }
0x1f: {  	s9 =	smul.u32 $0xF7A, s1;
	s8 =	simm.s32 @!p0 $0x1BF5;
	p2 =	por !p2, p0  }
0x20: {  	[sflag:s8] =	ssyncset.s32 @!p0 $0xFFFFF086;
	s6 =	sadd.s32 @!p0 s3, s7;
	s7 =	simm.s32 @!p0 $0x108  }
0x21: {  	s3 =	sadd.s32 s3, s9;
	s6 =	sadd.s32 @!p0 $0x88, s6;
	s7 =	simm.s32 @p2 $0x1082  }
0x22: {  	[simem:s7], [sflag:s8] =	dma.local @!p0 [hbm:s6], $0xF7A  }
0x23: {  	s9 =	sor.u32 $0xD0000000, s2;
	s6 =	simm.s32 $0x108;
	_ =	swait.ge @!p0 [sflag:s8], $0x0  }
0x24: {  	s3 =	sadd.s32 $0x88, s3;
	s6 =	simm.s32 @!p1 $0x1082;
	[sflag:s4] =	ssyncset.s32 $0xFFFFF086  }
0x25: {  	[simem:s6], [sflag:s4] =	dma.local [hbm:s3], $0xF7A  }
0x26: {  	[smem:$0x3F9B] =	sst s1;
	(tag) =	ssettag s2;
	_ =	strace s9  }
0x27: {  	s1 =	sld [smem:$0x3FAB]  }
0x28: {  	s2 =	sld [smem:$0x3FAC]  }
0x29: {  	s4 =	sld [smem:$0x3FAE]  }
0x2a: {  	p0 =	seq.s32 s5, $0x0;
	s5 =	sld [smem:$0x3FAF]  }
0x2b: {  	s6 =	sld [smem:$0x3FB0]  }
0x2c: {  	s7 =	sld [smem:$0x3FB1]  }
0x2d: {  	s3 =	simm.s32 $0x108;
	s8 =	sld [smem:$0x3FB2]  }
0x2e: {  	s3 =	simm.s32 @!p0 $0x1082;
	s9 =	sld [smem:$0x3FB3]  }
0x2f: {  	lr =	sadd.s32 s0, s3;
	s0 =	sld [smem:$0x3FAA]  }
0x30: {  	s3 =	sld [smem:$0x3FAD]  }
0x31: {  	[smem:$0x3FB6] =	sst s10  }
0x32: {  	s10 =	sld [smem:$0x3FB4];
	_ =	sdelay $0x3  }
0x33: {  	p0 =	seq.s32 s10, $0x1;
	s10 =	sld [smem:$0x3FB6];
	_ =	sdelay $0x3  }
0x34: {  	[smem:$0x3FB6] =	sst s10  }
0x35: {  	s10 =	sld [smem:$0x3FB5];
	_ =	sdelay $0x3  }
0x36: {  	p1 =	seq.s32 s10, $0x1;
	s10 =	sld [smem:$0x3FB6];
	_ =	sdelay $0x3  }
0x37: {  	[smem:$0x3FB6] =	sst s10  }
0x38: {  	s10 =	sld [smem:$0x3FB7]  }
0x39: {  	_ = 	snop;
	(pc) =	sbr.ind lr, $3  }
0x3a: {  	_ = 	snop  }
0x3b: {  	_ = 	snop  }
0x3c: {  	p2 =	seq.s32 s10, $0x1;
	s10 =	sld [smem:$0x3FB6]  }
0x3d: {  	_ =	shalt  }
0x3e: {  	_ =	shalt  }
0x3f: {  	_ =	shalt  }
0x40: {  	_ =	shalt  }
0x41: {  	_ =	shalt  }
0x42: {  	_ =	shalt  }
0x43: {  	_ =	shalt  }
0x44: {  	_ =	shalt  }
0x45: {  	_ =	shalt  }
0x46: {  	_ =	shalt  }
0x47: {  	_ =	shalt  }
0x48: {  	_ =	shalt  }
0x49: {  	_ =	shalt  }
0x4a: {  	_ =	shalt  }
0x4b: {  	_ =	shalt  }
0x4c: {  	_ =	shalt  }
0x4d: {  	_ =	shalt  }
0x4e: {  	_ =	shalt  }
0x4f: {  	_ =	shalt  }
0x50: {  	_ =	shalt  }
0x51: {  	_ =	shalt  }
0x52: {  	_ =	shalt  }
0x53: {  	_ =	shalt  }
0x54: {  	_ =	shalt  }
0x55: {  	_ =	shalt  }
0x56: {  	_ =	shalt  }
0x57: {  	_ =	shalt  }
0x58: {  	_ =	shalt  }
0x59: {  	_ =	shalt  }
0x5a: {  	_ =	shalt  }
0x5b: {  	_ =	shalt  }
0x5c: {  	_ =	shalt  }
0x5d: {  	_ =	shalt  }
0x5e: {  	_ =	shalt  }
0x5f: {  	_ =	shalt  }
0x60: {  	_ =	shalt  }
0x61: {  	_ =	shalt  }
0x62: {  	_ =	shalt  }
0x63: {  	_ =	shalt  }
0x64: {  	_ =	shalt  }
0x65: {  	_ =	shalt  }
0x66: {  	_ =	shalt  }
0x67: {  	_ =	shalt  }
0x68: {  	_ =	shalt  }
0x69: {  	_ =	shalt  }
0x6a: {  	_ =	shalt  }
0x6b: {  	_ =	shalt  }
0x6c: {  	_ =	shalt  }
0x6d: {  	_ =	shalt  }
0x6e: {  	_ =	shalt  }
0x6f: {  	_ =	shalt  }
0x70: {  	_ =	shalt  }
0x71: {  	_ =	shalt  }
0x72: {  	_ =	shalt  }
0x73: {  	_ =	shalt  }
0x74: {  	_ =	shalt  }
0x75: {  	_ =	shalt  }
0x76: {  	_ =	shalt  }
0x77: {  	_ =	shalt  }
0x78: {  	_ =	shalt  }
0x79: {  	_ =	shalt  }
0x7a: {  	_ =	shalt  }
0x7b: {  	_ =	shalt  }
0x7c: {  	_ =	shalt  }
0x7d: {  	_ =	shalt  }
0x7e: {  	_ =	shalt  }
0x7f: {  	_ =	shalt  }
0x80: {  	_ =	shalt  }
0x81: {  	_ =	shalt  }
0x82: {  	_ =	shalt  }
0x83: {  	_ =	shalt  }
0x84: {  	_ =	shalt  }
0x85: {  	_ =	shalt  }
0x86: {  	_ =	shalt  }
0x87: {  	_ =	shalt  }
.Lfunc_end0:
.L_simem_size_0:
called_computation_lowered:
.L_overlay_start_0:
0x88: {  	s2 =	sld [smem:$0x3FD9]  }
0x89: {  	s3 =	sld [smem:$0x3FFE];
	_ =	sdelay $0x1  }
0x8a: {  	s1 =	srdreg.scid  }
0x8b: {  	s0 =	sand.u32 $0x1, s1  }
0x8c: {  	s17 =	sshll.u32 s0, $0xA;
	s2 =	sadd.s32 s3, s2  }
0x8d: {  	s2 =	sadd.s32 s2, s17  }
0x8e: {  	[smem:$0x3FC2] =	sst s2  }
0x8f: {  	_ = 	snop  }
0x90: {  	s2 =	sld [smem:$0x3FD0];
	(tm) =	ssettm $0x1  }
0x91: {  	s18 =	sld [smem:$0x3FFB];
	_ =	sdelay $0x3  }
0x92: {  	_ =	strace s18  }
0x93: {  	s3 =	sld [smem:$0x3FFC];
	_ =	sdelay $0x3  }
0x94: {  	_ =	strace s3  }
0x95: {  	s3 =	sld [smem:$0x3FFD];
	_ =	sdelay $0x3  }
0x96: {  	_ =	strace s3  }
0x97: {  	_ =	strace $0x8FFFFFFF  }
0x98: {  	s19 =	sld [smem:$0x3FDB];
	_ =	sdelay $0x1  }
0x99: {  	s4 =	simm.s32 $_scs_section_size  }
0x9a: {  	s5 =	simm.s32 $_size__tile_overlayer_lowered;
	s6 =	simm.s32 $_tile_overlayer_lowered  }
0x9b: {  	s22 =	simm.s32 $0x1BFF;
	s21 =	sshll.u32 s6, $0x1;
	s3 =	sadd.s32 s4, s19  }
0x9c: {  	s7 =	simm.s32 $0x0;
	s20 =	sshll.u32 s5, $0x1;
	s5 =	sadd.s32 s21, s3  }
0x9d: {  	[timem:s7], [sflag:s22] =	dma.local [hbm:s5], s20  }
0x9e: {  	_ =	swait.ge [sflag:s22], s20  }
0x9f: {  	s4 =	ssub.s32 $0x0, s20;
	[sflag:s22] =	ssyncset.done $0x0  }
0xa0: {  	[sflag:s22] =	ssyncadd.s32 s4;
	_ =	sdelay $0x1  }
0xa1: {  	s23 =	simm.s32 $0x1B8B  }
0xa2: {  	_ =	swait.ge [sflag:s23], $0x1  }
0xa3: {  	[sflag:s23] =	ssyncset.done $0x0  }
0xa4: {  	s25 =	simm.s32 $0x1B8E;
	s24 =	sld [smem:$0x3FFE];
	[sflag:s23] =	ssyncadd.s32 $0xFFFFFFFF  }
0xa5: {  	s26 =	simm.s32 $execute0_lowered;
	[smem:$0x3FD2] =	sst s25  }
0xa6: {  	s5 =	sshll.u32 s26, $0x1;
	_ =	strace $0x80000046;
	[dreg:$0x1] =	wrdreg $0xFFFFFFFF  }
0xa7: {  	s28 =	simm.s32 $_size_execute0_lowered;
	s3 =	sadd.s32 s3, s5;
	[dreg:$0x0] =	wrdreg $0x0  }
0xa8: {  	s5 =	sshll.u32 s28, $0x1;
	[dreg:$0x2] =	wrdreg s3  }
0xa9: {  	[dreg:$0x3] =	wrdreg s5  }
0xaa: {  	[dreg:$0x4] =	wrdreg $0xC0  }
0xab: {  	_ =	task [dreg:s7], $0x5FFFF  }
0xac: {  	[dreg:$0x1] =	wrdreg $0xFFFFFFFF  }
0xad: {  	[dreg:$0x0] =	wrdreg $0x60  }
0xae: {  	[dreg:$0x2] =	wrdreg s24  }
0xaf: {  	[dreg:$0x3] =	wrdreg s2  }
0xb0: {  	[dreg:$0x4] =	wrdreg $0x9  }
0xb1: {  	_ =	task.clear_ibuf [dreg:s7], $0x5FFFF;
	_ =	strace $0x90000046  }
0xb2: {  	s29 =	simm.s32 $0x9;
	_ =	strace $0x80000048  }
0xb3: {  	_ =	swait.ge [sflag:s29], $0x1  }
0xb4: {  	[sflag:s29] =	ssyncadd.s32 $0xFFFFFFFF  }
0xb5: {  	_ =	strace $0x90000048  }
0xb6: {  	_ =	sfence  }
0xb7: {  	s30 =	sld [smem:$0x0];
	_ =	sdelay $0x2  }
0xb8: {  	s31 =	sshll.u32 s1, $0xD;
	s1 =	sshrl.u32 s1, $0x2  }
0xb9: {  	s3 =	sand.u32 $0x4000, s31;
	s1 =	sadd.s32 s1, s30  }
0xba: {  	s0 =	sor.u32 s3, s0;
	s1 =	sshll.u32 s1, $0x11  }
0xbb: {  	s0 =	sor.u32 s1, s0  }
0xbc: {  	s0 =	sadd.s32 $0x8F2B, s0  }
0xbd: {  	[sflag:s0] =	ssyncadd.remote.s32 $0x1  }
0xbe: {  	_ =	sfence.sel $0xFFFF  }
0xbf: {  	[dreg:$0x0] =	wrdreg $0xFFFFFFFF;
	(pc) =	sbr.abs _section_cstart, $3  }
0xc0: {  	[dreg:$0x1] =	wrdreg $0xFFFFFFFF  }
0xc1: {  	_ =	task.clear_ibuf [dreg:s7], $0x2FFFF;
	_ =	strace $0x9FFFFFFF  }
0xc2: {  	(tm) =	ssettm $0x7FFFFFFF  }
0xc3: {  	_ =	shalt  }
tec
execute0_lowered:
.L_overlay_start_1:
0x0: {  	(tag) =	ssettag $0x1  }
0x1: {  	s4 =	rddreg [dreg:$0x0];
	s2 =	srdreg.scid  }
0x2: {  	s1 =	rddreg [dreg:$0x1];
	s5 =	sand.u32 $0x1, s2  }
0x3: {  	s2 =	stileid.u32;
	s6 =	smul.u32 $0x188000, s5  }
0x4: {  	s0 =	rddreg [dreg:$0x2];
	s3 =	simm.s32 $0x0;
	s7 =	smul.u32 $0x18800, s2  }
0x5: {  	[smem:$0x7FF] =	sst s3;
	s10 =	sadd.s32 $0x3200, s4;
	s8 =	smul.u32 $0x624, s2  }
0x6: {  	_ =	strace $0x80000047;
	s28 =	sshll.u32 s2, $0x1;
	s9 =	smul.u32 $0x312, s5  }
0x7: {  	s6 =	sadd.s32 s7, s6;
	s7 =	sor.u32 s5, s28;
	s5 =	ssub.s32 $0x2, s5  }
0x8: {  	s8 =	sadd.s32 s9, s8;
	s9 =	simm.s32 $0x2;
	s6 =	sshrl.u32 s6, $0x3  }
0x9: {  	s7 =	smul.u32 $0x3120, s7;
	s29 =	sshrl.u32 s5, $0x1;
	s8 =	sshll.u32 s8, $0x4  }
0xa: {  	s6 =	sadd.s32 s6, s4;
	s30 =	ssub.s32 s5, s29;
	s31 =	sadd.s32 s10, s8  }
0xb: {  	s8 =	simm.s32 $0x600;
	s4 =	sadd.s32 s10, s7;
	s5 =	sadd.s32 $0x65600, s6  }
0xc: {  	v0 =	vimm.f32 $1.000000000e+00;
	s6 =	smax.u32 s30, $0x1;
	s7 =	sadd.s32 $0x60, s31;
	s10 =	simm.s32 $0x0  }
.LBB2_1:
0xd: {  	[tilespmem:s8], [sflag:$0x2] =	stream.linear.gather [hbm4b:s1+s3], $0x18800, $0x38;
	[tilespmem:$0x18E00] =	vst v63  }
0xe: {  	_ =	swait.ge [sflag:s9], $0x18800  }
0xf: {  	[sflag:s9] =	ssyncset.done $0x0  }
0x10: {  	[sflag:s9] =	ssyncadd.s32 $0xFFFE7800  }
0x11: {  	[tilespmem:s3], [sflag:$0x2] =	stream.linear.gather [hbm4b:s4+s3], $0x300, $0x38;
	[tilespmem:$0x18E00] =	vst v63  }
0x12: {  	_ =	swait.ge [sflag:s9], $0x300  }
0x13: {  	[sflag:s9] =	ssyncset.done $0x0  }
0x14: {  	s11 =	smov.u32 s7;
	s12 =	simm.s32 $0x0;
	[sflag:s9] =	ssyncadd.s32 $0xFFFFFD00  }
.LBB2_2:
0x15: {  	s13 =	sand.u32 $0x1, s12;
	p0 =	seq.s32 s12, $0x82  }
0x16: {  	s14 =	sxor.u32 @!p0 $0x1, s13;
	s13 =	smul.u32 $0xC00, s13  }
0x17: {  	s14 =	smul.u32 @!p0 $0xC00, s14;
	_ =	sdelay $0x1  }
0x18: {  	s15 =	simm.s32 @!p0 $0x0;
	s13 =	sshrl.u32 s13, $0x2;
	s14 =	sshrl.u32 @!p0 s14, $0x2  }
0x19: {  	[tilespmem:s14], [sflag:$0x1] =	stream.linear.gather @!p0 [hbm4b:s11+s15], $0x300, $0x38;
	[tilespmem:$0x18E00] =	vst v63  }
0x1a: {  	v1 =	vld [tilespmem:s13+$0x0];
	_ =	sdelay $0x7  }
0x1b: {  	[tilespmem:v1+s8+$0x0] =	vst.idx.add.f32.msk $0xffff, v0  }
0x1c: {  	v1 =	vld [tilespmem:s13+$0x10];
	_ =	sdelay $0x7  }
0x1d: {  	[tilespmem:v1+s8+$0x0] =	vst.idx.add.f32.msk $0xffff, v0  }
0x1e: {  	v1 =	vld [tilespmem:s13+$0x20];
	_ =	sdelay $0x7  }
0x1f: {  	[tilespmem:v1+s8+$0x0] =	vst.idx.add.f32.msk $0xffff, v0  }
0x20: {  	v1 =	vld [tilespmem:s13+$0x30];
	_ =	sdelay $0x7  }
0x21: {  	[tilespmem:v1+s8+$0x0] =	vst.idx.add.f32.msk $0xffff, v0  }
0x22: {  	v1 =	vld [tilespmem:s13+$0x40];
	_ =	sdelay $0x7  }
0x23: {  	[tilespmem:v1+s8+$0x0] =	vst.idx.add.f32.msk $0xffff, v0  }
0x24: {  	v1 =	vld [tilespmem:s13+$0x50];
	_ =	sdelay $0x7  }
0x25: {  	[tilespmem:v1+s8+$0x0] =	vst.idx.add.f32.msk $0xffff, v0  }
0x26: {  	v1 =	vld [tilespmem:s13+$0x60];
	_ =	sdelay $0x7  }
0x27: {  	[tilespmem:v1+s8+$0x0] =	vst.idx.add.f32.msk $0xffff, v0  }
0x28: {  	v1 =	vld [tilespmem:s13+$0x70];
	_ =	sdelay $0x7  }
0x29: {  	[tilespmem:v1+s8+$0x0] =	vst.idx.add.f32.msk $0xffff, v0  }
0x2a: {  	v1 =	vld [tilespmem:s13+$0x80];
	_ =	sdelay $0x7  }
0x2b: {  	[tilespmem:v1+s8+$0x0] =	vst.idx.add.f32.msk $0xffff, v0  }
0x2c: {  	v1 =	vld [tilespmem:s13+$0x90];
	_ =	sdelay $0x7  }
0x2d: {  	[tilespmem:v1+s8+$0x0] =	vst.idx.add.f32.msk $0xffff, v0  }
0x2e: {  	v1 =	vld [tilespmem:s13+$0xA0];
	_ =	sdelay $0x7  }
0x2f: {  	[tilespmem:v1+s8+$0x0] =	vst.idx.add.f32.msk $0xffff, v0  }
0x30: {  	v1 =	vld [tilespmem:s13+$0xB0];
	_ =	sdelay $0x7  }
0x31: {  	[tilespmem:v1+s8+$0x0] =	vst.idx.add.f32.msk $0xffff, v0  }
0x32: {  	v1 =	vld [tilespmem:s13+$0xC0];
	_ =	sdelay $0x7  }
0x33: {  	[tilespmem:v1+s8+$0x0] =	vst.idx.add.f32.msk $0xffff, v0  }
0x34: {  	v1 =	vld [tilespmem:s13+$0xD0];
	_ =	sdelay $0x7  }
0x35: {  	[tilespmem:v1+s8+$0x0] =	vst.idx.add.f32.msk $0xffff, v0  }
0x36: {  	v1 =	vld [tilespmem:s13+$0xE0];
	_ =	sdelay $0x7  }
0x37: {  	[tilespmem:v1+s8+$0x0] =	vst.idx.add.f32.msk $0xffff, v0  }
0x38: {  	v1 =	vld [tilespmem:s13+$0xF0];
	_ =	sdelay $0x7  }
0x39: {  	[tilespmem:v1+s8+$0x0] =	vst.idx.add.f32.msk $0xffff, v0  }
0x3a: {  	v1 =	vld [tilespmem:s13+$0x100];
	_ =	sdelay $0x7  }
0x3b: {  	[tilespmem:v1+s8+$0x0] =	vst.idx.add.f32.msk $0xffff, v0  }
0x3c: {  	v1 =	vld [tilespmem:s13+$0x110];
	_ =	sdelay $0x7  }
0x3d: {  	[tilespmem:v1+s8+$0x0] =	vst.idx.add.f32.msk $0xffff, v0  }
0x3e: {  	v1 =	vld [tilespmem:s13+$0x120];
	_ =	sdelay $0x7  }
0x3f: {  	[tilespmem:v1+s8+$0x0] =	vst.idx.add.f32.msk $0xffff, v0  }
0x40: {  	v1 =	vld [tilespmem:s13+$0x130];
	_ =	sdelay $0x7  }
0x41: {  	[tilespmem:v1+s8+$0x0] =	vst.idx.add.f32.msk $0xffff, v0  }
0x42: {  	v1 =	vld [tilespmem:s13+$0x140];
	_ =	sdelay $0x7  }
0x43: {  	[tilespmem:v1+s8+$0x0] =	vst.idx.add.f32.msk $0xffff, v0  }
0x44: {  	v1 =	vld [tilespmem:s13+$0x150];
	_ =	sdelay $0x7  }
0x45: {  	[tilespmem:v1+s8+$0x0] =	vst.idx.add.f32.msk $0xffff, v0  }
0x46: {  	v1 =	vld [tilespmem:s13+$0x160];
	_ =	sdelay $0x7  }
0x47: {  	[tilespmem:v1+s8+$0x0] =	vst.idx.add.f32.msk $0xffff, v0  }
0x48: {  	v1 =	vld [tilespmem:s13+$0x170];
	_ =	sdelay $0x7  }
0x49: {  	[tilespmem:v1+s8+$0x0] =	vst.idx.add.f32.msk $0xffff, v0  }
0x4a: {  	v1 =	vld [tilespmem:s13+$0x180];
	_ =	sdelay $0x7  }
0x4b: {  	[tilespmem:v1+s8+$0x0] =	vst.idx.add.f32.msk $0xffff, v0  }
0x4c: {  	v1 =	vld [tilespmem:s13+$0x190];
	_ =	sdelay $0x7  }
0x4d: {  	[tilespmem:v1+s8+$0x0] =	vst.idx.add.f32.msk $0xffff, v0  }
0x4e: {  	v1 =	vld [tilespmem:s13+$0x1A0];
	_ =	sdelay $0x7  }
0x4f: {  	[tilespmem:v1+s8+$0x0] =	vst.idx.add.f32.msk $0xffff, v0  }
0x50: {  	v1 =	vld [tilespmem:s13+$0x1B0];
	_ =	sdelay $0x7  }
0x51: {  	[tilespmem:v1+s8+$0x0] =	vst.idx.add.f32.msk $0xffff, v0  }
0x52: {  	v1 =	vld [tilespmem:s13+$0x1C0];
	_ =	sdelay $0x7  }
0x53: {  	[tilespmem:v1+s8+$0x0] =	vst.idx.add.f32.msk $0xffff, v0  }
0x54: {  	v1 =	vld [tilespmem:s13+$0x1D0];
	_ =	sdelay $0x7  }
0x55: {  	[tilespmem:v1+s8+$0x0] =	vst.idx.add.f32.msk $0xffff, v0  }
0x56: {  	v1 =	vld [tilespmem:s13+$0x1E0];
	_ =	sdelay $0x7  }
0x57: {  	[tilespmem:v1+s8+$0x0] =	vst.idx.add.f32.msk $0xffff, v0  }
0x58: {  	v1 =	vld [tilespmem:s13+$0x1F0];
	_ =	sdelay $0x7  }
0x59: {  	[tilespmem:v1+s8+$0x0] =	vst.idx.add.f32.msk $0xffff, v0  }
0x5a: {  	v1 =	vld [tilespmem:s13+$0x200];
	_ =	sdelay $0x7  }
0x5b: {  	[tilespmem:v1+s8+$0x0] =	vst.idx.add.f32.msk $0xffff, v0  }
0x5c: {  	v1 =	vld [tilespmem:s13+$0x210];
	_ =	sdelay $0x7  }
0x5d: {  	[tilespmem:v1+s8+$0x0] =	vst.idx.add.f32.msk $0xffff, v0  }
0x5e: {  	v1 =	vld [tilespmem:s13+$0x220];
	_ =	sdelay $0x7  }
0x5f: {  	[tilespmem:v1+s8+$0x0] =	vst.idx.add.f32.msk $0xffff, v0  }
0x60: {  	v1 =	vld [tilespmem:s13+$0x230];
	_ =	sdelay $0x7  }
0x61: {  	[tilespmem:v1+s8+$0x0] =	vst.idx.add.f32.msk $0xffff, v0  }
0x62: {  	v1 =	vld [tilespmem:s13+$0x240];
	_ =	sdelay $0x7  }
0x63: {  	[tilespmem:v1+s8+$0x0] =	vst.idx.add.f32.msk $0xffff, v0  }
0x64: {  	v1 =	vld [tilespmem:s13+$0x250];
	_ =	sdelay $0x7  }
0x65: {  	[tilespmem:v1+s8+$0x0] =	vst.idx.add.f32.msk $0xffff, v0  }
0x66: {  	v1 =	vld [tilespmem:s13+$0x260];
	_ =	sdelay $0x7  }
0x67: {  	[tilespmem:v1+s8+$0x0] =	vst.idx.add.f32.msk $0xffff, v0  }
0x68: {  	v1 =	vld [tilespmem:s13+$0x270];
	_ =	sdelay $0x7  }
0x69: {  	[tilespmem:v1+s8+$0x0] =	vst.idx.add.f32.msk $0xffff, v0  }
0x6a: {  	v1 =	vld [tilespmem:s13+$0x280];
	_ =	sdelay $0x7  }
0x6b: {  	[tilespmem:v1+s8+$0x0] =	vst.idx.add.f32.msk $0xffff, v0  }
0x6c: {  	v1 =	vld [tilespmem:s13+$0x290];
	_ =	sdelay $0x7  }
0x6d: {  	[tilespmem:v1+s8+$0x0] =	vst.idx.add.f32.msk $0xffff, v0  }
0x6e: {  	v1 =	vld [tilespmem:s13+$0x2A0];
	_ =	sdelay $0x7  }
0x6f: {  	[tilespmem:v1+s8+$0x0] =	vst.idx.add.f32.msk $0xffff, v0  }
0x70: {  	v1 =	vld [tilespmem:s13+$0x2B0];
	_ =	sdelay $0x7  }
0x71: {  	[tilespmem:v1+s8+$0x0] =	vst.idx.add.f32.msk $0xffff, v0  }
0x72: {  	v1 =	vld [tilespmem:s13+$0x2C0];
	_ =	sdelay $0x7  }
0x73: {  	[tilespmem:v1+s8+$0x0] =	vst.idx.add.f32.msk $0xffff, v0  }
0x74: {  	v1 =	vld [tilespmem:s13+$0x2D0];
	_ =	sdelay $0x7  }
0x75: {  	[tilespmem:v1+s8+$0x0] =	vst.idx.add.f32.msk $0xffff, v0  }
0x76: {  	v1 =	vld [tilespmem:s13+$0x2E0];
	_ =	sdelay $0x7  }
0x77: {  	[tilespmem:v1+s8+$0x0] =	vst.idx.add.f32.msk $0xffff, v0  }
0x78: {  	v1 =	vld [tilespmem:s13+$0x2F0];
	_ =	sdelay $0x3  }
0x79: {  	s12 =	sadd.s32 $0x1, s12  }
0x7a: {  	p1 =	sne.s32 @!p0 s12, $0x83  }
0x7b: {  	p1 =	por p0, !p1  }
.Ltmp0:
0x7c: {  	_ = 	snop;
	(pc) =	sbr.rel @!p1 .LBB2_2-.Ltmp0, $4  }
0x7d: {  	s13 =	simm.s32 @!p0 $0x1;
	[tilespmem:v1+s8+$0x0] =	vst.idx.add.f32.msk $0xffff, v0  }
0x7e: {  	_ =	swait.ge @!p0 [sflag:s13], $0x300  }
0x7f: {  	[sflag:s13] =	ssyncset.done @!p0 $0x0  }
0x80: {  	s11 =	sadd.s32 @!p0 $0x60, s11;
	[sflag:s13] =	ssyncadd.s32 @!p0 $0xFFFFFD00  }
0x81: {  	s10 =	sadd.s32 $0x1, s10  }
0x82: {  	p0 =	sne.s32 s10, s6  }
.Ltmp1:
0x83: {  	_ = 	snop;
	(pc) =	sbr.rel @p0 .LBB2_1-.Ltmp1, $4  }
0x84: {  	[hbm4b:s5+s3] =	stream.linear.scatter [tilespmem:s8], [sflag:$0x2], $0x18800, $0x38;
	[tilespmem:$0x18E00] =	vst v63  }
0x85: {  	_ =	swait.ge [sflag:s9], $0x18800  }
0x86: {  	[sflag:s9] =	ssyncset.done $0x0  }
0x87: {  	[sflag:s9] =	ssyncadd.s32 $0xFFFE7800  }
0x88: {  	_ =	sfence.sel $0x180000  }
0x89: {  	[bflag:$0x0] =	sbarrier.arrive $0xFFFF  }
0x8a: {  	p0 =	sne.s32 s2, $0x0;
	_ =	strace $0x90000047  }
0x8b: {  	s0 =	sadd.s32 @!p0 $0x100000, s0;
	[bflag:$0x2] =	sbarrier.arrive $0xFFFF  }
0x8c: {  	[sflag:s0] =	ssyncadd.tile.s32 @!p0 $0x1;
	_ =	shalt  }
.Lfunc_end2:
_tile_overlayer_lowered:
.L_overlay_start_2:
0x8d: {  	(tag) =	ssettag $0x2  }
0x8e: {  	s0 =	rddreg [dreg:$0x0];
	s2 =	stileid.u32  }
0x8f: {  	s1 =	rddreg [dreg:$0x1];
	p0 =	sne.s32 s2, $0x0  }
0x90: {  	s3 =	rddreg [dreg:$0x2];
	[bflag:$0x3] =	sbarrier.arrive $0xFFFF;
	s2 =	simm.s32 @!p0 $0x1C02  }
0x91: {  	[timem:s3], [sflag:s2] =	dma.local @!p0 [hbm:s0], s1  }
0x92: {  	s0 =	simm.s32 @!p0 $0x2  }
0x93: {  	_ =	swait.ge @!p0 [sflag:s0], s1  }
0x94: {  	s1 =	ssub.s32 @!p0 $0x0, s1;
	[sflag:s0] =	ssyncset.done @!p0 $0x0  }
0x95: {  	[sflag:s0] =	ssyncadd.s32 @!p0 s1  }
0x96: {  	[bflag:$0x3] =	sbarrier.arrive $0xFFFF  }
0x97: {  	_ =	shalt  }

</sc_bundles>
